<compile_context>
chip_gen: v7x
topology: tpu7x:2x2x1
jax: 0.10.2.dev20260603
libtpu: 0.0.44.dev20260713+nightly
codegen_flags: <defaults>
</compile_context>

<pallas_src>
import jax
import jax.numpy as jnp
from jax import lax
from jax.experimental import pallas as pl
from jax.experimental.pallas import tpu as pltpu
from jax.experimental.pallas import tpu_sc as plsc

PAD = 1
B = 4
S = 8192
D = 64
NCORES = 2
NSUB = 16
NW = NCORES * NSUB
CHUNK = (B * S) // NW
CPR = S // CHUNK
ROWS_PER_CORE = B // NCORES
NVREG = CHUNK // 16
IDX_W = 128
NGATHER = CHUNK // IDX_W


def _body(tok_hbm, tab_hbm, out_hbm, tok_v, pos_v, aloc_v, mask_v, rows_v,
          trans_v, tot_v, grp_v, shared_tot, sem):
    c = lax.axis_index("c")
    s = lax.axis_index("s")
    row = c * ROWS_PER_CORE + s // CPR
    cir = s % CPR
    off = cir * CHUNK

    pltpu.sync_copy(tok_hbm.at[pl.ds(cir * (CHUNK // 128), CHUNK // 128),
                               pl.ds(row, 1), :], tok_v)

    pad_v = jnp.broadcast_to(jnp.int32(PAD), (16,))

    def p1_body(i, run):
        t = tok_v[i // 8, 0, pl.ds((i % 8) * 16, 16)]
        m = (t != pad_v).astype(jnp.int32)
        cum = plsc.cumsum(m) + jnp.broadcast_to(run, (16,))
        aloc_v[pl.ds(i * 16, 16)] = cum * m
        mask_v[pl.ds(i * 16, 16)] = m
        return run + jnp.sum(m)

    run = lax.fori_loop(0, NVREG, p1_body, jnp.int32(0))
    tot_v[...] = jnp.broadcast_to(run, (16,))
    pltpu.sync_copy(tot_v, shared_tot.at[s])
    plsc.subcore_barrier()

    grp_base = (s // CPR) * CPR
    pltpu.sync_copy(shared_tot.at[pl.ds(grp_base, CPR)], grp_v)
    offset = jnp.int32(0)
    for j in range(CPR):
        tj = jnp.max(grp_v[j, :])
        offset = offset + jnp.where(j < cir, tj, jnp.int32(0))

    off_v = jnp.broadcast_to(offset, (16,))

    def p2_body(i, c2):
        a = aloc_v[pl.ds(i * 16, 16)]
        m = mask_v[pl.ds(i * 16, 16)]
        pos = a + off_v * m + pad_v
        pos_v[i // (IDX_W // 16), pl.ds((i % (IDX_W // 16)) * 16, 16)] = pos
        return c2

    lax.fori_loop(0, NVREG, p2_body, jnp.int32(0))

    handles = [
        pltpu.async_copy(tab_hbm.at[pos_v.at[j]],
                         rows_v.at[pl.ds(j * IDX_W, IDX_W)], sem)
        for j in range(NGATHER)
    ]
    for h in handles:
        h.wait()

    row_iota = lax.iota(jnp.int32, 16)

    st0 = cir * (CHUNK // 128)
    nst = CHUNK // 128

    def q_body(q, carry):
        p = q % 2
        @pl.when(q >= 2)
        def _():
            for _k in range(16):
                pltpu.make_async_copy(
                    trans_v.at[pl.ds(0, 8), pl.ds(0, 128)],
                    out_hbm.at[row, 0, st0, :, :],
                    sem).wait()
        idx0_v = row_iota + jnp.broadcast_to(p * 16, (16,))

        def g_body(g, c2):
            s0 = g * 8
            vals = [rows_v[s0 + k, pl.ds(q * 16, 16)] for k in range(8)]
            for k in range(8):
                idx1_v = jnp.broadcast_to(s0 + k, (16,))
                plsc.store_scatter(trans_v, [idx0_v, idx1_v], vals[k])
            return c2

        lax.fori_loop(0, CHUNK // 8, g_body, jnp.int32(0))
        for etp in range(2):
            for st in range(nst):
                pltpu.async_copy(
                    trans_v.at[pl.ds(p * 16 + etp * 8, 8),
                               pl.ds(st * 128, 128)],
                    out_hbm.at[row, 2 * q + etp, st0 + st, :, :],
                    sem)
        return carry

    lax.fori_loop(0, D // 16, q_body, jnp.int32(0))
    for _k in range(32):
        pltpu.make_async_copy(
            trans_v.at[pl.ds(0, 8), pl.ds(0, 128)],
            out_hbm.at[row, 0, pl.ds(st0, 8), :, :].at[0],
            sem).wait()


def kernel(tokens, embed_table):
    tok = (tokens.astype(jnp.int32)
           .reshape(B, S // 128, 128).transpose(1, 0, 2))
    mesh = plsc.VectorSubcoreMesh(core_axis_name="c", subcore_axis_name="s")
    run_k = pl.kernel(
        _body,
        mesh=mesh,
        compiler_params=pltpu.CompilerParams(
            use_tc_tiling_on_sc=False, needs_layout_passes=False),
        out_type=jax.ShapeDtypeStruct((B, D // 8, S // 128, 8, 128),
                                      jnp.float32),
        scratch_types=[
            pltpu.VMEM((CHUNK // 128, 1, 128), jnp.int32),
            pltpu.VMEM((NGATHER, IDX_W), jnp.int32),
            pltpu.VMEM((CHUNK,), jnp.int32),
            pltpu.VMEM((CHUNK,), jnp.int32),
            pltpu.VMEM((CHUNK, D), jnp.float32),
            pltpu.VMEM((32, CHUNK + 1), jnp.float32),
            pltpu.VMEM((16,), jnp.int32),
            pltpu.VMEM((CPR, 16), jnp.int32),
            pltpu.VMEM_SHARED((NSUB, 16), jnp.int32),
            pltpu.SemaphoreType.DMA,
        ],
    )
    out5 = run_k(tok, embed_table)
    return out5.transpose(0, 2, 4, 1, 3).reshape(B, S, D)

# --- scband reference (transcript-rebuilt; emitter-appended) ---
"""Pipeline reference for scband-learned-positional-embeddings-39814346834395 (READ-ONLY COPY).

The authoritative reference and input builder live on the scoring server;
editing this copy changes nothing except your own understanding.
"""

import jax, jax.numpy as jnp
import numpy as np

VOCAB_SIZE = 8192
EMBED_DIM = 64
PADDING_IDX = 1
BATCH = 4
SEQ_LEN = 8192


def setup_inputs(seed: int = 0) -> dict:
    key = jax.random.key(seed)
    k_tok, k_emb = jax.random.split(key)
    tokens = jax.random.randint(k_tok, (BATCH, SEQ_LEN), 0, 32000, dtype=jnp.int32).astype(jnp.int64)
    # hk.Embed(vocab_size + padding_idx + 1, embed_dim) -> table of shape [8194, 64]
    n_rows = VOCAB_SIZE + PADDING_IDX + 1
    embed_table = jax.random.normal(k_emb, (n_rows, EMBED_DIM), dtype=jnp.float32) * 0.02
    return {"tokens": tokens, "embed_table": embed_table}


def reference(tokens, embed_table):
    # mask of non-padding tokens
    mask = tokens != PADDING_IDX
    # positions: cumulative count of non-pad tokens, zeroed at pad, offset by padding_idx
    positions = jnp.cumsum(mask, axis=1) * mask + PADDING_IDX
    # embedding gather (hk.Embed lookup)
    out = jnp.take(embed_table, positions, axis=0)
    return out


if False:  # reference __main__ guard neutralized (emitter)
    inp = setup_inputs()
    out = reference(**inp)
    print(out.shape, out.dtype)

if __name__ == "__main__":
    import jax
    _d = setup_inputs()
    print(jax.jit(kernel)(*tuple(_d.values())))

</pallas_src>

<mosaic_0001>
#map = affine_map<(d0, d1) -> (0, 0, 0)>
#map1 = affine_map<(d0, d1) -> (0, 0)>
#map2 = affine_map<(d0, d1) -> (0, 0, 0, 0, 0)>
module attributes {stable_mosaic.version = 14 : i64} {
  func.func @_body(%arg0: i32, %arg1: i32, %arg2: memref<64x4x128xi32, #tpu.memory_space<hbm>>, %arg3: memref<8194x64xf32, #tpu.memory_space<hbm>>, %arg4: memref<4x8x64x8x128xf32, #tpu.memory_space<hbm>>, %arg5: memref<8x1x128xi32, #tpu.memory_space<vmem>>, %arg6: memref<8x128xi32, #tpu.memory_space<vmem>>, %arg7: memref<1024xi32, #tpu.memory_space<vmem>>, %arg8: memref<1024xi32, #tpu.memory_space<vmem>>, %arg9: memref<1024x64xf32, #tpu.memory_space<vmem>>, %arg10: memref<32x1025xf32, #tpu.memory_space<vmem>>, %arg11: memref<16xi32, #tpu.memory_space<vmem>>, %arg12: memref<8x16xi32, #tpu.memory_space<vmem>>, %arg13: memref<16x16xi32, #tpu.memory_space<vmem_shared>>, %arg14: memref<!tpu.dma_semaphore, #tpu.memory_space<semaphore_mem>>) attributes {dimension_semantics = [#tpu.dimension_semantics<core_parallel>, #tpu.dimension_semantics<subcore_parallel>], iteration_bounds = array<i64: 2, 16>, scalar_prefetch = 0 : i64, scratch_operands = 10 : i64, tpu.core_type = #tpu.core_type<sc_vector_subcore>, window_params = [{transform_indices = #map}, {transform_indices = #map1}, {transform_indices = #map2}]} {
    %mul3A = arith.constant 2 : i32
    %mul3A_0 = arith.muli %arg0, %mul3A : i32
    %jit3A = arith.constant 8 : i32
    %div3A = arith.divsi %arg1, %jit3A : i32
    %sign3A = arith.constant 0 : i32
    %sign3A_1 = arith.cmpi sgt, %arg1, %sign3A : i32
    %sign3A_2 = arith.extui %sign3A_1 : i1 to i32
    %sign3A_3 = arith.constant 0 : i32
    %sign3A_4 = arith.cmpi slt, %arg1, %sign3A_3 : i32
    %sign3A_5 = arith.extui %sign3A_4 : i1 to i32
    %sign3A_6 = arith.subi %sign3A_2, %sign3A_5 : i32
    %sign3A_7 = arith.constant 0 : i32
    %sign3A_8 = arith.cmpi sgt, %jit3A, %sign3A_7 : i32
    %sign3A_9 = arith.extui %sign3A_8 : i1 to i32
    %sign3A_10 = arith.constant 0 : i32
    %sign3A_11 = arith.cmpi slt, %jit3A, %sign3A_10 : i32
    %sign3A_12 = arith.extui %sign3A_11 : i1 to i32
    %sign3A_13 = arith.subi %sign3A_9, %sign3A_12 : i32
    %ne3A = arith.cmpi ne, %sign3A_6, %sign3A_13 : i32
    %rem3A = arith.remsi %arg1, %jit3A : i32
    %ne3A_14 = arith.constant 0 : i32
    %ne3A_15 = arith.cmpi ne, %rem3A, %ne3A_14 : i32
    %and3A = arith.andi %ne3A, %ne3A_15 : i1
    %sub3A = arith.constant 1 : i32
    %sub3A_16 = arith.subi %div3A, %sub3A : i32
    %select_n3A = arith.select %and3A, %sub3A_16, %div3A : i32
    %add3A = arith.addi %mul3A_0, %select_n3A : i32
    %jit3A_17 = arith.constant 8 : i32
    %eq3A = arith.constant 0 : i32
    %eq3A_18 = arith.cmpi eq, %jit3A_17, %eq3A : i32
    %jit3A_19 = arith.constant 1 : i32
    %select_n3A_20 = arith.select %eq3A_18, %jit3A_19, %jit3A_17 : i32
    %rem3A_21 = arith.remsi %arg1, %select_n3A_20 : i32
    %ne3A_22 = arith.constant 0 : i32
    %ne3A_23 = arith.cmpi ne, %rem3A_21, %ne3A_22 : i32
    %lt3A = arith.constant 0 : i32
    %lt3A_24 = arith.cmpi slt, %rem3A_21, %lt3A : i32
    %lt3A_25 = arith.constant 0 : i32
    %lt3A_26 = arith.cmpi slt, %select_n3A_20, %lt3A_25 : i32
    %ne3A_27 = arith.xori %lt3A_24, %lt3A_26 : i1
    %and3A_28 = arith.andi %ne3A_27, %ne3A_23 : i1
    %add3A_29 = arith.addi %rem3A_21, %select_n3A_20 : i32
    %select_n3A_30 = arith.select %and3A_28, %add3A_29, %rem3A_21 : i32
    %mul3A_31 = arith.constant 1024 : i32
    %mul3A_32 = arith.muli %select_n3A_30, %mul3A_31 : i32
    %mul3A_33 = arith.constant 8 : i32
    %mul3A_34 = arith.muli %select_n3A_30, %mul3A_33 : i32
    "tpu.region"() ({
      %run_scoped3A = tpu.sem_alloc : memref<!tpu.dma_semaphore, #tpu.memory_space<semaphore_mem>>
      %dma_start3A_1145 = arith.constant 0 : i32
      %dma_start3A_1146 = tpu.memref_slice %arg2[%mul3A_34, %add3A, %dma_start3A_1145] : memref<64x4x128xi32, #tpu.memory_space<hbm>> -> memref<8x1x128xi32, #tpu.memory_space<hbm>>
      %dma_start3A_1147 = arith.constant 0 : i32
      %dma_start3A_1148 = tpu.memref_slice %arg2[%mul3A_34, %add3A, %dma_start3A_1147] : memref<64x4x128xi32, #tpu.memory_space<hbm>> -> memref<8x1x128xi32, #tpu.memory_space<hbm>>
      tpu.enqueue_dma source(%dma_start3A_1148 : memref<8x1x128xi32, #tpu.memory_space<hbm>>) target(%arg5 : memref<8x1x128xi32, #tpu.memory_space<vmem>>) target_semaphore(%run_scoped3A : memref<!tpu.dma_semaphore, #tpu.memory_space<semaphore_mem>>)
      %dma_wait3A_1149 = arith.constant 0 : i32
      %dma_wait3A_1150 = tpu.memref_slice %arg2[%mul3A_34, %add3A, %dma_wait3A_1149] : memref<64x4x128xi32, #tpu.memory_space<hbm>> -> memref<8x1x128xi32, #tpu.memory_space<hbm>>
      %dma_wait3A_1151 = arith.constant 0 : i32
      %dma_wait3A_1152 = tpu.memref_slice %arg2[%mul3A_34, %add3A, %dma_wait3A_1151] : memref<64x4x128xi32, #tpu.memory_space<hbm>> -> memref<8x1x128xi32, #tpu.memory_space<hbm>>
      tpu.wait_dma2 semaphore(%run_scoped3A : memref<!tpu.dma_semaphore, #tpu.memory_space<semaphore_mem>>) src(%dma_wait3A_1152 : memref<8x1x128xi32, #tpu.memory_space<hbm>>) dst(%arg5 : memref<8x1x128xi32, #tpu.memory_space<vmem>>)
      tpu.yield
    }) : () -> ()
    %broadcast_in_dim3A = arith.constant 1 : i32
    %broadcast_in_dim3A_35 = vector.broadcast %broadcast_in_dim3A : i32 to vector<16xi32>
    %scan3A = arith.constant 0 : i32
    %scan3A_36 = arith.constant 0 : i32
    %scan3A_37 = arith.constant 64 : i32
    %scan3A_38 = arith.addi %scan3A_36, %scan3A_37 : i32
    %scan3A_39 = arith.constant 1 : i32
    %scan3A_40 = scf.for %scan3A_1145 = %scan3A_36 to %scan3A_38 step %scan3A_39 iter_args(%scan3A_1146 = %scan3A) -> (i32)  : i32 {
      %jit3A_1147 = arith.constant 8 : i32
      %div3A_1148 = arith.divsi %scan3A_1145, %jit3A_1147 : i32
      %sign3A_1149 = arith.constant 0 : i32
      %sign3A_1150 = arith.cmpi sgt, %scan3A_1145, %sign3A_1149 : i32
      %sign3A_1151 = arith.extui %sign3A_1150 : i1 to i32
      %sign3A_1152 = arith.constant 0 : i32
      %sign3A_1153 = arith.cmpi slt, %scan3A_1145, %sign3A_1152 : i32
      %sign3A_1154 = arith.extui %sign3A_1153 : i1 to i32
      %sign3A_1155 = arith.subi %sign3A_1151, %sign3A_1154 : i32
      %sign3A_1156 = arith.constant 0 : i32
      %sign3A_1157 = arith.cmpi sgt, %jit3A_1147, %sign3A_1156 : i32
      %sign3A_1158 = arith.extui %sign3A_1157 : i1 to i32
      %sign3A_1159 = arith.constant 0 : i32
      %sign3A_1160 = arith.cmpi slt, %jit3A_1147, %sign3A_1159 : i32
      %sign3A_1161 = arith.extui %sign3A_1160 : i1 to i32
      %sign3A_1162 = arith.subi %sign3A_1158, %sign3A_1161 : i32
      %ne3A_1163 = arith.cmpi ne, %sign3A_1155, %sign3A_1162 : i32
      %rem3A_1164 = arith.remsi %scan3A_1145, %jit3A_1147 : i32
      %ne3A_1165 = arith.constant 0 : i32
      %ne3A_1166 = arith.cmpi ne, %rem3A_1164, %ne3A_1165 : i32
      %and3A_1167 = arith.andi %ne3A_1163, %ne3A_1166 : i1
      %sub3A_1168 = arith.constant 1 : i32
      %sub3A_1169 = arith.subi %div3A_1148, %sub3A_1168 : i32
      %select_n3A_1170 = arith.select %and3A_1167, %sub3A_1169, %div3A_1148 : i32
      %jit3A_1171 = arith.constant 8 : i32
      %eq3A_1172 = arith.constant 0 : i32
      %eq3A_1173 = arith.cmpi eq, %jit3A_1171, %eq3A_1172 : i32
      %jit3A_1174 = arith.constant 1 : i32
      %select_n3A_1175 = arith.select %eq3A_1173, %jit3A_1174, %jit3A_1171 : i32
      %rem3A_1176 = arith.remsi %scan3A_1145, %select_n3A_1175 : i32
      %ne3A_1177 = arith.constant 0 : i32
      %ne3A_1178 = arith.cmpi ne, %rem3A_1176, %ne3A_1177 : i32
      %lt3A_1179 = arith.constant 0 : i32
      %lt3A_1180 = arith.cmpi slt, %rem3A_1176, %lt3A_1179 : i32
      %lt3A_1181 = arith.constant 0 : i32
      %lt3A_1182 = arith.cmpi slt, %select_n3A_1175, %lt3A_1181 : i32
      %ne3A_1183 = arith.xori %lt3A_1180, %lt3A_1182 : i1
      %and3A_1184 = arith.andi %ne3A_1183, %ne3A_1178 : i1
      %add3A_1185 = arith.addi %rem3A_1176, %select_n3A_1175 : i32
      %select_n3A_1186 = arith.select %and3A_1184, %add3A_1185, %rem3A_1176 : i32
      %mul3A_1187 = arith.constant 16 : i32
      %mul3A_1188 = arith.muli %select_n3A_1186, %mul3A_1187 : i32
      %get3A_1189 = arith.constant 0 : i32
      %get3A_1190 = arith.index_cast %select_n3A_1170 : i32 to index
      %get3A_1191 = arith.index_cast %get3A_1189 : i32 to index
      %get3A_1192 = arith.index_cast %mul3A_1188 : i32 to index
      %get3A_1193 = tpu.vector_load %arg5[%get3A_1190, %get3A_1191, %get3A_1192] {strides = array<i32>} : memref<8x1x128xi32, #tpu.memory_space<vmem>>, vector<16xi32>,
      %ne3A_1194 = arith.cmpi ne, %get3A_1193, %broadcast_in_dim3A_35 : vector<16xi32>
      %convert_element_type3A = arith.extui %ne3A_1194 : vector<16xi1> to vector<16xi32>
      %broadcast_in_dim3A_1195 = arith.constant true
      %broadcast_in_dim3A_1196 = vector.broadcast %broadcast_in_dim3A_1195 : i1 to vector<16xi1>
      %masked_cumsum3A = tpu.scan <sum>, %convert_element_type3A masked %broadcast_in_dim3A_1196 : vector<16xi32>, vector<16xi1> -> vector<16xi32>
      %broadcast_in_dim3A_1197 = vector.broadcast %scan3A_1146 : i32 to vector<16xi32>
      %add3A_1198 = arith.addi %masked_cumsum3A, %broadcast_in_dim3A_1197 : vector<16xi32>
      %mul3A_1199 = arith.muli %add3A_1198, %convert_element_type3A : vector<16xi32>
      %mul3A_1200 = arith.constant 16 : i32
      %mul3A_1201 = arith.muli %scan3A_1145, %mul3A_1200 : i32
      %swap3A_1202 = arith.index_cast %mul3A_1201 : i32 to index
      %swap3A_1203 = tpu.vector_load %arg7[%swap3A_1202] {strides = array<i32>} : memref<1024xi32, #tpu.memory_space<vmem>>, vector<16xi32>,
      tpu.vector_store %arg7[%swap3A_1202], %mul3A_1199 {strides = array<i32>} : memref<1024xi32, #tpu.memory_space<vmem>>, vector<16xi32>,
      %mul3A_1204 = arith.constant 16 : i32
      %mul3A_1205 = arith.muli %scan3A_1145, %mul3A_1204 : i32
      %swap3A_1206 = arith.index_cast %mul3A_1205 : i32 to index
      %swap3A_1207 = tpu.vector_load %arg8[%swap3A_1206] {strides = array<i32>} : memref<1024xi32, #tpu.memory_space<vmem>>, vector<16xi32>,
      tpu.vector_store %arg8[%swap3A_1206], %convert_element_type3A {strides = array<i32>} : memref<1024xi32, #tpu.memory_space<vmem>>, vector<16xi32>,
      %reduce_sum3A = arith.constant true
      %reduce_sum3A_1208 = vector.broadcast %reduce_sum3A : i1 to vector<16xi1>
      %reduce_sum3A_1209 = tpu.scan <sum>, %convert_element_type3A masked %reduce_sum3A_1208 : vector<16xi32>, vector<16xi1> -> vector<16xi32>
      %reduce_sum3A_1210 = vector.extract %reduce_sum3A_1209[15] : i32 from vector<16xi32>
      %add3A_1211 = arith.addi %scan3A_1146, %reduce_sum3A_1210 : i32
      scf.yield %add3A_1211 : i32
    }
    %scan3A_41 = arith.constant 64 : i32
    %broadcast_in_dim3A_42 = vector.broadcast %scan3A_40 : i32 to vector<16xi32>
    %swap3A = arith.constant 0 : index
    %swap3A_43 = tpu.vector_load %arg11[%swap3A] {strides = array<i32>} : memref<16xi32, #tpu.memory_space<vmem>>, vector<16xi32>,
    tpu.vector_store %arg11[%swap3A], %broadcast_in_dim3A_42 {strides = array<i32>} : memref<16xi32, #tpu.memory_space<vmem>>, vector<16xi32>,
    "tpu.region"() ({
      %run_scoped3A = tpu.sem_alloc : memref<!tpu.dma_semaphore, #tpu.memory_space<semaphore_mem>>
      %dma_start3A_1145 = arith.constant 0 : i32
      %dma_start3A_1146 = tpu.memref_slice %arg13[%arg1, %dma_start3A_1145] : memref<16x16xi32, #tpu.memory_space<vmem_shared>> -> memref<1x16xi32, #tpu.memory_space<vmem_shared>>
      %dma_start3A_1147 = tpu.memref_squeeze %dma_start3A_1146 : memref<1x16xi32, #tpu.memory_space<vmem_shared>> -> memref<16xi32, #tpu.memory_space<vmem_shared>>
      %dma_start3A_1148 = arith.constant 0 : i32
      %dma_start3A_1149 = tpu.memref_slice %arg13[%arg1, %dma_start3A_1148] : memref<16x16xi32, #tpu.memory_space<vmem_shared>> -> memref<1x16xi32, #tpu.memory_space<vmem_shared>>
      %dma_start3A_1150 = tpu.memref_squeeze %dma_start3A_1149 : memref<1x16xi32, #tpu.memory_space<vmem_shared>> -> memref<16xi32, #tpu.memory_space<vmem_shared>>
      tpu.enqueue_dma source(%arg11 : memref<16xi32, #tpu.memory_space<vmem>>) target(%dma_start3A_1150 : memref<16xi32, #tpu.memory_space<vmem_shared>>) target_semaphore(%run_scoped3A : memref<!tpu.dma_semaphore, #tpu.memory_space<semaphore_mem>>)
      %dma_wait3A_1151 = arith.constant 0 : i32
      %dma_wait3A_1152 = tpu.memref_slice %arg13[%arg1, %dma_wait3A_1151] : memref<16x16xi32, #tpu.memory_space<vmem_shared>> -> memref<1x16xi32, #tpu.memory_space<vmem_shared>>
      %dma_wait3A_1153 = tpu.memref_squeeze %dma_wait3A_1152 : memref<1x16xi32, #tpu.memory_space<vmem_shared>> -> memref<16xi32, #tpu.memory_space<vmem_shared>>
      %dma_wait3A_1154 = arith.constant 0 : i32
      %dma_wait3A_1155 = tpu.memref_slice %arg13[%arg1, %dma_wait3A_1154] : memref<16x16xi32, #tpu.memory_space<vmem_shared>> -> memref<1x16xi32, #tpu.memory_space<vmem_shared>>
      %dma_wait3A_1156 = tpu.memref_squeeze %dma_wait3A_1155 : memref<1x16xi32, #tpu.memory_space<vmem_shared>> -> memref<16xi32, #tpu.memory_space<vmem_shared>>
      tpu.wait_dma2 semaphore(%run_scoped3A : memref<!tpu.dma_semaphore, #tpu.memory_space<semaphore_mem>>) src(%arg11 : memref<16xi32, #tpu.memory_space<vmem>>) dst(%dma_wait3A_1156 : memref<16xi32, #tpu.memory_space<vmem_shared>>)
      tpu.yield
    }) : () -> ()
    %barrier3A = arith.constant 0 : index
    tpu.barrier barrier_id(%barrier3A)
    %jit3A_44 = arith.constant 8 : i32
    %div3A_45 = arith.divsi %arg1, %jit3A_44 : i32
    %sign3A_46 = arith.constant 0 : i32
    %sign3A_47 = arith.cmpi sgt, %arg1, %sign3A_46 : i32
    %sign3A_48 = arith.extui %sign3A_47 : i1 to i32
    %sign3A_49 = arith.constant 0 : i32
    %sign3A_50 = arith.cmpi slt, %arg1, %sign3A_49 : i32
    %sign3A_51 = arith.extui %sign3A_50 : i1 to i32
    %sign3A_52 = arith.subi %sign3A_48, %sign3A_51 : i32
    %sign3A_53 = arith.constant 0 : i32
    %sign3A_54 = arith.cmpi sgt, %jit3A_44, %sign3A_53 : i32
    %sign3A_55 = arith.extui %sign3A_54 : i1 to i32
    %sign3A_56 = arith.constant 0 : i32
    %sign3A_57 = arith.cmpi slt, %jit3A_44, %sign3A_56 : i32
    %sign3A_58 = arith.extui %sign3A_57 : i1 to i32
    %sign3A_59 = arith.subi %sign3A_55, %sign3A_58 : i32
    %ne3A_60 = arith.cmpi ne, %sign3A_52, %sign3A_59 : i32
    %rem3A_61 = arith.remsi %arg1, %jit3A_44 : i32
    %ne3A_62 = arith.constant 0 : i32
    %ne3A_63 = arith.cmpi ne, %rem3A_61, %ne3A_62 : i32
    %and3A_64 = arith.andi %ne3A_60, %ne3A_63 : i1
    %sub3A_65 = arith.constant 1 : i32
    %sub3A_66 = arith.subi %div3A_45, %sub3A_65 : i32
    %select_n3A_67 = arith.select %and3A_64, %sub3A_66, %div3A_45 : i32
    %mul3A_68 = arith.constant 8 : i32
    %mul3A_69 = arith.muli %select_n3A_67, %mul3A_68 : i32
    "tpu.region"() ({
      %run_scoped3A = tpu.sem_alloc : memref<!tpu.dma_semaphore, #tpu.memory_space<semaphore_mem>>
      %dma_start3A_1145 = arith.constant 0 : i32
      %dma_start3A_1146 = tpu.memref_slice %arg13[%mul3A_69, %dma_start3A_1145] : memref<16x16xi32, #tpu.memory_space<vmem_shared>> -> memref<8x16xi32, #tpu.memory_space<vmem_shared>>
      %dma_start3A_1147 = arith.constant 0 : i32
      %dma_start3A_1148 = tpu.memref_slice %arg13[%mul3A_69, %dma_start3A_1147] : memref<16x16xi32, #tpu.memory_space<vmem_shared>> -> memref<8x16xi32, #tpu.memory_space<vmem_shared>>
      tpu.enqueue_dma source(%dma_start3A_1148 : memref<8x16xi32, #tpu.memory_space<vmem_shared>>) target(%arg12 : memref<8x16xi32, #tpu.memory_space<vmem>>) target_semaphore(%run_scoped3A : memref<!tpu.dma_semaphore, #tpu.memory_space<semaphore_mem>>)
      %dma_wait3A_1149 = arith.constant 0 : i32
      %dma_wait3A_1150 = tpu.memref_slice %arg13[%mul3A_69, %dma_wait3A_1149] : memref<16x16xi32, #tpu.memory_space<vmem_shared>> -> memref<8x16xi32, #tpu.memory_space<vmem_shared>>
      %dma_wait3A_1151 = arith.constant 0 : i32
      %dma_wait3A_1152 = tpu.memref_slice %arg13[%mul3A_69, %dma_wait3A_1151] : memref<16x16xi32, #tpu.memory_space<vmem_shared>> -> memref<8x16xi32, #tpu.memory_space<vmem_shared>>
      tpu.wait_dma2 semaphore(%run_scoped3A : memref<!tpu.dma_semaphore, #tpu.memory_space<semaphore_mem>>) src(%dma_wait3A_1152 : memref<8x16xi32, #tpu.memory_space<vmem_shared>>) dst(%arg12 : memref<8x16xi32, #tpu.memory_space<vmem>>)
      tpu.yield
    }) : () -> ()
    %get3A = arith.constant 0 : i32
    %get3A_70 = arith.index_cast %get3A : i32 to index
    %get3A_71 = arith.constant 0 : index
    %get3A_72 = tpu.vector_load %arg12[%get3A_70, %get3A_71] {strides = array<i32>} : memref<8x16xi32, #tpu.memory_space<vmem>>, vector<16xi32>,
    %reduce_max3A = arith.constant true
    %reduce_max3A_73 = vector.broadcast %reduce_max3A : i1 to vector<16xi1>
    %reduce_max3A_74 = arith.constant -2147483648 : i32
    %reduce_max3A_75 = vector.broadcast %reduce_max3A_74 : i32 to vector<16xi32>
    %reduce_max3A_76 = arith.xori %get3A_72, %reduce_max3A_75 : vector<16xi32>
    %reduce_max3A_77 = tpu.scan <max>, %reduce_max3A_76 masked %reduce_max3A_73 : vector<16xi32>, vector<16xi1> -> vector<16xi32>
    %reduce_max3A_78 = arith.xori %reduce_max3A_77, %reduce_max3A_75 : vector<16xi32>
    %reduce_max3A_79 = vector.extract %reduce_max3A_78[15] : i32 from vector<16xi32>
    %gt3A = arith.constant 0 : i32
    %gt3A_80 = arith.cmpi sgt, %select_n3A_30, %gt3A : i32
    %jit3A_81 = arith.constant 0 : i32
    %select_n3A_82 = arith.select %gt3A_80, %reduce_max3A_79, %jit3A_81 : i32
    %add3A_83 = arith.constant 0 : i32
    %add3A_84 = arith.addi %add3A_83, %select_n3A_82 : i32
    %get3A_85 = arith.constant 1 : i32
    %get3A_86 = arith.index_cast %get3A_85 : i32 to index
    %get3A_87 = arith.constant 0 : index
    %get3A_88 = tpu.vector_load %arg12[%get3A_86, %get3A_87] {strides = array<i32>} : memref<8x16xi32, #tpu.memory_space<vmem>>, vector<16xi32>,
    %reduce_max3A_89 = arith.constant true
    %reduce_max3A_90 = vector.broadcast %reduce_max3A_89 : i1 to vector<16xi1>
    %reduce_max3A_91 = arith.constant -2147483648 : i32
    %reduce_max3A_92 = vector.broadcast %reduce_max3A_91 : i32 to vector<16xi32>
    %reduce_max3A_93 = arith.xori %get3A_88, %reduce_max3A_92 : vector<16xi32>
    %reduce_max3A_94 = tpu.scan <max>, %reduce_max3A_93 masked %reduce_max3A_90 : vector<16xi32>, vector<16xi1> -> vector<16xi32>
    %reduce_max3A_95 = arith.xori %reduce_max3A_94, %reduce_max3A_92 : vector<16xi32>
    %reduce_max3A_96 = vector.extract %reduce_max3A_95[15] : i32 from vector<16xi32>
    %gt3A_97 = arith.constant 1 : i32
    %gt3A_98 = arith.cmpi sgt, %select_n3A_30, %gt3A_97 : i32
    %jit3A_99 = arith.constant 0 : i32
    %select_n3A_100 = arith.select %gt3A_98, %reduce_max3A_96, %jit3A_99 : i32
    %add3A_101 = arith.addi %add3A_84, %select_n3A_100 : i32
    %get3A_102 = arith.constant 2 : i32
    %get3A_103 = arith.index_cast %get3A_102 : i32 to index
    %get3A_104 = arith.constant 0 : index
    %get3A_105 = tpu.vector_load %arg12[%get3A_103, %get3A_104] {strides = array<i32>} : memref<8x16xi32, #tpu.memory_space<vmem>>, vector<16xi32>,
    %reduce_max3A_106 = arith.constant true
    %reduce_max3A_107 = vector.broadcast %reduce_max3A_106 : i1 to vector<16xi1>
    %reduce_max3A_108 = arith.constant -2147483648 : i32
    %reduce_max3A_109 = vector.broadcast %reduce_max3A_108 : i32 to vector<16xi32>
    %reduce_max3A_110 = arith.xori %get3A_105, %reduce_max3A_109 : vector<16xi32>
    %reduce_max3A_111 = tpu.scan <max>, %reduce_max3A_110 masked %reduce_max3A_107 : vector<16xi32>, vector<16xi1> -> vector<16xi32>
    %reduce_max3A_112 = arith.xori %reduce_max3A_111, %reduce_max3A_109 : vector<16xi32>
    %reduce_max3A_113 = vector.extract %reduce_max3A_112[15] : i32 from vector<16xi32>
    %gt3A_114 = arith.constant 2 : i32
    %gt3A_115 = arith.cmpi sgt, %select_n3A_30, %gt3A_114 : i32
    %jit3A_116 = arith.constant 0 : i32
    %select_n3A_117 = arith.select %gt3A_115, %reduce_max3A_113, %jit3A_116 : i32
    %add3A_118 = arith.addi %add3A_101, %select_n3A_117 : i32
    %get3A_119 = arith.constant 3 : i32
    %get3A_120 = arith.index_cast %get3A_119 : i32 to index
    %get3A_121 = arith.constant 0 : index
    %get3A_122 = tpu.vector_load %arg12[%get3A_120, %get3A_121] {strides = array<i32>} : memref<8x16xi32, #tpu.memory_space<vmem>>, vector<16xi32>,
    %reduce_max3A_123 = arith.constant true
    %reduce_max3A_124 = vector.broadcast %reduce_max3A_123 : i1 to vector<16xi1>
    %reduce_max3A_125 = arith.constant -2147483648 : i32
    %reduce_max3A_126 = vector.broadcast %reduce_max3A_125 : i32 to vector<16xi32>
    %reduce_max3A_127 = arith.xori %get3A_122, %reduce_max3A_126 : vector<16xi32>
    %reduce_max3A_128 = tpu.scan <max>, %reduce_max3A_127 masked %reduce_max3A_124 : vector<16xi32>, vector<16xi1> -> vector<16xi32>
    %reduce_max3A_129 = arith.xori %reduce_max3A_128, %reduce_max3A_126 : vector<16xi32>
    %reduce_max3A_130 = vector.extract %reduce_max3A_129[15] : i32 from vector<16xi32>
    %gt3A_131 = arith.constant 3 : i32
    %gt3A_132 = arith.cmpi sgt, %select_n3A_30, %gt3A_131 : i32
    %jit3A_133 = arith.constant 0 : i32
    %select_n3A_134 = arith.select %gt3A_132, %reduce_max3A_130, %jit3A_133 : i32
    %add3A_135 = arith.addi %add3A_118, %select_n3A_134 : i32
    %get3A_136 = arith.constant 4 : i32
    %get3A_137 = arith.index_cast %get3A_136 : i32 to index
    %get3A_138 = arith.constant 0 : index
    %get3A_139 = tpu.vector_load %arg12[%get3A_137, %get3A_138] {strides = array<i32>} : memref<8x16xi32, #tpu.memory_space<vmem>>, vector<16xi32>,
    %reduce_max3A_140 = arith.constant true
    %reduce_max3A_141 = vector.broadcast %reduce_max3A_140 : i1 to vector<16xi1>
    %reduce_max3A_142 = arith.constant -2147483648 : i32
    %reduce_max3A_143 = vector.broadcast %reduce_max3A_142 : i32 to vector<16xi32>
    %reduce_max3A_144 = arith.xori %get3A_139, %reduce_max3A_143 : vector<16xi32>
    %reduce_max3A_145 = tpu.scan <max>, %reduce_max3A_144 masked %reduce_max3A_141 : vector<16xi32>, vector<16xi1> -> vector<16xi32>
    %reduce_max3A_146 = arith.xori %reduce_max3A_145, %reduce_max3A_143 : vector<16xi32>
    %reduce_max3A_147 = vector.extract %reduce_max3A_146[15] : i32 from vector<16xi32>
    %gt3A_148 = arith.constant 4 : i32
    %gt3A_149 = arith.cmpi sgt, %select_n3A_30, %gt3A_148 : i32
    %jit3A_150 = arith.constant 0 : i32
    %select_n3A_151 = arith.select %gt3A_149, %reduce_max3A_147, %jit3A_150 : i32
    %add3A_152 = arith.addi %add3A_135, %select_n3A_151 : i32
    %get3A_153 = arith.constant 5 : i32
    %get3A_154 = arith.index_cast %get3A_153 : i32 to index
    %get3A_155 = arith.constant 0 : index
    %get3A_156 = tpu.vector_load %arg12[%get3A_154, %get3A_155] {strides = array<i32>} : memref<8x16xi32, #tpu.memory_space<vmem>>, vector<16xi32>,
    %reduce_max3A_157 = arith.constant true
    %reduce_max3A_158 = vector.broadcast %reduce_max3A_157 : i1 to vector<16xi1>
    %reduce_max3A_159 = arith.constant -2147483648 : i32
    %reduce_max3A_160 = vector.broadcast %reduce_max3A_159 : i32 to vector<16xi32>
    %reduce_max3A_161 = arith.xori %get3A_156, %reduce_max3A_160 : vector<16xi32>
    %reduce_max3A_162 = tpu.scan <max>, %reduce_max3A_161 masked %reduce_max3A_158 : vector<16xi32>, vector<16xi1> -> vector<16xi32>
    %reduce_max3A_163 = arith.xori %reduce_max3A_162, %reduce_max3A_160 : vector<16xi32>
    %reduce_max3A_164 = vector.extract %reduce_max3A_163[15] : i32 from vector<16xi32>
    %gt3A_165 = arith.constant 5 : i32
    %gt3A_166 = arith.cmpi sgt, %select_n3A_30, %gt3A_165 : i32
    %jit3A_167 = arith.constant 0 : i32
    %select_n3A_168 = arith.select %gt3A_166, %reduce_max3A_164, %jit3A_167 : i32
    %add3A_169 = arith.addi %add3A_152, %select_n3A_168 : i32
    %get3A_170 = arith.constant 6 : i32
    %get3A_171 = arith.index_cast %get3A_170 : i32 to index
    %get3A_172 = arith.constant 0 : index
    %get3A_173 = tpu.vector_load %arg12[%get3A_171, %get3A_172] {strides = array<i32>} : memref<8x16xi32, #tpu.memory_space<vmem>>, vector<16xi32>,
    %reduce_max3A_174 = arith.constant true
    %reduce_max3A_175 = vector.broadcast %reduce_max3A_174 : i1 to vector<16xi1>
    %reduce_max3A_176 = arith.constant -2147483648 : i32
    %reduce_max3A_177 = vector.broadcast %reduce_max3A_176 : i32 to vector<16xi32>
    %reduce_max3A_178 = arith.xori %get3A_173, %reduce_max3A_177 : vector<16xi32>
    %reduce_max3A_179 = tpu.scan <max>, %reduce_max3A_178 masked %reduce_max3A_175 : vector<16xi32>, vector<16xi1> -> vector<16xi32>
    %reduce_max3A_180 = arith.xori %reduce_max3A_179, %reduce_max3A_177 : vector<16xi32>
    %reduce_max3A_181 = vector.extract %reduce_max3A_180[15] : i32 from vector<16xi32>
    %gt3A_182 = arith.constant 6 : i32
    %gt3A_183 = arith.cmpi sgt, %select_n3A_30, %gt3A_182 : i32
    %jit3A_184 = arith.constant 0 : i32
    %select_n3A_185 = arith.select %gt3A_183, %reduce_max3A_181, %jit3A_184 : i32
    %add3A_186 = arith.addi %add3A_169, %select_n3A_185 : i32
    %get3A_187 = arith.constant 7 : i32
    %get3A_188 = arith.index_cast %get3A_187 : i32 to index
    %get3A_189 = arith.constant 0 : index
    %get3A_190 = tpu.vector_load %arg12[%get3A_188, %get3A_189] {strides = array<i32>} : memref<8x16xi32, #tpu.memory_space<vmem>>, vector<16xi32>,
    %reduce_max3A_191 = arith.constant true
    %reduce_max3A_192 = vector.broadcast %reduce_max3A_191 : i1 to vector<16xi1>
    %reduce_max3A_193 = arith.constant -2147483648 : i32
    %reduce_max3A_194 = vector.broadcast %reduce_max3A_193 : i32 to vector<16xi32>
    %reduce_max3A_195 = arith.xori %get3A_190, %reduce_max3A_194 : vector<16xi32>
    %reduce_max3A_196 = tpu.scan <max>, %reduce_max3A_195 masked %reduce_max3A_192 : vector<16xi32>, vector<16xi1> -> vector<16xi32>
    %reduce_max3A_197 = arith.xori %reduce_max3A_196, %reduce_max3A_194 : vector<16xi32>
    %reduce_max3A_198 = vector.extract %reduce_max3A_197[15] : i32 from vector<16xi32>
    %gt3A_199 = arith.constant 7 : i32
    %gt3A_200 = arith.cmpi sgt, %select_n3A_30, %gt3A_199 : i32
    %jit3A_201 = arith.constant 0 : i32
    %select_n3A_202 = arith.select %gt3A_200, %reduce_max3A_198, %jit3A_201 : i32
    %add3A_203 = arith.addi %add3A_186, %select_n3A_202 : i32
    %broadcast_in_dim3A_204 = vector.broadcast %add3A_203 : i32 to vector<16xi32>
    %scan3A_205 = arith.constant 0 : i32
    %scan3A_206 = arith.constant 0 : i32
    %scan3A_207 = arith.constant 64 : i32
    %scan3A_208 = arith.addi %scan3A_206, %scan3A_207 : i32
    %scan3A_209 = arith.constant 1 : i32
    scf.for %scan3A_1145 = %scan3A_206 to %scan3A_208 step %scan3A_209  : i32 {
      %mul3A_1146 = arith.constant 16 : i32
      %mul3A_1147 = arith.muli %scan3A_1145, %mul3A_1146 : i32
      %get3A_1148 = arith.index_cast %mul3A_1147 : i32 to index
      %get3A_1149 = tpu.vector_load %arg7[%get3A_1148] {strides = array<i32>} : memref<1024xi32, #tpu.memory_space<vmem>>, vector<16xi32>,
      %mul3A_1150 = arith.constant 16 : i32
      %mul3A_1151 = arith.muli %scan3A_1145, %mul3A_1150 : i32
      %get3A_1152 = arith.index_cast %mul3A_1151 : i32 to index
      %get3A_1153 = tpu.vector_load %arg8[%get3A_1152] {strides = array<i32>} : memref<1024xi32, #tpu.memory_space<vmem>>, vector<16xi32>,
      %mul3A_1154 = arith.muli %broadcast_in_dim3A_204, %get3A_1153 : vector<16xi32>
      %add3A_1155 = arith.addi %get3A_1149, %mul3A_1154 : vector<16xi32>
      %add3A_1156 = arith.addi %add3A_1155, %broadcast_in_dim3A_35 : vector<16xi32>
      %jit3A_1157 = arith.constant 8 : i32
      %div3A_1158 = arith.divsi %scan3A_1145, %jit3A_1157 : i32
      %sign3A_1159 = arith.constant 0 : i32
      %sign3A_1160 = arith.cmpi sgt, %scan3A_1145, %sign3A_1159 : i32
      %sign3A_1161 = arith.extui %sign3A_1160 : i1 to i32
      %sign3A_1162 = arith.constant 0 : i32
      %sign3A_1163 = arith.cmpi slt, %scan3A_1145, %sign3A_1162 : i32
      %sign3A_1164 = arith.extui %sign3A_1163 : i1 to i32
      %sign3A_1165 = arith.subi %sign3A_1161, %sign3A_1164 : i32
      %sign3A_1166 = arith.constant 0 : i32
      %sign3A_1167 = arith.cmpi sgt, %jit3A_1157, %sign3A_1166 : i32
      %sign3A_1168 = arith.extui %sign3A_1167 : i1 to i32
      %sign3A_1169 = arith.constant 0 : i32
      %sign3A_1170 = arith.cmpi slt, %jit3A_1157, %sign3A_1169 : i32
      %sign3A_1171 = arith.extui %sign3A_1170 : i1 to i32
      %sign3A_1172 = arith.subi %sign3A_1168, %sign3A_1171 : i32
      %ne3A_1173 = arith.cmpi ne, %sign3A_1165, %sign3A_1172 : i32
      %rem3A_1174 = arith.remsi %scan3A_1145, %jit3A_1157 : i32
      %ne3A_1175 = arith.constant 0 : i32
      %ne3A_1176 = arith.cmpi ne, %rem3A_1174, %ne3A_1175 : i32
      %and3A_1177 = arith.andi %ne3A_1173, %ne3A_1176 : i1
      %sub3A_1178 = arith.constant 1 : i32
      %sub3A_1179 = arith.subi %div3A_1158, %sub3A_1178 : i32
      %select_n3A_1180 = arith.select %and3A_1177, %sub3A_1179, %div3A_1158 : i32
      %jit3A_1181 = arith.constant 8 : i32
      %eq3A_1182 = arith.constant 0 : i32
      %eq3A_1183 = arith.cmpi eq, %jit3A_1181, %eq3A_1182 : i32
      %jit3A_1184 = arith.constant 1 : i32
      %select_n3A_1185 = arith.select %eq3A_1183, %jit3A_1184, %jit3A_1181 : i32
      %rem3A_1186 = arith.remsi %scan3A_1145, %select_n3A_1185 : i32
      %ne3A_1187 = arith.constant 0 : i32
      %ne3A_1188 = arith.cmpi ne, %rem3A_1186, %ne3A_1187 : i32
      %lt3A_1189 = arith.constant 0 : i32
      %lt3A_1190 = arith.cmpi slt, %rem3A_1186, %lt3A_1189 : i32
      %lt3A_1191 = arith.constant 0 : i32
      %lt3A_1192 = arith.cmpi slt, %select_n3A_1185, %lt3A_1191 : i32
      %ne3A_1193 = arith.xori %lt3A_1190, %lt3A_1192 : i1
      %and3A_1194 = arith.andi %ne3A_1193, %ne3A_1188 : i1
      %add3A_1195 = arith.addi %rem3A_1186, %select_n3A_1185 : i32
      %select_n3A_1196 = arith.select %and3A_1194, %add3A_1195, %rem3A_1186 : i32
      %mul3A_1197 = arith.constant 16 : i32
      %mul3A_1198 = arith.muli %select_n3A_1196, %mul3A_1197 : i32
      %swap3A_1199 = arith.index_cast %select_n3A_1180 : i32 to index
      %swap3A_1200 = arith.index_cast %mul3A_1198 : i32 to index
      %swap3A_1201 = tpu.vector_load %arg6[%swap3A_1199, %swap3A_1200] {strides = array<i32>} : memref<8x128xi32, #tpu.memory_space<vmem>>, vector<16xi32>,
      tpu.vector_store %arg6[%swap3A_1199, %swap3A_1200], %add3A_1156 {strides = array<i32>} : memref<8x128xi32, #tpu.memory_space<vmem>>, vector<16xi32>,
    }
    %scan3A_210 = arith.constant 64 : i32
    %dma_start3A = arith.constant 0 : i32
    %dma_start3A_211 = arith.constant 0 : i32
    %dma_start3A_212 = arith.constant 0 : i32
    %dma_start3A_213 = tpu.memref_slice %arg9[%dma_start3A_211, %dma_start3A_212] : memref<1024x64xf32, #tpu.memory_space<vmem>> -> memref<128x64xf32, #tpu.memory_space<vmem>>
    %dma_start3A_214 = arith.constant 0 : i32
    %dma_start3A_215 = tpu.memref_slice %arg6[%dma_start3A, %dma_start3A_214] : memref<8x128xi32, #tpu.memory_space<vmem>> -> memref<1x128xi32, #tpu.memory_space<vmem>>
    %dma_start3A_216 = tpu.memref_squeeze %dma_start3A_215 : memref<1x128xi32, #tpu.memory_space<vmem>> -> memref<128xi32, #tpu.memory_space<vmem>>
    %dma_start3A_217 = arith.constant 0 : i32
    %dma_start3A_218 = arith.constant 0 : i32
    %dma_start3A_219 = tpu.memref_slice %arg3[%dma_start3A_217, %dma_start3A_218] : memref<8194x64xf32, #tpu.memory_space<hbm>> -> memref<8194x64xf32, #tpu.memory_space<hbm>>
    tpu.enqueue_indirect_dma source(%dma_start3A_219 : memref<8194x64xf32, #tpu.memory_space<hbm>>) target(%dma_start3A_213 : memref<128x64xf32, #tpu.memory_space<vmem>>) offsets(%dma_start3A_216 : memref<128xi32, #tpu.memory_space<vmem>>) semaphore(%arg14 : memref<!tpu.dma_semaphore, #tpu.memory_space<semaphore_mem>>)
    %dma_start3A_220 = arith.constant 1 : i32
    %dma_start3A_221 = arith.constant 128 : i32
    %dma_start3A_222 = arith.constant 0 : i32
    %dma_start3A_223 = tpu.memref_slice %arg9[%dma_start3A_221, %dma_start3A_222] : memref<1024x64xf32, #tpu.memory_space<vmem>> -> memref<128x64xf32, #tpu.memory_space<vmem>>
    %dma_start3A_224 = arith.constant 0 : i32
    %dma_start3A_225 = tpu.memref_slice %arg6[%dma_start3A_220, %dma_start3A_224] : memref<8x128xi32, #tpu.memory_space<vmem>> -> memref<1x128xi32, #tpu.memory_space<vmem>>
    %dma_start3A_226 = tpu.memref_squeeze %dma_start3A_225 : memref<1x128xi32, #tpu.memory_space<vmem>> -> memref<128xi32, #tpu.memory_space<vmem>>
    %dma_start3A_227 = arith.constant 0 : i32
    %dma_start3A_228 = arith.constant 0 : i32
    %dma_start3A_229 = tpu.memref_slice %arg3[%dma_start3A_227, %dma_start3A_228] : memref<8194x64xf32, #tpu.memory_space<hbm>> -> memref<8194x64xf32, #tpu.memory_space<hbm>>
    tpu.enqueue_indirect_dma source(%dma_start3A_229 : memref<8194x64xf32, #tpu.memory_space<hbm>>) target(%dma_start3A_223 : memref<128x64xf32, #tpu.memory_space<vmem>>) offsets(%dma_start3A_226 : memref<128xi32, #tpu.memory_space<vmem>>) semaphore(%arg14 : memref<!tpu.dma_semaphore, #tpu.memory_space<semaphore_mem>>)
    %dma_start3A_230 = arith.constant 2 : i32
    %dma_start3A_231 = arith.constant 256 : i32
    %dma_start3A_232 = arith.constant 0 : i32
    %dma_start3A_233 = tpu.memref_slice %arg9[%dma_start3A_231, %dma_start3A_232] : memref<1024x64xf32, #tpu.memory_space<vmem>> -> memref<128x64xf32, #tpu.memory_space<vmem>>
    %dma_start3A_234 = arith.constant 0 : i32
    %dma_start3A_235 = tpu.memref_slice %arg6[%dma_start3A_230, %dma_start3A_234] : memref<8x128xi32, #tpu.memory_space<vmem>> -> memref<1x128xi32, #tpu.memory_space<vmem>>
    %dma_start3A_236 = tpu.memref_squeeze %dma_start3A_235 : memref<1x128xi32, #tpu.memory_space<vmem>> -> memref<128xi32, #tpu.memory_space<vmem>>
    %dma_start3A_237 = arith.constant 0 : i32
    %dma_start3A_238 = arith.constant 0 : i32
    %dma_start3A_239 = tpu.memref_slice %arg3[%dma_start3A_237, %dma_start3A_238] : memref<8194x64xf32, #tpu.memory_space<hbm>> -> memref<8194x64xf32, #tpu.memory_space<hbm>>
    tpu.enqueue_indirect_dma source(%dma_start3A_239 : memref<8194x64xf32, #tpu.memory_space<hbm>>) target(%dma_start3A_233 : memref<128x64xf32, #tpu.memory_space<vmem>>) offsets(%dma_start3A_236 : memref<128xi32, #tpu.memory_space<vmem>>) semaphore(%arg14 : memref<!tpu.dma_semaphore, #tpu.memory_space<semaphore_mem>>)
    %dma_start3A_240 = arith.constant 3 : i32
    %dma_start3A_241 = arith.constant 384 : i32
    %dma_start3A_242 = arith.constant 0 : i32
    %dma_start3A_243 = tpu.memref_slice %arg9[%dma_start3A_241, %dma_start3A_242] : memref<1024x64xf32, #tpu.memory_space<vmem>> -> memref<128x64xf32, #tpu.memory_space<vmem>>
    %dma_start3A_244 = arith.constant 0 : i32
    %dma_start3A_245 = tpu.memref_slice %arg6[%dma_start3A_240, %dma_start3A_244] : memref<8x128xi32, #tpu.memory_space<vmem>> -> memref<1x128xi32, #tpu.memory_space<vmem>>
    %dma_start3A_246 = tpu.memref_squeeze %dma_start3A_245 : memref<1x128xi32, #tpu.memory_space<vmem>> -> memref<128xi32, #tpu.memory_space<vmem>>
    %dma_start3A_247 = arith.constant 0 : i32
    %dma_start3A_248 = arith.constant 0 : i32
    %dma_start3A_249 = tpu.memref_slice %arg3[%dma_start3A_247, %dma_start3A_248] : memref<8194x64xf32, #tpu.memory_space<hbm>> -> memref<8194x64xf32, #tpu.memory_space<hbm>>
    tpu.enqueue_indirect_dma source(%dma_start3A_249 : memref<8194x64xf32, #tpu.memory_space<hbm>>) target(%dma_start3A_243 : memref<128x64xf32, #tpu.memory_space<vmem>>) offsets(%dma_start3A_246 : memref<128xi32, #tpu.memory_space<vmem>>) semaphore(%arg14 : memref<!tpu.dma_semaphore, #tpu.memory_space<semaphore_mem>>)
    %dma_start3A_250 = arith.constant 4 : i32
    %dma_start3A_251 = arith.constant 512 : i32
    %dma_start3A_252 = arith.constant 0 : i32
    %dma_start3A_253 = tpu.memref_slice %arg9[%dma_start3A_251, %dma_start3A_252] : memref<1024x64xf32, #tpu.memory_space<vmem>> -> memref<128x64xf32, #tpu.memory_space<vmem>>
    %dma_start3A_254 = arith.constant 0 : i32
    %dma_start3A_255 = tpu.memref_slice %arg6[%dma_start3A_250, %dma_start3A_254] : memref<8x128xi32, #tpu.memory_space<vmem>> -> memref<1x128xi32, #tpu.memory_space<vmem>>
    %dma_start3A_256 = tpu.memref_squeeze %dma_start3A_255 : memref<1x128xi32, #tpu.memory_space<vmem>> -> memref<128xi32, #tpu.memory_space<vmem>>
    %dma_start3A_257 = arith.constant 0 : i32
    %dma_start3A_258 = arith.constant 0 : i32
    %dma_start3A_259 = tpu.memref_slice %arg3[%dma_start3A_257, %dma_start3A_258] : memref<8194x64xf32, #tpu.memory_space<hbm>> -> memref<8194x64xf32, #tpu.memory_space<hbm>>
    tpu.enqueue_indirect_dma source(%dma_start3A_259 : memref<8194x64xf32, #tpu.memory_space<hbm>>) target(%dma_start3A_253 : memref<128x64xf32, #tpu.memory_space<vmem>>) offsets(%dma_start3A_256 : memref<128xi32, #tpu.memory_space<vmem>>) semaphore(%arg14 : memref<!tpu.dma_semaphore, #tpu.memory_space<semaphore_mem>>)
    %dma_start3A_260 = arith.constant 5 : i32
    %dma_start3A_261 = arith.constant 640 : i32
    %dma_start3A_262 = arith.constant 0 : i32
    %dma_start3A_263 = tpu.memref_slice %arg9[%dma_start3A_261, %dma_start3A_262] : memref<1024x64xf32, #tpu.memory_space<vmem>> -> memref<128x64xf32, #tpu.memory_space<vmem>>
    %dma_start3A_264 = arith.constant 0 : i32
    %dma_start3A_265 = tpu.memref_slice %arg6[%dma_start3A_260, %dma_start3A_264] : memref<8x128xi32, #tpu.memory_space<vmem>> -> memref<1x128xi32, #tpu.memory_space<vmem>>
    %dma_start3A_266 = tpu.memref_squeeze %dma_start3A_265 : memref<1x128xi32, #tpu.memory_space<vmem>> -> memref<128xi32, #tpu.memory_space<vmem>>
    %dma_start3A_267 = arith.constant 0 : i32
    %dma_start3A_268 = arith.constant 0 : i32
    %dma_start3A_269 = tpu.memref_slice %arg3[%dma_start3A_267, %dma_start3A_268] : memref<8194x64xf32, #tpu.memory_space<hbm>> -> memref<8194x64xf32, #tpu.memory_space<hbm>>
    tpu.enqueue_indirect_dma source(%dma_start3A_269 : memref<8194x64xf32, #tpu.memory_space<hbm>>) target(%dma_start3A_263 : memref<128x64xf32, #tpu.memory_space<vmem>>) offsets(%dma_start3A_266 : memref<128xi32, #tpu.memory_space<vmem>>) semaphore(%arg14 : memref<!tpu.dma_semaphore, #tpu.memory_space<semaphore_mem>>)
    %dma_start3A_270 = arith.constant 6 : i32
    %dma_start3A_271 = arith.constant 768 : i32
    %dma_start3A_272 = arith.constant 0 : i32
    %dma_start3A_273 = tpu.memref_slice %arg9[%dma_start3A_271, %dma_start3A_272] : memref<1024x64xf32, #tpu.memory_space<vmem>> -> memref<128x64xf32, #tpu.memory_space<vmem>>
    %dma_start3A_274 = arith.constant 0 : i32
    %dma_start3A_275 = tpu.memref_slice %arg6[%dma_start3A_270, %dma_start3A_274] : memref<8x128xi32, #tpu.memory_space<vmem>> -> memref<1x128xi32, #tpu.memory_space<vmem>>
    %dma_start3A_276 = tpu.memref_squeeze %dma_start3A_275 : memref<1x128xi32, #tpu.memory_space<vmem>> -> memref<128xi32, #tpu.memory_space<vmem>>
    %dma_start3A_277 = arith.constant 0 : i32
    %dma_start3A_278 = arith.constant 0 : i32
    %dma_start3A_279 = tpu.memref_slice %arg3[%dma_start3A_277, %dma_start3A_278] : memref<8194x64xf32, #tpu.memory_space<hbm>> -> memref<8194x64xf32, #tpu.memory_space<hbm>>
    tpu.enqueue_indirect_dma source(%dma_start3A_279 : memref<8194x64xf32, #tpu.memory_space<hbm>>) target(%dma_start3A_273 : memref<128x64xf32, #tpu.memory_space<vmem>>) offsets(%dma_start3A_276 : memref<128xi32, #tpu.memory_space<vmem>>) semaphore(%arg14 : memref<!tpu.dma_semaphore, #tpu.memory_space<semaphore_mem>>)
    %dma_start3A_280 = arith.constant 7 : i32
    %dma_start3A_281 = arith.constant 896 : i32
    %dma_start3A_282 = arith.constant 0 : i32
    %dma_start3A_283 = tpu.memref_slice %arg9[%dma_start3A_281, %dma_start3A_282] : memref<1024x64xf32, #tpu.memory_space<vmem>> -> memref<128x64xf32, #tpu.memory_space<vmem>>
    %dma_start3A_284 = arith.constant 0 : i32
    %dma_start3A_285 = tpu.memref_slice %arg6[%dma_start3A_280, %dma_start3A_284] : memref<8x128xi32, #tpu.memory_space<vmem>> -> memref<1x128xi32, #tpu.memory_space<vmem>>
    %dma_start3A_286 = tpu.memref_squeeze %dma_start3A_285 : memref<1x128xi32, #tpu.memory_space<vmem>> -> memref<128xi32, #tpu.memory_space<vmem>>
    %dma_start3A_287 = arith.constant 0 : i32
    %dma_start3A_288 = arith.constant 0 : i32
    %dma_start3A_289 = tpu.memref_slice %arg3[%dma_start3A_287, %dma_start3A_288] : memref<8194x64xf32, #tpu.memory_space<hbm>> -> memref<8194x64xf32, #tpu.memory_space<hbm>>
    tpu.enqueue_indirect_dma source(%dma_start3A_289 : memref<8194x64xf32, #tpu.memory_space<hbm>>) target(%dma_start3A_283 : memref<128x64xf32, #tpu.memory_space<vmem>>) offsets(%dma_start3A_286 : memref<128xi32, #tpu.memory_space<vmem>>) semaphore(%arg14 : memref<!tpu.dma_semaphore, #tpu.memory_space<semaphore_mem>>)
    %dma_wait3A = arith.constant 0 : i32
    %dma_wait3A_290 = arith.constant 0 : i32
    %dma_wait3A_291 = arith.constant 0 : i32
    %dma_wait3A_292 = tpu.memref_slice %arg9[%dma_wait3A_290, %dma_wait3A_291] : memref<1024x64xf32, #tpu.memory_space<vmem>> -> memref<128x64xf32, #tpu.memory_space<vmem>>
    %dma_wait3A_293 = arith.constant 0 : i32
    %dma_wait3A_294 = tpu.memref_slice %arg6[%dma_wait3A, %dma_wait3A_293] : memref<8x128xi32, #tpu.memory_space<vmem>> -> memref<1x128xi32, #tpu.memory_space<vmem>>
    %dma_wait3A_295 = tpu.memref_squeeze %dma_wait3A_294 : memref<1x128xi32, #tpu.memory_space<vmem>> -> memref<128xi32, #tpu.memory_space<vmem>>
    %dma_wait3A_296 = arith.constant 0 : i32
    %dma_wait3A_297 = arith.constant 0 : i32
    %dma_wait3A_298 = tpu.memref_slice %arg3[%dma_wait3A_296, %dma_wait3A_297] : memref<8194x64xf32, #tpu.memory_space<hbm>> -> memref<8194x64xf32, #tpu.memory_space<hbm>>
    tpu.wait_indirect_dma semaphore(%arg14 : memref<!tpu.dma_semaphore, #tpu.memory_space<semaphore_mem>>) src(%dma_wait3A_298 : memref<8194x64xf32, #tpu.memory_space<hbm>>) dst(%dma_wait3A_292 : memref<128x64xf32, #tpu.memory_space<vmem>>)
    %dma_wait3A_299 = arith.constant 1 : i32
    %dma_wait3A_300 = arith.constant 128 : i32
    %dma_wait3A_301 = arith.constant 0 : i32
    %dma_wait3A_302 = tpu.memref_slice %arg9[%dma_wait3A_300, %dma_wait3A_301] : memref<1024x64xf32, #tpu.memory_space<vmem>> -> memref<128x64xf32, #tpu.memory_space<vmem>>
    %dma_wait3A_303 = arith.constant 0 : i32
    %dma_wait3A_304 = tpu.memref_slice %arg6[%dma_wait3A_299, %dma_wait3A_303] : memref<8x128xi32, #tpu.memory_space<vmem>> -> memref<1x128xi32, #tpu.memory_space<vmem>>
    %dma_wait3A_305 = tpu.memref_squeeze %dma_wait3A_304 : memref<1x128xi32, #tpu.memory_space<vmem>> -> memref<128xi32, #tpu.memory_space<vmem>>
    %dma_wait3A_306 = arith.constant 0 : i32
    %dma_wait3A_307 = arith.constant 0 : i32
    %dma_wait3A_308 = tpu.memref_slice %arg3[%dma_wait3A_306, %dma_wait3A_307] : memref<8194x64xf32, #tpu.memory_space<hbm>> -> memref<8194x64xf32, #tpu.memory_space<hbm>>
    tpu.wait_indirect_dma semaphore(%arg14 : memref<!tpu.dma_semaphore, #tpu.memory_space<semaphore_mem>>) src(%dma_wait3A_308 : memref<8194x64xf32, #tpu.memory_space<hbm>>) dst(%dma_wait3A_302 : memref<128x64xf32, #tpu.memory_space<vmem>>)
    %dma_wait3A_309 = arith.constant 2 : i32
    %dma_wait3A_310 = arith.constant 256 : i32
    %dma_wait3A_311 = arith.constant 0 : i32
    %dma_wait3A_312 = tpu.memref_slice %arg9[%dma_wait3A_310, %dma_wait3A_311] : memref<1024x64xf32, #tpu.memory_space<vmem>> -> memref<128x64xf32, #tpu.memory_space<vmem>>
    %dma_wait3A_313 = arith.constant 0 : i32
    %dma_wait3A_314 = tpu.memref_slice %arg6[%dma_wait3A_309, %dma_wait3A_313] : memref<8x128xi32, #tpu.memory_space<vmem>> -> memref<1x128xi32, #tpu.memory_space<vmem>>
    %dma_wait3A_315 = tpu.memref_squeeze %dma_wait3A_314 : memref<1x128xi32, #tpu.memory_space<vmem>> -> memref<128xi32, #tpu.memory_space<vmem>>
    %dma_wait3A_316 = arith.constant 0 : i32
    %dma_wait3A_317 = arith.constant 0 : i32
    %dma_wait3A_318 = tpu.memref_slice %arg3[%dma_wait3A_316, %dma_wait3A_317] : memref<8194x64xf32, #tpu.memory_space<hbm>> -> memref<8194x64xf32, #tpu.memory_space<hbm>>
    tpu.wait_indirect_dma semaphore(%arg14 : memref<!tpu.dma_semaphore, #tpu.memory_space<semaphore_mem>>) src(%dma_wait3A_318 : memref<8194x64xf32, #tpu.memory_space<hbm>>) dst(%dma_wait3A_312 : memref<128x64xf32, #tpu.memory_space<vmem>>)
    %dma_wait3A_319 = arith.constant 3 : i32
    %dma_wait3A_320 = arith.constant 384 : i32
    %dma_wait3A_321 = arith.constant 0 : i32
    %dma_wait3A_322 = tpu.memref_slice %arg9[%dma_wait3A_320, %dma_wait3A_321] : memref<1024x64xf32, #tpu.memory_space<vmem>> -> memref<128x64xf32, #tpu.memory_space<vmem>>
    %dma_wait3A_323 = arith.constant 0 : i32
    %dma_wait3A_324 = tpu.memref_slice %arg6[%dma_wait3A_319, %dma_wait3A_323] : memref<8x128xi32, #tpu.memory_space<vmem>> -> memref<1x128xi32, #tpu.memory_space<vmem>>
    %dma_wait3A_325 = tpu.memref_squeeze %dma_wait3A_324 : memref<1x128xi32, #tpu.memory_space<vmem>> -> memref<128xi32, #tpu.memory_space<vmem>>
    %dma_wait3A_326 = arith.constant 0 : i32
    %dma_wait3A_327 = arith.constant 0 : i32
    %dma_wait3A_328 = tpu.memref_slice %arg3[%dma_wait3A_326, %dma_wait3A_327] : memref<8194x64xf32, #tpu.memory_space<hbm>> -> memref<8194x64xf32, #tpu.memory_space<hbm>>
    tpu.wait_indirect_dma semaphore(%arg14 : memref<!tpu.dma_semaphore, #tpu.memory_space<semaphore_mem>>) src(%dma_wait3A_328 : memref<8194x64xf32, #tpu.memory_space<hbm>>) dst(%dma_wait3A_322 : memref<128x64xf32, #tpu.memory_space<vmem>>)
    %dma_wait3A_329 = arith.constant 4 : i32
    %dma_wait3A_330 = arith.constant 512 : i32
    %dma_wait3A_331 = arith.constant 0 : i32
    %dma_wait3A_332 = tpu.memref_slice %arg9[%dma_wait3A_330, %dma_wait3A_331] : memref<1024x64xf32, #tpu.memory_space<vmem>> -> memref<128x64xf32, #tpu.memory_space<vmem>>
    %dma_wait3A_333 = arith.constant 0 : i32
    %dma_wait3A_334 = tpu.memref_slice %arg6[%dma_wait3A_329, %dma_wait3A_333] : memref<8x128xi32, #tpu.memory_space<vmem>> -> memref<1x128xi32, #tpu.memory_space<vmem>>
    %dma_wait3A_335 = tpu.memref_squeeze %dma_wait3A_334 : memref<1x128xi32, #tpu.memory_space<vmem>> -> memref<128xi32, #tpu.memory_space<vmem>>
    %dma_wait3A_336 = arith.constant 0 : i32
    %dma_wait3A_337 = arith.constant 0 : i32
    %dma_wait3A_338 = tpu.memref_slice %arg3[%dma_wait3A_336, %dma_wait3A_337] : memref<8194x64xf32, #tpu.memory_space<hbm>> -> memref<8194x64xf32, #tpu.memory_space<hbm>>
    tpu.wait_indirect_dma semaphore(%arg14 : memref<!tpu.dma_semaphore, #tpu.memory_space<semaphore_mem>>) src(%dma_wait3A_338 : memref<8194x64xf32, #tpu.memory_space<hbm>>) dst(%dma_wait3A_332 : memref<128x64xf32, #tpu.memory_space<vmem>>)
    %dma_wait3A_339 = arith.constant 5 : i32
    %dma_wait3A_340 = arith.constant 640 : i32
    %dma_wait3A_341 = arith.constant 0 : i32
    %dma_wait3A_342 = tpu.memref_slice %arg9[%dma_wait3A_340, %dma_wait3A_341] : memref<1024x64xf32, #tpu.memory_space<vmem>> -> memref<128x64xf32, #tpu.memory_space<vmem>>
    %dma_wait3A_343 = arith.constant 0 : i32
    %dma_wait3A_344 = tpu.memref_slice %arg6[%dma_wait3A_339, %dma_wait3A_343] : memref<8x128xi32, #tpu.memory_space<vmem>> -> memref<1x128xi32, #tpu.memory_space<vmem>>
    %dma_wait3A_345 = tpu.memref_squeeze %dma_wait3A_344 : memref<1x128xi32, #tpu.memory_space<vmem>> -> memref<128xi32, #tpu.memory_space<vmem>>
    %dma_wait3A_346 = arith.constant 0 : i32
    %dma_wait3A_347 = arith.constant 0 : i32
    %dma_wait3A_348 = tpu.memref_slice %arg3[%dma_wait3A_346, %dma_wait3A_347] : memref<8194x64xf32, #tpu.memory_space<hbm>> -> memref<8194x64xf32, #tpu.memory_space<hbm>>
    tpu.wait_indirect_dma semaphore(%arg14 : memref<!tpu.dma_semaphore, #tpu.memory_space<semaphore_mem>>) src(%dma_wait3A_348 : memref<8194x64xf32, #tpu.memory_space<hbm>>) dst(%dma_wait3A_342 : memref<128x64xf32, #tpu.memory_space<vmem>>)
    %dma_wait3A_349 = arith.constant 6 : i32
    %dma_wait3A_350 = arith.constant 768 : i32
    %dma_wait3A_351 = arith.constant 0 : i32
    %dma_wait3A_352 = tpu.memref_slice %arg9[%dma_wait3A_350, %dma_wait3A_351] : memref<1024x64xf32, #tpu.memory_space<vmem>> -> memref<128x64xf32, #tpu.memory_space<vmem>>
    %dma_wait3A_353 = arith.constant 0 : i32
    %dma_wait3A_354 = tpu.memref_slice %arg6[%dma_wait3A_349, %dma_wait3A_353] : memref<8x128xi32, #tpu.memory_space<vmem>> -> memref<1x128xi32, #tpu.memory_space<vmem>>
    %dma_wait3A_355 = tpu.memref_squeeze %dma_wait3A_354 : memref<1x128xi32, #tpu.memory_space<vmem>> -> memref<128xi32, #tpu.memory_space<vmem>>
    %dma_wait3A_356 = arith.constant 0 : i32
    %dma_wait3A_357 = arith.constant 0 : i32
    %dma_wait3A_358 = tpu.memref_slice %arg3[%dma_wait3A_356, %dma_wait3A_357] : memref<8194x64xf32, #tpu.memory_space<hbm>> -> memref<8194x64xf32, #tpu.memory_space<hbm>>
    tpu.wait_indirect_dma semaphore(%arg14 : memref<!tpu.dma_semaphore, #tpu.memory_space<semaphore_mem>>) src(%dma_wait3A_358 : memref<8194x64xf32, #tpu.memory_space<hbm>>) dst(%dma_wait3A_352 : memref<128x64xf32, #tpu.memory_space<vmem>>)
    %dma_wait3A_359 = arith.constant 7 : i32
    %dma_wait3A_360 = arith.constant 896 : i32
    %dma_wait3A_361 = arith.constant 0 : i32
    %dma_wait3A_362 = tpu.memref_slice %arg9[%dma_wait3A_360, %dma_wait3A_361] : memref<1024x64xf32, #tpu.memory_space<vmem>> -> memref<128x64xf32, #tpu.memory_space<vmem>>
    %dma_wait3A_363 = arith.constant 0 : i32
    %dma_wait3A_364 = tpu.memref_slice %arg6[%dma_wait3A_359, %dma_wait3A_363] : memref<8x128xi32, #tpu.memory_space<vmem>> -> memref<1x128xi32, #tpu.memory_space<vmem>>
    %dma_wait3A_365 = tpu.memref_squeeze %dma_wait3A_364 : memref<1x128xi32, #tpu.memory_space<vmem>> -> memref<128xi32, #tpu.memory_space<vmem>>
    %dma_wait3A_366 = arith.constant 0 : i32
    %dma_wait3A_367 = arith.constant 0 : i32
    %dma_wait3A_368 = tpu.memref_slice %arg3[%dma_wait3A_366, %dma_wait3A_367] : memref<8194x64xf32, #tpu.memory_space<hbm>> -> memref<8194x64xf32, #tpu.memory_space<hbm>>
    tpu.wait_indirect_dma semaphore(%arg14 : memref<!tpu.dma_semaphore, #tpu.memory_space<semaphore_mem>>) src(%dma_wait3A_368 : memref<8194x64xf32, #tpu.memory_space<hbm>>) dst(%dma_wait3A_362 : memref<128x64xf32, #tpu.memory_space<vmem>>)
    %iota3A = tpu.iota {dimensions = array<i32: 0>} : vector<16xi32>
    %mul3A_369 = arith.constant 8 : i32
    %mul3A_370 = arith.muli %select_n3A_30, %mul3A_369 : i32
    %scan3A_371 = arith.constant 0 : i32
    %scan3A_372 = arith.constant 0 : i32
    %scan3A_373 = arith.constant 4 : i32
    %scan3A_374 = arith.addi %scan3A_372, %scan3A_373 : i32
    %scan3A_375 = arith.constant 1 : i32
    scf.for %scan3A_1145 = %scan3A_372 to %scan3A_374 step %scan3A_375  : i32 {
      %jit3A_1146 = arith.constant 2 : i32
      %eq3A_1147 = arith.constant 0 : i32
      %eq3A_1148 = arith.cmpi eq, %jit3A_1146, %eq3A_1147 : i32
      %jit3A_1149 = arith.constant 1 : i32
      %select_n3A_1150 = arith.select %eq3A_1148, %jit3A_1149, %jit3A_1146 : i32
      %rem3A_1151 = arith.remsi %scan3A_1145, %select_n3A_1150 : i32
      %ne3A_1152 = arith.constant 0 : i32
      %ne3A_1153 = arith.cmpi ne, %rem3A_1151, %ne3A_1152 : i32
      %lt3A_1154 = arith.constant 0 : i32
      %lt3A_1155 = arith.cmpi slt, %rem3A_1151, %lt3A_1154 : i32
      %lt3A_1156 = arith.constant 0 : i32
      %lt3A_1157 = arith.cmpi slt, %select_n3A_1150, %lt3A_1156 : i32
      %ne3A_1158 = arith.xori %lt3A_1155, %lt3A_1157 : i1
      %and3A_1159 = arith.andi %ne3A_1158, %ne3A_1153 : i1
      %add3A_1160 = arith.addi %rem3A_1151, %select_n3A_1150 : i32
      %select_n3A_1161 = arith.select %and3A_1159, %add3A_1160, %rem3A_1151 : i32
      %ge3A = arith.constant 2 : i32
      %ge3A_1162 = arith.cmpi sge, %scan3A_1145, %ge3A : i32
      %convert_element_type3A = arith.extui %ge3A_1162 : i1 to i32
      %cond3A = arith.constant 0 : i32
      %cond3A_1163 = arith.cmpi ne, %convert_element_type3A, %cond3A : i32
      scf.if %cond3A_1163 {
        %dma_wait3A_1526 = arith.constant 0 : i32
        %dma_wait3A_1527 = arith.constant 0 : i32
        %dma_wait3A_1528 = arith.constant 0 : i32
        %dma_wait3A_1529 = tpu.memref_slice %arg10[%dma_wait3A_1527, %dma_wait3A_1528] : memref<32x1025xf32, #tpu.memory_space<vmem>> -> memref<8x128xf32, #tpu.memory_space<vmem>>
        %dma_wait3A_1530 = arith.constant 0 : i32
        %dma_wait3A_1531 = arith.constant 0 : i32
        %dma_wait3A_1532 = tpu.memref_slice %arg4[%add3A, %dma_wait3A_1526, %mul3A_370, %dma_wait3A_1530, %dma_wait3A_1531] : memref<4x8x64x8x128xf32, #tpu.memory_space<hbm>> -> memref<1x1x1x8x128xf32, #tpu.memory_space<hbm>>
        %dma_wait3A_1533 = tpu.memref_squeeze %dma_wait3A_1532 : memref<1x1x1x8x128xf32, #tpu.memory_space<hbm>> -> memref<8x128xf32, #tpu.memory_space<hbm>>
        %dma_wait3A_1534 = arith.constant 0 : i32
        %dma_wait3A_1535 = arith.constant 0 : i32
        %dma_wait3A_1536 = tpu.memref_slice %arg4[%add3A, %dma_wait3A_1526, %mul3A_370, %dma_wait3A_1534, %dma_wait3A_1535] : memref<4x8x64x8x128xf32, #tpu.memory_space<hbm>> -> memref<1x1x1x8x128xf32, #tpu.memory_space<hbm>>
        %dma_wait3A_1537 = tpu.memref_squeeze %dma_wait3A_1536 : memref<1x1x1x8x128xf32, #tpu.memory_space<hbm>> -> memref<8x128xf32, #tpu.memory_space<hbm>>
        %dma_wait3A_1538 = arith.constant 0 : i32
        %dma_wait3A_1539 = arith.constant 0 : i32
        %dma_wait3A_1540 = tpu.memref_slice %arg10[%dma_wait3A_1538, %dma_wait3A_1539] : memref<32x1025xf32, #tpu.memory_space<vmem>> -> memref<8x128xf32, #tpu.memory_space<vmem>>
        tpu.wait_dma2 semaphore(%arg14 : memref<!tpu.dma_semaphore, #tpu.memory_space<semaphore_mem>>) src(%dma_wait3A_1540 : memref<8x128xf32, #tpu.memory_space<vmem>>) dst(%dma_wait3A_1537 : memref<8x128xf32, #tpu.memory_space<hbm>>)
        %dma_wait3A_1541 = arith.constant 0 : i32
        %dma_wait3A_1542 = arith.constant 0 : i32
        %dma_wait3A_1543 = arith.constant 0 : i32
        %dma_wait3A_1544 = tpu.memref_slice %arg10[%dma_wait3A_1542, %dma_wait3A_1543] : memref<32x1025xf32, #tpu.memory_space<vmem>> -> memref<8x128xf32, #tpu.memory_space<vmem>>
        %dma_wait3A_1545 = arith.constant 0 : i32
        %dma_wait3A_1546 = arith.constant 0 : i32
        %dma_wait3A_1547 = tpu.memref_slice %arg4[%add3A, %dma_wait3A_1541, %mul3A_370, %dma_wait3A_1545, %dma_wait3A_1546] : memref<4x8x64x8x128xf32, #tpu.memory_space<hbm>> -> memref<1x1x1x8x128xf32, #tpu.memory_space<hbm>>
        %dma_wait3A_1548 = tpu.memref_squeeze %dma_wait3A_1547 : memref<1x1x1x8x128xf32, #tpu.memory_space<hbm>> -> memref<8x128xf32, #tpu.memory_space<hbm>>
        %dma_wait3A_1549 = arith.constant 0 : i32
        %dma_wait3A_1550 = arith.constant 0 : i32
        %dma_wait3A_1551 = tpu.memref_slice %arg4[%add3A, %dma_wait3A_1541, %mul3A_370, %dma_wait3A_1549, %dma_wait3A_1550] : memref<4x8x64x8x128xf32, #tpu.memory_space<hbm>> -> memref<1x1x1x8x128xf32, #tpu.memory_space<hbm>>
        %dma_wait3A_1552 = tpu.memref_squeeze %dma_wait3A_1551 : memref<1x1x1x8x128xf32, #tpu.memory_space<hbm>> -> memref<8x128xf32, #tpu.memory_space<hbm>>
        %dma_wait3A_1553 = arith.constant 0 : i32
        %dma_wait3A_1554 = arith.constant 0 : i32
        %dma_wait3A_1555 = tpu.memref_slice %arg10[%dma_wait3A_1553, %dma_wait3A_1554] : memref<32x1025xf32, #tpu.memory_space<vmem>> -> memref<8x128xf32, #tpu.memory_space<vmem>>
        tpu.wait_dma2 semaphore(%arg14 : memref<!tpu.dma_semaphore, #tpu.memory_space<semaphore_mem>>) src(%dma_wait3A_1555 : memref<8x128xf32, #tpu.memory_space<vmem>>) dst(%dma_wait3A_1552 : memref<8x128xf32, #tpu.memory_space<hbm>>)
        %dma_wait3A_1556 = arith.constant 0 : i32
        %dma_wait3A_1557 = arith.constant 0 : i32
        %dma_wait3A_1558 = arith.constant 0 : i32
        %dma_wait3A_1559 = tpu.memref_slice %arg10[%dma_wait3A_1557, %dma_wait3A_1558] : memref<32x1025xf32, #tpu.memory_space<vmem>> -> memref<8x128xf32, #tpu.memory_space<vmem>>
        %dma_wait3A_1560 = arith.constant 0 : i32
        %dma_wait3A_1561 = arith.constant 0 : i32
        %dma_wait3A_1562 = tpu.memref_slice %arg4[%add3A, %dma_wait3A_1556, %mul3A_370, %dma_wait3A_1560, %dma_wait3A_1561] : memref<4x8x64x8x128xf32, #tpu.memory_space<hbm>> -> memref<1x1x1x8x128xf32, #tpu.memory_space<hbm>>
        %dma_wait3A_1563 = tpu.memref_squeeze %dma_wait3A_1562 : memref<1x1x1x8x128xf32, #tpu.memory_space<hbm>> -> memref<8x128xf32, #tpu.memory_space<hbm>>
        %dma_wait3A_1564 = arith.constant 0 : i32
        %dma_wait3A_1565 = arith.constant 0 : i32
        %dma_wait3A_1566 = tpu.memref_slice %arg4[%add3A, %dma_wait3A_1556, %mul3A_370, %dma_wait3A_1564, %dma_wait3A_1565] : memref<4x8x64x8x128xf32, #tpu.memory_space<hbm>> -> memref<1x1x1x8x128xf32, #tpu.memory_space<hbm>>
        %dma_wait3A_1567 = tpu.memref_squeeze %dma_wait3A_1566 : memref<1x1x1x8x128xf32, #tpu.memory_space<hbm>> -> memref<8x128xf32, #tpu.memory_space<hbm>>
        %dma_wait3A_1568 = arith.constant 0 : i32
        %dma_wait3A_1569 = arith.constant 0 : i32
        %dma_wait3A_1570 = tpu.memref_slice %arg10[%dma_wait3A_1568, %dma_wait3A_1569] : memref<32x1025xf32, #tpu.memory_space<vmem>> -> memref<8x128xf32, #tpu.memory_space<vmem>>
        tpu.wait_dma2 semaphore(%arg14 : memref<!tpu.dma_semaphore, #tpu.memory_space<semaphore_mem>>) src(%dma_wait3A_1570 : memref<8x128xf32, #tpu.memory_space<vmem>>) dst(%dma_wait3A_1567 : memref<8x128xf32, #tpu.memory_space<hbm>>)
        %dma_wait3A_1571 = arith.constant 0 : i32
        %dma_wait3A_1572 = arith.constant 0 : i32
        %dma_wait3A_1573 = arith.constant 0 : i32
        %dma_wait3A_1574 = tpu.memref_slice %arg10[%dma_wait3A_1572, %dma_wait3A_1573] : memref<32x1025xf32, #tpu.memory_space<vmem>> -> memref<8x128xf32, #tpu.memory_space<vmem>>
        %dma_wait3A_1575 = arith.constant 0 : i32
        %dma_wait3A_1576 = arith.constant 0 : i32
        %dma_wait3A_1577 = tpu.memref_slice %arg4[%add3A, %dma_wait3A_1571, %mul3A_370, %dma_wait3A_1575, %dma_wait3A_1576] : memref<4x8x64x8x128xf32, #tpu.memory_space<hbm>> -> memref<1x1x1x8x128xf32, #tpu.memory_space<hbm>>
        %dma_wait3A_1578 = tpu.memref_squeeze %dma_wait3A_1577 : memref<1x1x1x8x128xf32, #tpu.memory_space<hbm>> -> memref<8x128xf32, #tpu.memory_space<hbm>>
        %dma_wait3A_1579 = arith.constant 0 : i32
        %dma_wait3A_1580 = arith.constant 0 : i32
        %dma_wait3A_1581 = tpu.memref_slice %arg4[%add3A, %dma_wait3A_1571, %mul3A_370, %dma_wait3A_1579, %dma_wait3A_1580] : memref<4x8x64x8x128xf32, #tpu.memory_space<hbm>> -> memref<1x1x1x8x128xf32, #tpu.memory_space<hbm>>
        %dma_wait3A_1582 = tpu.memref_squeeze %dma_wait3A_1581 : memref<1x1x1x8x128xf32, #tpu.memory_space<hbm>> -> memref<8x128xf32, #tpu.memory_space<hbm>>
        %dma_wait3A_1583 = arith.constant 0 : i32
        %dma_wait3A_1584 = arith.constant 0 : i32
        %dma_wait3A_1585 = tpu.memref_slice %arg10[%dma_wait3A_1583, %dma_wait3A_1584] : memref<32x1025xf32, #tpu.memory_space<vmem>> -> memref<8x128xf32, #tpu.memory_space<vmem>>
        tpu.wait_dma2 semaphore(%arg14 : memref<!tpu.dma_semaphore, #tpu.memory_space<semaphore_mem>>) src(%dma_wait3A_1585 : memref<8x128xf32, #tpu.memory_space<vmem>>) dst(%dma_wait3A_1582 : memref<8x128xf32, #tpu.memory_space<hbm>>)
        %dma_wait3A_1586 = arith.constant 0 : i32
        %dma_wait3A_1587 = arith.constant 0 : i32
        %dma_wait3A_1588 = arith.constant 0 : i32
        %dma_wait3A_1589 = tpu.memref_slice %arg10[%dma_wait3A_1587, %dma_wait3A_1588] : memref<32x1025xf32, #tpu.memory_space<vmem>> -> memref<8x128xf32, #tpu.memory_space<vmem>>
        %dma_wait3A_1590 = arith.constant 0 : i32
        %dma_wait3A_1591 = arith.constant 0 : i32
        %dma_wait3A_1592 = tpu.memref_slice %arg4[%add3A, %dma_wait3A_1586, %mul3A_370, %dma_wait3A_1590, %dma_wait3A_1591] : memref<4x8x64x8x128xf32, #tpu.memory_space<hbm>> -> memref<1x1x1x8x128xf32, #tpu.memory_space<hbm>>
        %dma_wait3A_1593 = tpu.memref_squeeze %dma_wait3A_1592 : memref<1x1x1x8x128xf32, #tpu.memory_space<hbm>> -> memref<8x128xf32, #tpu.memory_space<hbm>>
        %dma_wait3A_1594 = arith.constant 0 : i32
        %dma_wait3A_1595 = arith.constant 0 : i32
        %dma_wait3A_1596 = tpu.memref_slice %arg4[%add3A, %dma_wait3A_1586, %mul3A_370, %dma_wait3A_1594, %dma_wait3A_1595] : memref<4x8x64x8x128xf32, #tpu.memory_space<hbm>> -> memref<1x1x1x8x128xf32, #tpu.memory_space<hbm>>
        %dma_wait3A_1597 = tpu.memref_squeeze %dma_wait3A_1596 : memref<1x1x1x8x128xf32, #tpu.memory_space<hbm>> -> memref<8x128xf32, #tpu.memory_space<hbm>>
        %dma_wait3A_1598 = arith.constant 0 : i32
        %dma_wait3A_1599 = arith.constant 0 : i32
        %dma_wait3A_1600 = tpu.memref_slice %arg10[%dma_wait3A_1598, %dma_wait3A_1599] : memref<32x1025xf32, #tpu.memory_space<vmem>> -> memref<8x128xf32, #tpu.memory_space<vmem>>
        tpu.wait_dma2 semaphore(%arg14 : memref<!tpu.dma_semaphore, #tpu.memory_space<semaphore_mem>>) src(%dma_wait3A_1600 : memref<8x128xf32, #tpu.memory_space<vmem>>) dst(%dma_wait3A_1597 : memref<8x128xf32, #tpu.memory_space<hbm>>)
        %dma_wait3A_1601 = arith.constant 0 : i32
        %dma_wait3A_1602 = arith.constant 0 : i32
        %dma_wait3A_1603 = arith.constant 0 : i32
        %dma_wait3A_1604 = tpu.memref_slice %arg10[%dma_wait3A_1602, %dma_wait3A_1603] : memref<32x1025xf32, #tpu.memory_space<vmem>> -> memref<8x128xf32, #tpu.memory_space<vmem>>
        %dma_wait3A_1605 = arith.constant 0 : i32
        %dma_wait3A_1606 = arith.constant 0 : i32
        %dma_wait3A_1607 = tpu.memref_slice %arg4[%add3A, %dma_wait3A_1601, %mul3A_370, %dma_wait3A_1605, %dma_wait3A_1606] : memref<4x8x64x8x128xf32, #tpu.memory_space<hbm>> -> memref<1x1x1x8x128xf32, #tpu.memory_space<hbm>>
        %dma_wait3A_1608 = tpu.memref_squeeze %dma_wait3A_1607 : memref<1x1x1x8x128xf32, #tpu.memory_space<hbm>> -> memref<8x128xf32, #tpu.memory_space<hbm>>
        %dma_wait3A_1609 = arith.constant 0 : i32
        %dma_wait3A_1610 = arith.constant 0 : i32
        %dma_wait3A_1611 = tpu.memref_slice %arg4[%add3A, %dma_wait3A_1601, %mul3A_370, %dma_wait3A_1609, %dma_wait3A_1610] : memref<4x8x64x8x128xf32, #tpu.memory_space<hbm>> -> memref<1x1x1x8x128xf32, #tpu.memory_space<hbm>>
        %dma_wait3A_1612 = tpu.memref_squeeze %dma_wait3A_1611 : memref<1x1x1x8x128xf32, #tpu.memory_space<hbm>> -> memref<8x128xf32, #tpu.memory_space<hbm>>
        %dma_wait3A_1613 = arith.constant 0 : i32
        %dma_wait3A_1614 = arith.constant 0 : i32
        %dma_wait3A_1615 = tpu.memref_slice %arg10[%dma_wait3A_1613, %dma_wait3A_1614] : memref<32x1025xf32, #tpu.memory_space<vmem>> -> memref<8x128xf32, #tpu.memory_space<vmem>>
        tpu.wait_dma2 semaphore(%arg14 : memref<!tpu.dma_semaphore, #tpu.memory_space<semaphore_mem>>) src(%dma_wait3A_1615 : memref<8x128xf32, #tpu.memory_space<vmem>>) dst(%dma_wait3A_1612 : memref<8x128xf32, #tpu.memory_space<hbm>>)
        %dma_wait3A_1616 = arith.constant 0 : i32
        %dma_wait3A_1617 = arith.constant 0 : i32
        %dma_wait3A_1618 = arith.constant 0 : i32
        %dma_wait3A_1619 = tpu.memref_slice %arg10[%dma_wait3A_1617, %dma_wait3A_1618] : memref<32x1025xf32, #tpu.memory_space<vmem>> -> memref<8x128xf32, #tpu.memory_space<vmem>>
        %dma_wait3A_1620 = arith.constant 0 : i32
        %dma_wait3A_1621 = arith.constant 0 : i32
        %dma_wait3A_1622 = tpu.memref_slice %arg4[%add3A, %dma_wait3A_1616, %mul3A_370, %dma_wait3A_1620, %dma_wait3A_1621] : memref<4x8x64x8x128xf32, #tpu.memory_space<hbm>> -> memref<1x1x1x8x128xf32, #tpu.memory_space<hbm>>
        %dma_wait3A_1623 = tpu.memref_squeeze %dma_wait3A_1622 : memref<1x1x1x8x128xf32, #tpu.memory_space<hbm>> -> memref<8x128xf32, #tpu.memory_space<hbm>>
        %dma_wait3A_1624 = arith.constant 0 : i32
        %dma_wait3A_1625 = arith.constant 0 : i32
        %dma_wait3A_1626 = tpu.memref_slice %arg4[%add3A, %dma_wait3A_1616, %mul3A_370, %dma_wait3A_1624, %dma_wait3A_1625] : memref<4x8x64x8x128xf32, #tpu.memory_space<hbm>> -> memref<1x1x1x8x128xf32, #tpu.memory_space<hbm>>
        %dma_wait3A_1627 = tpu.memref_squeeze %dma_wait3A_1626 : memref<1x1x1x8x128xf32, #tpu.memory_space<hbm>> -> memref<8x128xf32, #tpu.memory_space<hbm>>
        %dma_wait3A_1628 = arith.constant 0 : i32
        %dma_wait3A_1629 = arith.constant 0 : i32
        %dma_wait3A_1630 = tpu.memref_slice %arg10[%dma_wait3A_1628, %dma_wait3A_1629] : memref<32x1025xf32, #tpu.memory_space<vmem>> -> memref<8x128xf32, #tpu.memory_space<vmem>>
        tpu.wait_dma2 semaphore(%arg14 : memref<!tpu.dma_semaphore, #tpu.memory_space<semaphore_mem>>) src(%dma_wait3A_1630 : memref<8x128xf32, #tpu.memory_space<vmem>>) dst(%dma_wait3A_1627 : memref<8x128xf32, #tpu.memory_space<hbm>>)
        %dma_wait3A_1631 = arith.constant 0 : i32
        %dma_wait3A_1632 = arith.constant 0 : i32
        %dma_wait3A_1633 = arith.constant 0 : i32
        %dma_wait3A_1634 = tpu.memref_slice %arg10[%dma_wait3A_1632, %dma_wait3A_1633] : memref<32x1025xf32, #tpu.memory_space<vmem>> -> memref<8x128xf32, #tpu.memory_space<vmem>>
        %dma_wait3A_1635 = arith.constant 0 : i32
        %dma_wait3A_1636 = arith.constant 0 : i32
        %dma_wait3A_1637 = tpu.memref_slice %arg4[%add3A, %dma_wait3A_1631, %mul3A_370, %dma_wait3A_1635, %dma_wait3A_1636] : memref<4x8x64x8x128xf32, #tpu.memory_space<hbm>> -> memref<1x1x1x8x128xf32, #tpu.memory_space<hbm>>
        %dma_wait3A_1638 = tpu.memref_squeeze %dma_wait3A_1637 : memref<1x1x1x8x128xf32, #tpu.memory_space<hbm>> -> memref<8x128xf32, #tpu.memory_space<hbm>>
        %dma_wait3A_1639 = arith.constant 0 : i32
        %dma_wait3A_1640 = arith.constant 0 : i32
        %dma_wait3A_1641 = tpu.memref_slice %arg4[%add3A, %dma_wait3A_1631, %mul3A_370, %dma_wait3A_1639, %dma_wait3A_1640] : memref<4x8x64x8x128xf32, #tpu.memory_space<hbm>> -> memref<1x1x1x8x128xf32, #tpu.memory_space<hbm>>
        %dma_wait3A_1642 = tpu.memref_squeeze %dma_wait3A_1641 : memref<1x1x1x8x128xf32, #tpu.memory_space<hbm>> -> memref<8x128xf32, #tpu.memory_space<hbm>>
        %dma_wait3A_1643 = arith.constant 0 : i32
        %dma_wait3A_1644 = arith.constant 0 : i32
        %dma_wait3A_1645 = tpu.memref_slice %arg10[%dma_wait3A_1643, %dma_wait3A_1644] : memref<32x1025xf32, #tpu.memory_space<vmem>> -> memref<8x128xf32, #tpu.memory_space<vmem>>
        tpu.wait_dma2 semaphore(%arg14 : memref<!tpu.dma_semaphore, #tpu.memory_space<semaphore_mem>>) src(%dma_wait3A_1645 : memref<8x128xf32, #tpu.memory_space<vmem>>) dst(%dma_wait3A_1642 : memref<8x128xf32, #tpu.memory_space<hbm>>)
        %dma_wait3A_1646 = arith.constant 0 : i32
        %dma_wait3A_1647 = arith.constant 0 : i32
        %dma_wait3A_1648 = arith.constant 0 : i32
        %dma_wait3A_1649 = tpu.memref_slice %arg10[%dma_wait3A_1647, %dma_wait3A_1648] : memref<32x1025xf32, #tpu.memory_space<vmem>> -> memref<8x128xf32, #tpu.memory_space<vmem>>
        %dma_wait3A_1650 = arith.constant 0 : i32
        %dma_wait3A_1651 = arith.constant 0 : i32
        %dma_wait3A_1652 = tpu.memref_slice %arg4[%add3A, %dma_wait3A_1646, %mul3A_370, %dma_wait3A_1650, %dma_wait3A_1651] : memref<4x8x64x8x128xf32, #tpu.memory_space<hbm>> -> memref<1x1x1x8x128xf32, #tpu.memory_space<hbm>>
        %dma_wait3A_1653 = tpu.memref_squeeze %dma_wait3A_1652 : memref<1x1x1x8x128xf32, #tpu.memory_space<hbm>> -> memref<8x128xf32, #tpu.memory_space<hbm>>
        %dma_wait3A_1654 = arith.constant 0 : i32
        %dma_wait3A_1655 = arith.constant 0 : i32
        %dma_wait3A_1656 = tpu.memref_slice %arg4[%add3A, %dma_wait3A_1646, %mul3A_370, %dma_wait3A_1654, %dma_wait3A_1655] : memref<4x8x64x8x128xf32, #tpu.memory_space<hbm>> -> memref<1x1x1x8x128xf32, #tpu.memory_space<hbm>>
        %dma_wait3A_1657 = tpu.memref_squeeze %dma_wait3A_1656 : memref<1x1x1x8x128xf32, #tpu.memory_space<hbm>> -> memref<8x128xf32, #tpu.memory_space<hbm>>
        %dma_wait3A_1658 = arith.constant 0 : i32
        %dma_wait3A_1659 = arith.constant 0 : i32
        %dma_wait3A_1660 = tpu.memref_slice %arg10[%dma_wait3A_1658, %dma_wait3A_1659] : memref<32x1025xf32, #tpu.memory_space<vmem>> -> memref<8x128xf32, #tpu.memory_space<vmem>>
        tpu.wait_dma2 semaphore(%arg14 : memref<!tpu.dma_semaphore, #tpu.memory_space<semaphore_mem>>) src(%dma_wait3A_1660 : memref<8x128xf32, #tpu.memory_space<vmem>>) dst(%dma_wait3A_1657 : memref<8x128xf32, #tpu.memory_space<hbm>>)
        %dma_wait3A_1661 = arith.constant 0 : i32
        %dma_wait3A_1662 = arith.constant 0 : i32
        %dma_wait3A_1663 = arith.constant 0 : i32
        %dma_wait3A_1664 = tpu.memref_slice %arg10[%dma_wait3A_1662, %dma_wait3A_1663] : memref<32x1025xf32, #tpu.memory_space<vmem>> -> memref<8x128xf32, #tpu.memory_space<vmem>>
        %dma_wait3A_1665 = arith.constant 0 : i32
        %dma_wait3A_1666 = arith.constant 0 : i32
        %dma_wait3A_1667 = tpu.memref_slice %arg4[%add3A, %dma_wait3A_1661, %mul3A_370, %dma_wait3A_1665, %dma_wait3A_1666] : memref<4x8x64x8x128xf32, #tpu.memory_space<hbm>> -> memref<1x1x1x8x128xf32, #tpu.memory_space<hbm>>
        %dma_wait3A_1668 = tpu.memref_squeeze %dma_wait3A_1667 : memref<1x1x1x8x128xf32, #tpu.memory_space<hbm>> -> memref<8x128xf32, #tpu.memory_space<hbm>>
        %dma_wait3A_1669 = arith.constant 0 : i32
        %dma_wait3A_1670 = arith.constant 0 : i32
        %dma_wait3A_1671 = tpu.memref_slice %arg4[%add3A, %dma_wait3A_1661, %mul3A_370, %dma_wait3A_1669, %dma_wait3A_1670] : memref<4x8x64x8x128xf32, #tpu.memory_space<hbm>> -> memref<1x1x1x8x128xf32, #tpu.memory_space<hbm>>
        %dma_wait3A_1672 = tpu.memref_squeeze %dma_wait3A_1671 : memref<1x1x1x8x128xf32, #tpu.memory_space<hbm>> -> memref<8x128xf32, #tpu.memory_space<hbm>>
        %dma_wait3A_1673 = arith.constant 0 : i32
        %dma_wait3A_1674 = arith.constant 0 : i32
        %dma_wait3A_1675 = tpu.memref_slice %arg10[%dma_wait3A_1673, %dma_wait3A_1674] : memref<32x1025xf32, #tpu.memory_space<vmem>> -> memref<8x128xf32, #tpu.memory_space<vmem>>
        tpu.wait_dma2 semaphore(%arg14 : memref<!tpu.dma_semaphore, #tpu.memory_space<semaphore_mem>>) src(%dma_wait3A_1675 : memref<8x128xf32, #tpu.memory_space<vmem>>) dst(%dma_wait3A_1672 : memref<8x128xf32, #tpu.memory_space<hbm>>)
        %dma_wait3A_1676 = arith.constant 0 : i32
        %dma_wait3A_1677 = arith.constant 0 : i32
        %dma_wait3A_1678 = arith.constant 0 : i32
        %dma_wait3A_1679 = tpu.memref_slice %arg10[%dma_wait3A_1677, %dma_wait3A_1678] : memref<32x1025xf32, #tpu.memory_space<vmem>> -> memref<8x128xf32, #tpu.memory_space<vmem>>
        %dma_wait3A_1680 = arith.constant 0 : i32
        %dma_wait3A_1681 = arith.constant 0 : i32
        %dma_wait3A_1682 = tpu.memref_slice %arg4[%add3A, %dma_wait3A_1676, %mul3A_370, %dma_wait3A_1680, %dma_wait3A_1681] : memref<4x8x64x8x128xf32, #tpu.memory_space<hbm>> -> memref<1x1x1x8x128xf32, #tpu.memory_space<hbm>>
        %dma_wait3A_1683 = tpu.memref_squeeze %dma_wait3A_1682 : memref<1x1x1x8x128xf32, #tpu.memory_space<hbm>> -> memref<8x128xf32, #tpu.memory_space<hbm>>
        %dma_wait3A_1684 = arith.constant 0 : i32
        %dma_wait3A_1685 = arith.constant 0 : i32
        %dma_wait3A_1686 = tpu.memref_slice %arg4[%add3A, %dma_wait3A_1676, %mul3A_370, %dma_wait3A_1684, %dma_wait3A_1685] : memref<4x8x64x8x128xf32, #tpu.memory_space<hbm>> -> memref<1x1x1x8x128xf32, #tpu.memory_space<hbm>>
        %dma_wait3A_1687 = tpu.memref_squeeze %dma_wait3A_1686 : memref<1x1x1x8x128xf32, #tpu.memory_space<hbm>> -> memref<8x128xf32, #tpu.memory_space<hbm>>
        %dma_wait3A_1688 = arith.constant 0 : i32
        %dma_wait3A_1689 = arith.constant 0 : i32
        %dma_wait3A_1690 = tpu.memref_slice %arg10[%dma_wait3A_1688, %dma_wait3A_1689] : memref<32x1025xf32, #tpu.memory_space<vmem>> -> memref<8x128xf32, #tpu.memory_space<vmem>>
        tpu.wait_dma2 semaphore(%arg14 : memref<!tpu.dma_semaphore, #tpu.memory_space<semaphore_mem>>) src(%dma_wait3A_1690 : memref<8x128xf32, #tpu.memory_space<vmem>>) dst(%dma_wait3A_1687 : memref<8x128xf32, #tpu.memory_space<hbm>>)
        %dma_wait3A_1691 = arith.constant 0 : i32
        %dma_wait3A_1692 = arith.constant 0 : i32
        %dma_wait3A_1693 = arith.constant 0 : i32
        %dma_wait3A_1694 = tpu.memref_slice %arg10[%dma_wait3A_1692, %dma_wait3A_1693] : memref<32x1025xf32, #tpu.memory_space<vmem>> -> memref<8x128xf32, #tpu.memory_space<vmem>>
        %dma_wait3A_1695 = arith.constant 0 : i32
        %dma_wait3A_1696 = arith.constant 0 : i32
        %dma_wait3A_1697 = tpu.memref_slice %arg4[%add3A, %dma_wait3A_1691, %mul3A_370, %dma_wait3A_1695, %dma_wait3A_1696] : memref<4x8x64x8x128xf32, #tpu.memory_space<hbm>> -> memref<1x1x1x8x128xf32, #tpu.memory_space<hbm>>
        %dma_wait3A_1698 = tpu.memref_squeeze %dma_wait3A_1697 : memref<1x1x1x8x128xf32, #tpu.memory_space<hbm>> -> memref<8x128xf32, #tpu.memory_space<hbm>>
        %dma_wait3A_1699 = arith.constant 0 : i32
        %dma_wait3A_1700 = arith.constant 0 : i32
        %dma_wait3A_1701 = tpu.memref_slice %arg4[%add3A, %dma_wait3A_1691, %mul3A_370, %dma_wait3A_1699, %dma_wait3A_1700] : memref<4x8x64x8x128xf32, #tpu.memory_space<hbm>> -> memref<1x1x1x8x128xf32, #tpu.memory_space<hbm>>
        %dma_wait3A_1702 = tpu.memref_squeeze %dma_wait3A_1701 : memref<1x1x1x8x128xf32, #tpu.memory_space<hbm>> -> memref<8x128xf32, #tpu.memory_space<hbm>>
        %dma_wait3A_1703 = arith.constant 0 : i32
        %dma_wait3A_1704 = arith.constant 0 : i32
        %dma_wait3A_1705 = tpu.memref_slice %arg10[%dma_wait3A_1703, %dma_wait3A_1704] : memref<32x1025xf32, #tpu.memory_space<vmem>> -> memref<8x128xf32, #tpu.memory_space<vmem>>
        tpu.wait_dma2 semaphore(%arg14 : memref<!tpu.dma_semaphore, #tpu.memory_space<semaphore_mem>>) src(%dma_wait3A_1705 : memref<8x128xf32, #tpu.memory_space<vmem>>) dst(%dma_wait3A_1702 : memref<8x128xf32, #tpu.memory_space<hbm>>)
        %dma_wait3A_1706 = arith.constant 0 : i32
        %dma_wait3A_1707 = arith.constant 0 : i32
        %dma_wait3A_1708 = arith.constant 0 : i32
        %dma_wait3A_1709 = tpu.memref_slice %arg10[%dma_wait3A_1707, %dma_wait3A_1708] : memref<32x1025xf32, #tpu.memory_space<vmem>> -> memref<8x128xf32, #tpu.memory_space<vmem>>
        %dma_wait3A_1710 = arith.constant 0 : i32
        %dma_wait3A_1711 = arith.constant 0 : i32
        %dma_wait3A_1712 = tpu.memref_slice %arg4[%add3A, %dma_wait3A_1706, %mul3A_370, %dma_wait3A_1710, %dma_wait3A_1711] : memref<4x8x64x8x128xf32, #tpu.memory_space<hbm>> -> memref<1x1x1x8x128xf32, #tpu.memory_space<hbm>>
        %dma_wait3A_1713 = tpu.memref_squeeze %dma_wait3A_1712 : memref<1x1x1x8x128xf32, #tpu.memory_space<hbm>> -> memref<8x128xf32, #tpu.memory_space<hbm>>
        %dma_wait3A_1714 = arith.constant 0 : i32
        %dma_wait3A_1715 = arith.constant 0 : i32
        %dma_wait3A_1716 = tpu.memref_slice %arg4[%add3A, %dma_wait3A_1706, %mul3A_370, %dma_wait3A_1714, %dma_wait3A_1715] : memref<4x8x64x8x128xf32, #tpu.memory_space<hbm>> -> memref<1x1x1x8x128xf32, #tpu.memory_space<hbm>>
        %dma_wait3A_1717 = tpu.memref_squeeze %dma_wait3A_1716 : memref<1x1x1x8x128xf32, #tpu.memory_space<hbm>> -> memref<8x128xf32, #tpu.memory_space<hbm>>
        %dma_wait3A_1718 = arith.constant 0 : i32
        %dma_wait3A_1719 = arith.constant 0 : i32
        %dma_wait3A_1720 = tpu.memref_slice %arg10[%dma_wait3A_1718, %dma_wait3A_1719] : memref<32x1025xf32, #tpu.memory_space<vmem>> -> memref<8x128xf32, #tpu.memory_space<vmem>>
        tpu.wait_dma2 semaphore(%arg14 : memref<!tpu.dma_semaphore, #tpu.memory_space<semaphore_mem>>) src(%dma_wait3A_1720 : memref<8x128xf32, #tpu.memory_space<vmem>>) dst(%dma_wait3A_1717 : memref<8x128xf32, #tpu.memory_space<hbm>>)
        %dma_wait3A_1721 = arith.constant 0 : i32
        %dma_wait3A_1722 = arith.constant 0 : i32
        %dma_wait3A_1723 = arith.constant 0 : i32
        %dma_wait3A_1724 = tpu.memref_slice %arg10[%dma_wait3A_1722, %dma_wait3A_1723] : memref<32x1025xf32, #tpu.memory_space<vmem>> -> memref<8x128xf32, #tpu.memory_space<vmem>>
        %dma_wait3A_1725 = arith.constant 0 : i32
        %dma_wait3A_1726 = arith.constant 0 : i32
        %dma_wait3A_1727 = tpu.memref_slice %arg4[%add3A, %dma_wait3A_1721, %mul3A_370, %dma_wait3A_1725, %dma_wait3A_1726] : memref<4x8x64x8x128xf32, #tpu.memory_space<hbm>> -> memref<1x1x1x8x128xf32, #tpu.memory_space<hbm>>
        %dma_wait3A_1728 = tpu.memref_squeeze %dma_wait3A_1727 : memref<1x1x1x8x128xf32, #tpu.memory_space<hbm>> -> memref<8x128xf32, #tpu.memory_space<hbm>>
        %dma_wait3A_1729 = arith.constant 0 : i32
        %dma_wait3A_1730 = arith.constant 0 : i32
        %dma_wait3A_1731 = tpu.memref_slice %arg4[%add3A, %dma_wait3A_1721, %mul3A_370, %dma_wait3A_1729, %dma_wait3A_1730] : memref<4x8x64x8x128xf32, #tpu.memory_space<hbm>> -> memref<1x1x1x8x128xf32, #tpu.memory_space<hbm>>
        %dma_wait3A_1732 = tpu.memref_squeeze %dma_wait3A_1731 : memref<1x1x1x8x128xf32, #tpu.memory_space<hbm>> -> memref<8x128xf32, #tpu.memory_space<hbm>>
        %dma_wait3A_1733 = arith.constant 0 : i32
        %dma_wait3A_1734 = arith.constant 0 : i32
        %dma_wait3A_1735 = tpu.memref_slice %arg10[%dma_wait3A_1733, %dma_wait3A_1734] : memref<32x1025xf32, #tpu.memory_space<vmem>> -> memref<8x128xf32, #tpu.memory_space<vmem>>
        tpu.wait_dma2 semaphore(%arg14 : memref<!tpu.dma_semaphore, #tpu.memory_space<semaphore_mem>>) src(%dma_wait3A_1735 : memref<8x128xf32, #tpu.memory_space<vmem>>) dst(%dma_wait3A_1732 : memref<8x128xf32, #tpu.memory_space<hbm>>)
        %dma_wait3A_1736 = arith.constant 0 : i32
        %dma_wait3A_1737 = arith.constant 0 : i32
        %dma_wait3A_1738 = arith.constant 0 : i32
        %dma_wait3A_1739 = tpu.memref_slice %arg10[%dma_wait3A_1737, %dma_wait3A_1738] : memref<32x1025xf32, #tpu.memory_space<vmem>> -> memref<8x128xf32, #tpu.memory_space<vmem>>
        %dma_wait3A_1740 = arith.constant 0 : i32
        %dma_wait3A_1741 = arith.constant 0 : i32
        %dma_wait3A_1742 = tpu.memref_slice %arg4[%add3A, %dma_wait3A_1736, %mul3A_370, %dma_wait3A_1740, %dma_wait3A_1741] : memref<4x8x64x8x128xf32, #tpu.memory_space<hbm>> -> memref<1x1x1x8x128xf32, #tpu.memory_space<hbm>>
        %dma_wait3A_1743 = tpu.memref_squeeze %dma_wait3A_1742 : memref<1x1x1x8x128xf32, #tpu.memory_space<hbm>> -> memref<8x128xf32, #tpu.memory_space<hbm>>
        %dma_wait3A_1744 = arith.constant 0 : i32
        %dma_wait3A_1745 = arith.constant 0 : i32
        %dma_wait3A_1746 = tpu.memref_slice %arg4[%add3A, %dma_wait3A_1736, %mul3A_370, %dma_wait3A_1744, %dma_wait3A_1745] : memref<4x8x64x8x128xf32, #tpu.memory_space<hbm>> -> memref<1x1x1x8x128xf32, #tpu.memory_space<hbm>>
        %dma_wait3A_1747 = tpu.memref_squeeze %dma_wait3A_1746 : memref<1x1x1x8x128xf32, #tpu.memory_space<hbm>> -> memref<8x128xf32, #tpu.memory_space<hbm>>
        %dma_wait3A_1748 = arith.constant 0 : i32
        %dma_wait3A_1749 = arith.constant 0 : i32
        %dma_wait3A_1750 = tpu.memref_slice %arg10[%dma_wait3A_1748, %dma_wait3A_1749] : memref<32x1025xf32, #tpu.memory_space<vmem>> -> memref<8x128xf32, #tpu.memory_space<vmem>>
        tpu.wait_dma2 semaphore(%arg14 : memref<!tpu.dma_semaphore, #tpu.memory_space<semaphore_mem>>) src(%dma_wait3A_1750 : memref<8x128xf32, #tpu.memory_space<vmem>>) dst(%dma_wait3A_1747 : memref<8x128xf32, #tpu.memory_space<hbm>>)
        %dma_wait3A_1751 = arith.constant 0 : i32
        %dma_wait3A_1752 = arith.constant 0 : i32
        %dma_wait3A_1753 = arith.constant 0 : i32
        %dma_wait3A_1754 = tpu.memref_slice %arg10[%dma_wait3A_1752, %dma_wait3A_1753] : memref<32x1025xf32, #tpu.memory_space<vmem>> -> memref<8x128xf32, #tpu.memory_space<vmem>>
        %dma_wait3A_1755 = arith.constant 0 : i32
        %dma_wait3A_1756 = arith.constant 0 : i32
        %dma_wait3A_1757 = tpu.memref_slice %arg4[%add3A, %dma_wait3A_1751, %mul3A_370, %dma_wait3A_1755, %dma_wait3A_1756] : memref<4x8x64x8x128xf32, #tpu.memory_space<hbm>> -> memref<1x1x1x8x128xf32, #tpu.memory_space<hbm>>
        %dma_wait3A_1758 = tpu.memref_squeeze %dma_wait3A_1757 : memref<1x1x1x8x128xf32, #tpu.memory_space<hbm>> -> memref<8x128xf32, #tpu.memory_space<hbm>>
        %dma_wait3A_1759 = arith.constant 0 : i32
        %dma_wait3A_1760 = arith.constant 0 : i32
        %dma_wait3A_1761 = tpu.memref_slice %arg4[%add3A, %dma_wait3A_1751, %mul3A_370, %dma_wait3A_1759, %dma_wait3A_1760] : memref<4x8x64x8x128xf32, #tpu.memory_space<hbm>> -> memref<1x1x1x8x128xf32, #tpu.memory_space<hbm>>
        %dma_wait3A_1762 = tpu.memref_squeeze %dma_wait3A_1761 : memref<1x1x1x8x128xf32, #tpu.memory_space<hbm>> -> memref<8x128xf32, #tpu.memory_space<hbm>>
        %dma_wait3A_1763 = arith.constant 0 : i32
        %dma_wait3A_1764 = arith.constant 0 : i32
        %dma_wait3A_1765 = tpu.memref_slice %arg10[%dma_wait3A_1763, %dma_wait3A_1764] : memref<32x1025xf32, #tpu.memory_space<vmem>> -> memref<8x128xf32, #tpu.memory_space<vmem>>
        tpu.wait_dma2 semaphore(%arg14 : memref<!tpu.dma_semaphore, #tpu.memory_space<semaphore_mem>>) src(%dma_wait3A_1765 : memref<8x128xf32, #tpu.memory_space<vmem>>) dst(%dma_wait3A_1762 : memref<8x128xf32, #tpu.memory_space<hbm>>)
      } else {
      }
      %mul3A_1164 = arith.constant 16 : i32
      %mul3A_1165 = arith.muli %select_n3A_1161, %mul3A_1164 : i32
      %broadcast_in_dim3A_1166 = vector.broadcast %mul3A_1165 : i32 to vector<16xi32>
      %add3A_1167 = arith.addi %iota3A, %broadcast_in_dim3A_1166 : vector<16xi32>
      %scan3A_1168 = arith.constant 0 : i32
      %scan3A_1169 = arith.constant 0 : i32
      %scan3A_1170 = arith.constant 128 : i32
      %scan3A_1171 = arith.addi %scan3A_1169, %scan3A_1170 : i32
      %scan3A_1172 = arith.constant 1 : i32
      scf.for %scan3A_1526 = %scan3A_1169 to %scan3A_1171 step %scan3A_1172  : i32 {
        %mul3A_1527 = arith.constant 8 : i32
        %mul3A_1528 = arith.muli %scan3A_1526, %mul3A_1527 : i32
        %add3A_1529 = arith.constant 0 : i32
        %add3A_1530 = arith.addi %mul3A_1528, %add3A_1529 : i32
        %mul3A_1531 = arith.constant 16 : i32
        %mul3A_1532 = arith.muli %scan3A_1145, %mul3A_1531 : i32
        %get3A_1533 = arith.index_cast %add3A_1530 : i32 to index
        %get3A_1534 = arith.index_cast %mul3A_1532 : i32 to index
        %get3A_1535 = tpu.vector_load %arg9[%get3A_1533, %get3A_1534] {strides = array<i32>} : memref<1024x64xf32, #tpu.memory_space<vmem>>, vector<16xf32>,
        %add3A_1536 = arith.constant 1 : i32
        %add3A_1537 = arith.addi %mul3A_1528, %add3A_1536 : i32
        %mul3A_1538 = arith.constant 16 : i32
        %mul3A_1539 = arith.muli %scan3A_1145, %mul3A_1538 : i32
        %get3A_1540 = arith.index_cast %add3A_1537 : i32 to index
        %get3A_1541 = arith.index_cast %mul3A_1539 : i32 to index
        %get3A_1542 = tpu.vector_load %arg9[%get3A_1540, %get3A_1541] {strides = array<i32>} : memref<1024x64xf32, #tpu.memory_space<vmem>>, vector<16xf32>,
        %add3A_1543 = arith.constant 2 : i32
        %add3A_1544 = arith.addi %mul3A_1528, %add3A_1543 : i32
        %mul3A_1545 = arith.constant 16 : i32
        %mul3A_1546 = arith.muli %scan3A_1145, %mul3A_1545 : i32
        %get3A_1547 = arith.index_cast %add3A_1544 : i32 to index
        %get3A_1548 = arith.index_cast %mul3A_1546 : i32 to index
        %get3A_1549 = tpu.vector_load %arg9[%get3A_1547, %get3A_1548] {strides = array<i32>} : memref<1024x64xf32, #tpu.memory_space<vmem>>, vector<16xf32>,
        %add3A_1550 = arith.constant 3 : i32
        %add3A_1551 = arith.addi %mul3A_1528, %add3A_1550 : i32
        %mul3A_1552 = arith.constant 16 : i32
        %mul3A_1553 = arith.muli %scan3A_1145, %mul3A_1552 : i32
        %get3A_1554 = arith.index_cast %add3A_1551 : i32 to index
        %get3A_1555 = arith.index_cast %mul3A_1553 : i32 to index
        %get3A_1556 = tpu.vector_load %arg9[%get3A_1554, %get3A_1555] {strides = array<i32>} : memref<1024x64xf32, #tpu.memory_space<vmem>>, vector<16xf32>,
        %add3A_1557 = arith.constant 4 : i32
        %add3A_1558 = arith.addi %mul3A_1528, %add3A_1557 : i32
        %mul3A_1559 = arith.constant 16 : i32
        %mul3A_1560 = arith.muli %scan3A_1145, %mul3A_1559 : i32
        %get3A_1561 = arith.index_cast %add3A_1558 : i32 to index
        %get3A_1562 = arith.index_cast %mul3A_1560 : i32 to index
        %get3A_1563 = tpu.vector_load %arg9[%get3A_1561, %get3A_1562] {strides = array<i32>} : memref<1024x64xf32, #tpu.memory_space<vmem>>, vector<16xf32>,
        %add3A_1564 = arith.constant 5 : i32
        %add3A_1565 = arith.addi %mul3A_1528, %add3A_1564 : i32
        %mul3A_1566 = arith.constant 16 : i32
        %mul3A_1567 = arith.muli %scan3A_1145, %mul3A_1566 : i32
        %get3A_1568 = arith.index_cast %add3A_1565 : i32 to index
        %get3A_1569 = arith.index_cast %mul3A_1567 : i32 to index
        %get3A_1570 = tpu.vector_load %arg9[%get3A_1568, %get3A_1569] {strides = array<i32>} : memref<1024x64xf32, #tpu.memory_space<vmem>>, vector<16xf32>,
        %add3A_1571 = arith.constant 6 : i32
        %add3A_1572 = arith.addi %mul3A_1528, %add3A_1571 : i32
        %mul3A_1573 = arith.constant 16 : i32
        %mul3A_1574 = arith.muli %scan3A_1145, %mul3A_1573 : i32
        %get3A_1575 = arith.index_cast %add3A_1572 : i32 to index
        %get3A_1576 = arith.index_cast %mul3A_1574 : i32 to index
        %get3A_1577 = tpu.vector_load %arg9[%get3A_1575, %get3A_1576] {strides = array<i32>} : memref<1024x64xf32, #tpu.memory_space<vmem>>, vector<16xf32>,
        %add3A_1578 = arith.constant 7 : i32
        %add3A_1579 = arith.addi %mul3A_1528, %add3A_1578 : i32
        %mul3A_1580 = arith.constant 16 : i32
        %mul3A_1581 = arith.muli %scan3A_1145, %mul3A_1580 : i32
        %get3A_1582 = arith.index_cast %add3A_1579 : i32 to index
        %get3A_1583 = arith.index_cast %mul3A_1581 : i32 to index
        %get3A_1584 = tpu.vector_load %arg9[%get3A_1582, %get3A_1583] {strides = array<i32>} : memref<1024x64xf32, #tpu.memory_space<vmem>>, vector<16xf32>,
        %add3A_1585 = arith.constant 0 : i32
        %add3A_1586 = arith.addi %mul3A_1528, %add3A_1585 : i32
        %broadcast_in_dim3A_1587 = vector.broadcast %add3A_1586 : i32 to vector<16xi32>
        tpu.vector_store_idx %arg10[%add3A_1167, %broadcast_in_dim3A_1587], %get3A_1535 : memref<32x1025xf32, #tpu.memory_space<vmem>>[vector<16xi32>, vector<16xi32>], vector<16xf32>,
        %add3A_1588 = arith.constant 1 : i32
        %add3A_1589 = arith.addi %mul3A_1528, %add3A_1588 : i32
        %broadcast_in_dim3A_1590 = vector.broadcast %add3A_1589 : i32 to vector<16xi32>
        tpu.vector_store_idx %arg10[%add3A_1167, %broadcast_in_dim3A_1590], %get3A_1542 : memref<32x1025xf32, #tpu.memory_space<vmem>>[vector<16xi32>, vector<16xi32>], vector<16xf32>,
        %add3A_1591 = arith.constant 2 : i32
        %add3A_1592 = arith.addi %mul3A_1528, %add3A_1591 : i32
        %broadcast_in_dim3A_1593 = vector.broadcast %add3A_1592 : i32 to vector<16xi32>
        tpu.vector_store_idx %arg10[%add3A_1167, %broadcast_in_dim3A_1593], %get3A_1549 : memref<32x1025xf32, #tpu.memory_space<vmem>>[vector<16xi32>, vector<16xi32>], vector<16xf32>,
        %add3A_1594 = arith.constant 3 : i32
        %add3A_1595 = arith.addi %mul3A_1528, %add3A_1594 : i32
        %broadcast_in_dim3A_1596 = vector.broadcast %add3A_1595 : i32 to vector<16xi32>
        tpu.vector_store_idx %arg10[%add3A_1167, %broadcast_in_dim3A_1596], %get3A_1556 : memref<32x1025xf32, #tpu.memory_space<vmem>>[vector<16xi32>, vector<16xi32>], vector<16xf32>,
        %add3A_1597 = arith.constant 4 : i32
        %add3A_1598 = arith.addi %mul3A_1528, %add3A_1597 : i32
        %broadcast_in_dim3A_1599 = vector.broadcast %add3A_1598 : i32 to vector<16xi32>
        tpu.vector_store_idx %arg10[%add3A_1167, %broadcast_in_dim3A_1599], %get3A_1563 : memref<32x1025xf32, #tpu.memory_space<vmem>>[vector<16xi32>, vector<16xi32>], vector<16xf32>,
        %add3A_1600 = arith.constant 5 : i32
        %add3A_1601 = arith.addi %mul3A_1528, %add3A_1600 : i32
        %broadcast_in_dim3A_1602 = vector.broadcast %add3A_1601 : i32 to vector<16xi32>
        tpu.vector_store_idx %arg10[%add3A_1167, %broadcast_in_dim3A_1602], %get3A_1570 : memref<32x1025xf32, #tpu.memory_space<vmem>>[vector<16xi32>, vector<16xi32>], vector<16xf32>,
        %add3A_1603 = arith.constant 6 : i32
        %add3A_1604 = arith.addi %mul3A_1528, %add3A_1603 : i32
        %broadcast_in_dim3A_1605 = vector.broadcast %add3A_1604 : i32 to vector<16xi32>
        tpu.vector_store_idx %arg10[%add3A_1167, %broadcast_in_dim3A_1605], %get3A_1577 : memref<32x1025xf32, #tpu.memory_space<vmem>>[vector<16xi32>, vector<16xi32>], vector<16xf32>,
        %add3A_1606 = arith.constant 7 : i32
        %add3A_1607 = arith.addi %mul3A_1528, %add3A_1606 : i32
        %broadcast_in_dim3A_1608 = vector.broadcast %add3A_1607 : i32 to vector<16xi32>
        tpu.vector_store_idx %arg10[%add3A_1167, %broadcast_in_dim3A_1608], %get3A_1584 : memref<32x1025xf32, #tpu.memory_space<vmem>>[vector<16xi32>, vector<16xi32>], vector<16xf32>,
      }
      %scan3A_1173 = arith.constant 128 : i32
      %mul3A_1174 = arith.constant 16 : i32
      %mul3A_1175 = arith.muli %select_n3A_1161, %mul3A_1174 : i32
      %add3A_1176 = arith.constant 0 : i32
      %add3A_1177 = arith.addi %mul3A_1175, %add3A_1176 : i32
      %mul3A_1178 = arith.constant 2 : i32
      %mul3A_1179 = arith.muli %mul3A_1178, %scan3A_1145 : i32
      %add3A_1180 = arith.constant 0 : i32
      %add3A_1181 = arith.addi %mul3A_1179, %add3A_1180 : i32
      %add3A_1182 = arith.constant 0 : i32
      %add3A_1183 = arith.addi %mul3A_370, %add3A_1182 : i32
      %dma_start3A_1184 = arith.constant 0 : i32
      %dma_start3A_1185 = tpu.memref_slice %arg10[%add3A_1177, %dma_start3A_1184] : memref<32x1025xf32, #tpu.memory_space<vmem>> -> memref<8x128xf32, #tpu.memory_space<vmem>>
      %dma_start3A_1186 = arith.constant 0 : i32
      %dma_start3A_1187 = arith.constant 0 : i32
      %dma_start3A_1188 = tpu.memref_slice %arg4[%add3A, %add3A_1181, %add3A_1183, %dma_start3A_1186, %dma_start3A_1187] : memref<4x8x64x8x128xf32, #tpu.memory_space<hbm>> -> memref<1x1x1x8x128xf32, #tpu.memory_space<hbm>>
      %dma_start3A_1189 = tpu.memref_squeeze %dma_start3A_1188 : memref<1x1x1x8x128xf32, #tpu.memory_space<hbm>> -> memref<8x128xf32, #tpu.memory_space<hbm>>
      %dma_start3A_1190 = arith.constant 0 : i32
      %dma_start3A_1191 = arith.constant 0 : i32
      %dma_start3A_1192 = tpu.memref_slice %arg4[%add3A, %add3A_1181, %add3A_1183, %dma_start3A_1190, %dma_start3A_1191] : memref<4x8x64x8x128xf32, #tpu.memory_space<hbm>> -> memref<1x1x1x8x128xf32, #tpu.memory_space<hbm>>
      %dma_start3A_1193 = tpu.memref_squeeze %dma_start3A_1192 : memref<1x1x1x8x128xf32, #tpu.memory_space<hbm>> -> memref<8x128xf32, #tpu.memory_space<hbm>>
      %dma_start3A_1194 = arith.constant 0 : i32
      %dma_start3A_1195 = tpu.memref_slice %arg10[%add3A_1177, %dma_start3A_1194] : memref<32x1025xf32, #tpu.memory_space<vmem>> -> memref<8x128xf32, #tpu.memory_space<vmem>>
      tpu.enqueue_dma source(%dma_start3A_1195 : memref<8x128xf32, #tpu.memory_space<vmem>>) target(%dma_start3A_1193 : memref<8x128xf32, #tpu.memory_space<hbm>>) target_semaphore(%arg14 : memref<!tpu.dma_semaphore, #tpu.memory_space<semaphore_mem>>)
      %mul3A_1196 = arith.constant 16 : i32
      %mul3A_1197 = arith.muli %select_n3A_1161, %mul3A_1196 : i32
      %add3A_1198 = arith.constant 0 : i32
      %add3A_1199 = arith.addi %mul3A_1197, %add3A_1198 : i32
      %mul3A_1200 = arith.constant 2 : i32
      %mul3A_1201 = arith.muli %mul3A_1200, %scan3A_1145 : i32
      %add3A_1202 = arith.constant 0 : i32
      %add3A_1203 = arith.addi %mul3A_1201, %add3A_1202 : i32
      %add3A_1204 = arith.constant 1 : i32
      %add3A_1205 = arith.addi %mul3A_370, %add3A_1204 : i32
      %dma_start3A_1206 = arith.constant 128 : i32
      %dma_start3A_1207 = tpu.memref_slice %arg10[%add3A_1199, %dma_start3A_1206] : memref<32x1025xf32, #tpu.memory_space<vmem>> -> memref<8x128xf32, #tpu.memory_space<vmem>>
      %dma_start3A_1208 = arith.constant 0 : i32
      %dma_start3A_1209 = arith.constant 0 : i32
      %dma_start3A_1210 = tpu.memref_slice %arg4[%add3A, %add3A_1203, %add3A_1205, %dma_start3A_1208, %dma_start3A_1209] : memref<4x8x64x8x128xf32, #tpu.memory_space<hbm>> -> memref<1x1x1x8x128xf32, #tpu.memory_space<hbm>>
      %dma_start3A_1211 = tpu.memref_squeeze %dma_start3A_1210 : memref<1x1x1x8x128xf32, #tpu.memory_space<hbm>> -> memref<8x128xf32, #tpu.memory_space<hbm>>
      %dma_start3A_1212 = arith.constant 0 : i32
      %dma_start3A_1213 = arith.constant 0 : i32
      %dma_start3A_1214 = tpu.memref_slice %arg4[%add3A, %add3A_1203, %add3A_1205, %dma_start3A_1212, %dma_start3A_1213] : memref<4x8x64x8x128xf32, #tpu.memory_space<hbm>> -> memref<1x1x1x8x128xf32, #tpu.memory_space<hbm>>
      %dma_start3A_1215 = tpu.memref_squeeze %dma_start3A_1214 : memref<1x1x1x8x128xf32, #tpu.memory_space<hbm>> -> memref<8x128xf32, #tpu.memory_space<hbm>>
      %dma_start3A_1216 = arith.constant 128 : i32
      %dma_start3A_1217 = tpu.memref_slice %arg10[%add3A_1199, %dma_start3A_1216] : memref<32x1025xf32, #tpu.memory_space<vmem>> -> memref<8x128xf32, #tpu.memory_space<vmem>>
      tpu.enqueue_dma source(%dma_start3A_1217 : memref<8x128xf32, #tpu.memory_space<vmem>>) target(%dma_start3A_1215 : memref<8x128xf32, #tpu.memory_space<hbm>>) target_semaphore(%arg14 : memref<!tpu.dma_semaphore, #tpu.memory_space<semaphore_mem>>)
      %mul3A_1218 = arith.constant 16 : i32
      %mul3A_1219 = arith.muli %select_n3A_1161, %mul3A_1218 : i32
      %add3A_1220 = arith.constant 0 : i32
      %add3A_1221 = arith.addi %mul3A_1219, %add3A_1220 : i32
      %mul3A_1222 = arith.constant 2 : i32
      %mul3A_1223 = arith.muli %mul3A_1222, %scan3A_1145 : i32
      %add3A_1224 = arith.constant 0 : i32
      %add3A_1225 = arith.addi %mul3A_1223, %add3A_1224 : i32
      %add3A_1226 = arith.constant 2 : i32
      %add3A_1227 = arith.addi %mul3A_370, %add3A_1226 : i32
      %dma_start3A_1228 = arith.constant 256 : i32
      %dma_start3A_1229 = tpu.memref_slice %arg10[%add3A_1221, %dma_start3A_1228] : memref<32x1025xf32, #tpu.memory_space<vmem>> -> memref<8x128xf32, #tpu.memory_space<vmem>>
      %dma_start3A_1230 = arith.constant 0 : i32
      %dma_start3A_1231 = arith.constant 0 : i32
      %dma_start3A_1232 = tpu.memref_slice %arg4[%add3A, %add3A_1225, %add3A_1227, %dma_start3A_1230, %dma_start3A_1231] : memref<4x8x64x8x128xf32, #tpu.memory_space<hbm>> -> memref<1x1x1x8x128xf32, #tpu.memory_space<hbm>>
      %dma_start3A_1233 = tpu.memref_squeeze %dma_start3A_1232 : memref<1x1x1x8x128xf32, #tpu.memory_space<hbm>> -> memref<8x128xf32, #tpu.memory_space<hbm>>
      %dma_start3A_1234 = arith.constant 0 : i32
      %dma_start3A_1235 = arith.constant 0 : i32
      %dma_start3A_1236 = tpu.memref_slice %arg4[%add3A, %add3A_1225, %add3A_1227, %dma_start3A_1234, %dma_start3A_1235] : memref<4x8x64x8x128xf32, #tpu.memory_space<hbm>> -> memref<1x1x1x8x128xf32, #tpu.memory_space<hbm>>
      %dma_start3A_1237 = tpu.memref_squeeze %dma_start3A_1236 : memref<1x1x1x8x128xf32, #tpu.memory_space<hbm>> -> memref<8x128xf32, #tpu.memory_space<hbm>>
      %dma_start3A_1238 = arith.constant 256 : i32
      %dma_start3A_1239 = tpu.memref_slice %arg10[%add3A_1221, %dma_start3A_1238] : memref<32x1025xf32, #tpu.memory_space<vmem>> -> memref<8x128xf32, #tpu.memory_space<vmem>>
      tpu.enqueue_dma source(%dma_start3A_1239 : memref<8x128xf32, #tpu.memory_space<vmem>>) target(%dma_start3A_1237 : memref<8x128xf32, #tpu.memory_space<hbm>>) target_semaphore(%arg14 : memref<!tpu.dma_semaphore, #tpu.memory_space<semaphore_mem>>)
      %mul3A_1240 = arith.constant 16 : i32
      %mul3A_1241 = arith.muli %select_n3A_1161, %mul3A_1240 : i32
      %add3A_1242 = arith.constant 0 : i32
      %add3A_1243 = arith.addi %mul3A_1241, %add3A_1242 : i32
      %mul3A_1244 = arith.constant 2 : i32
      %mul3A_1245 = arith.muli %mul3A_1244, %scan3A_1145 : i32
      %add3A_1246 = arith.constant 0 : i32
      %add3A_1247 = arith.addi %mul3A_1245, %add3A_1246 : i32
      %add3A_1248 = arith.constant 3 : i32
      %add3A_1249 = arith.addi %mul3A_370, %add3A_1248 : i32
      %dma_start3A_1250 = arith.constant 384 : i32
      %dma_start3A_1251 = tpu.memref_slice %arg10[%add3A_1243, %dma_start3A_1250] : memref<32x1025xf32, #tpu.memory_space<vmem>> -> memref<8x128xf32, #tpu.memory_space<vmem>>
      %dma_start3A_1252 = arith.constant 0 : i32
      %dma_start3A_1253 = arith.constant 0 : i32
      %dma_start3A_1254 = tpu.memref_slice %arg4[%add3A, %add3A_1247, %add3A_1249, %dma_start3A_1252, %dma_start3A_1253] : memref<4x8x64x8x128xf32, #tpu.memory_space<hbm>> -> memref<1x1x1x8x128xf32, #tpu.memory_space<hbm>>
      %dma_start3A_1255 = tpu.memref_squeeze %dma_start3A_1254 : memref<1x1x1x8x128xf32, #tpu.memory_space<hbm>> -> memref<8x128xf32, #tpu.memory_space<hbm>>
      %dma_start3A_1256 = arith.constant 0 : i32
      %dma_start3A_1257 = arith.constant 0 : i32
      %dma_start3A_1258 = tpu.memref_slice %arg4[%add3A, %add3A_1247, %add3A_1249, %dma_start3A_1256, %dma_start3A_1257] : memref<4x8x64x8x128xf32, #tpu.memory_space<hbm>> -> memref<1x1x1x8x128xf32, #tpu.memory_space<hbm>>
      %dma_start3A_1259 = tpu.memref_squeeze %dma_start3A_1258 : memref<1x1x1x8x128xf32, #tpu.memory_space<hbm>> -> memref<8x128xf32, #tpu.memory_space<hbm>>
      %dma_start3A_1260 = arith.constant 384 : i32
      %dma_start3A_1261 = tpu.memref_slice %arg10[%add3A_1243, %dma_start3A_1260] : memref<32x1025xf32, #tpu.memory_space<vmem>> -> memref<8x128xf32, #tpu.memory_space<vmem>>
      tpu.enqueue_dma source(%dma_start3A_1261 : memref<8x128xf32, #tpu.memory_space<vmem>>) target(%dma_start3A_1259 : memref<8x128xf32, #tpu.memory_space<hbm>>) target_semaphore(%arg14 : memref<!tpu.dma_semaphore, #tpu.memory_space<semaphore_mem>>)
      %mul3A_1262 = arith.constant 16 : i32
      %mul3A_1263 = arith.muli %select_n3A_1161, %mul3A_1262 : i32
      %add3A_1264 = arith.constant 0 : i32
      %add3A_1265 = arith.addi %mul3A_1263, %add3A_1264 : i32
      %mul3A_1266 = arith.constant 2 : i32
      %mul3A_1267 = arith.muli %mul3A_1266, %scan3A_1145 : i32
      %add3A_1268 = arith.constant 0 : i32
      %add3A_1269 = arith.addi %mul3A_1267, %add3A_1268 : i32
      %add3A_1270 = arith.constant 4 : i32
      %add3A_1271 = arith.addi %mul3A_370, %add3A_1270 : i32
      %dma_start3A_1272 = arith.constant 512 : i32
      %dma_start3A_1273 = tpu.memref_slice %arg10[%add3A_1265, %dma_start3A_1272] : memref<32x1025xf32, #tpu.memory_space<vmem>> -> memref<8x128xf32, #tpu.memory_space<vmem>>
      %dma_start3A_1274 = arith.constant 0 : i32
      %dma_start3A_1275 = arith.constant 0 : i32
      %dma_start3A_1276 = tpu.memref_slice %arg4[%add3A, %add3A_1269, %add3A_1271, %dma_start3A_1274, %dma_start3A_1275] : memref<4x8x64x8x128xf32, #tpu.memory_space<hbm>> -> memref<1x1x1x8x128xf32, #tpu.memory_space<hbm>>
      %dma_start3A_1277 = tpu.memref_squeeze %dma_start3A_1276 : memref<1x1x1x8x128xf32, #tpu.memory_space<hbm>> -> memref<8x128xf32, #tpu.memory_space<hbm>>
      %dma_start3A_1278 = arith.constant 0 : i32
      %dma_start3A_1279 = arith.constant 0 : i32
      %dma_start3A_1280 = tpu.memref_slice %arg4[%add3A, %add3A_1269, %add3A_1271, %dma_start3A_1278, %dma_start3A_1279] : memref<4x8x64x8x128xf32, #tpu.memory_space<hbm>> -> memref<1x1x1x8x128xf32, #tpu.memory_space<hbm>>
      %dma_start3A_1281 = tpu.memref_squeeze %dma_start3A_1280 : memref<1x1x1x8x128xf32, #tpu.memory_space<hbm>> -> memref<8x128xf32, #tpu.memory_space<hbm>>
      %dma_start3A_1282 = arith.constant 512 : i32
      %dma_start3A_1283 = tpu.memref_slice %arg10[%add3A_1265, %dma_start3A_1282] : memref<32x1025xf32, #tpu.memory_space<vmem>> -> memref<8x128xf32, #tpu.memory_space<vmem>>
      tpu.enqueue_dma source(%dma_start3A_1283 : memref<8x128xf32, #tpu.memory_space<vmem>>) target(%dma_start3A_1281 : memref<8x128xf32, #tpu.memory_space<hbm>>) target_semaphore(%arg14 : memref<!tpu.dma_semaphore, #tpu.memory_space<semaphore_mem>>)
      %mul3A_1284 = arith.constant 16 : i32
      %mul3A_1285 = arith.muli %select_n3A_1161, %mul3A_1284 : i32
      %add3A_1286 = arith.constant 0 : i32
      %add3A_1287 = arith.addi %mul3A_1285, %add3A_1286 : i32
      %mul3A_1288 = arith.constant 2 : i32
      %mul3A_1289 = arith.muli %mul3A_1288, %scan3A_1145 : i32
      %add3A_1290 = arith.constant 0 : i32
      %add3A_1291 = arith.addi %mul3A_1289, %add3A_1290 : i32
      %add3A_1292 = arith.constant 5 : i32
      %add3A_1293 = arith.addi %mul3A_370, %add3A_1292 : i32
      %dma_start3A_1294 = arith.constant 640 : i32
      %dma_start3A_1295 = tpu.memref_slice %arg10[%add3A_1287, %dma_start3A_1294] : memref<32x1025xf32, #tpu.memory_space<vmem>> -> memref<8x128xf32, #tpu.memory_space<vmem>>
      %dma_start3A_1296 = arith.constant 0 : i32
      %dma_start3A_1297 = arith.constant 0 : i32
      %dma_start3A_1298 = tpu.memref_slice %arg4[%add3A, %add3A_1291, %add3A_1293, %dma_start3A_1296, %dma_start3A_1297] : memref<4x8x64x8x128xf32, #tpu.memory_space<hbm>> -> memref<1x1x1x8x128xf32, #tpu.memory_space<hbm>>
      %dma_start3A_1299 = tpu.memref_squeeze %dma_start3A_1298 : memref<1x1x1x8x128xf32, #tpu.memory_space<hbm>> -> memref<8x128xf32, #tpu.memory_space<hbm>>
      %dma_start3A_1300 = arith.constant 0 : i32
      %dma_start3A_1301 = arith.constant 0 : i32
      %dma_start3A_1302 = tpu.memref_slice %arg4[%add3A, %add3A_1291, %add3A_1293, %dma_start3A_1300, %dma_start3A_1301] : memref<4x8x64x8x128xf32, #tpu.memory_space<hbm>> -> memref<1x1x1x8x128xf32, #tpu.memory_space<hbm>>
      %dma_start3A_1303 = tpu.memref_squeeze %dma_start3A_1302 : memref<1x1x1x8x128xf32, #tpu.memory_space<hbm>> -> memref<8x128xf32, #tpu.memory_space<hbm>>
      %dma_start3A_1304 = arith.constant 640 : i32
      %dma_start3A_1305 = tpu.memref_slice %arg10[%add3A_1287, %dma_start3A_1304] : memref<32x1025xf32, #tpu.memory_space<vmem>> -> memref<8x128xf32, #tpu.memory_space<vmem>>
      tpu.enqueue_dma source(%dma_start3A_1305 : memref<8x128xf32, #tpu.memory_space<vmem>>) target(%dma_start3A_1303 : memref<8x128xf32, #tpu.memory_space<hbm>>) target_semaphore(%arg14 : memref<!tpu.dma_semaphore, #tpu.memory_space<semaphore_mem>>)
      %mul3A_1306 = arith.constant 16 : i32
      %mul3A_1307 = arith.muli %select_n3A_1161, %mul3A_1306 : i32
      %add3A_1308 = arith.constant 0 : i32
      %add3A_1309 = arith.addi %mul3A_1307, %add3A_1308 : i32
      %mul3A_1310 = arith.constant 2 : i32
      %mul3A_1311 = arith.muli %mul3A_1310, %scan3A_1145 : i32
      %add3A_1312 = arith.constant 0 : i32
      %add3A_1313 = arith.addi %mul3A_1311, %add3A_1312 : i32
      %add3A_1314 = arith.constant 6 : i32
      %add3A_1315 = arith.addi %mul3A_370, %add3A_1314 : i32
      %dma_start3A_1316 = arith.constant 768 : i32
      %dma_start3A_1317 = tpu.memref_slice %arg10[%add3A_1309, %dma_start3A_1316] : memref<32x1025xf32, #tpu.memory_space<vmem>> -> memref<8x128xf32, #tpu.memory_space<vmem>>
      %dma_start3A_1318 = arith.constant 0 : i32
      %dma_start3A_1319 = arith.constant 0 : i32
      %dma_start3A_1320 = tpu.memref_slice %arg4[%add3A, %add3A_1313, %add3A_1315, %dma_start3A_1318, %dma_start3A_1319] : memref<4x8x64x8x128xf32, #tpu.memory_space<hbm>> -> memref<1x1x1x8x128xf32, #tpu.memory_space<hbm>>
      %dma_start3A_1321 = tpu.memref_squeeze %dma_start3A_1320 : memref<1x1x1x8x128xf32, #tpu.memory_space<hbm>> -> memref<8x128xf32, #tpu.memory_space<hbm>>
      %dma_start3A_1322 = arith.constant 0 : i32
      %dma_start3A_1323 = arith.constant 0 : i32
      %dma_start3A_1324 = tpu.memref_slice %arg4[%add3A, %add3A_1313, %add3A_1315, %dma_start3A_1322, %dma_start3A_1323] : memref<4x8x64x8x128xf32, #tpu.memory_space<hbm>> -> memref<1x1x1x8x128xf32, #tpu.memory_space<hbm>>
      %dma_start3A_1325 = tpu.memref_squeeze %dma_start3A_1324 : memref<1x1x1x8x128xf32, #tpu.memory_space<hbm>> -> memref<8x128xf32, #tpu.memory_space<hbm>>
      %dma_start3A_1326 = arith.constant 768 : i32
      %dma_start3A_1327 = tpu.memref_slice %arg10[%add3A_1309, %dma_start3A_1326] : memref<32x1025xf32, #tpu.memory_space<vmem>> -> memref<8x128xf32, #tpu.memory_space<vmem>>
      tpu.enqueue_dma source(%dma_start3A_1327 : memref<8x128xf32, #tpu.memory_space<vmem>>) target(%dma_start3A_1325 : memref<8x128xf32, #tpu.memory_space<hbm>>) target_semaphore(%arg14 : memref<!tpu.dma_semaphore, #tpu.memory_space<semaphore_mem>>)
      %mul3A_1328 = arith.constant 16 : i32
      %mul3A_1329 = arith.muli %select_n3A_1161, %mul3A_1328 : i32
      %add3A_1330 = arith.constant 0 : i32
      %add3A_1331 = arith.addi %mul3A_1329, %add3A_1330 : i32
      %mul3A_1332 = arith.constant 2 : i32
      %mul3A_1333 = arith.muli %mul3A_1332, %scan3A_1145 : i32
      %add3A_1334 = arith.constant 0 : i32
      %add3A_1335 = arith.addi %mul3A_1333, %add3A_1334 : i32
      %add3A_1336 = arith.constant 7 : i32
      %add3A_1337 = arith.addi %mul3A_370, %add3A_1336 : i32
      %dma_start3A_1338 = arith.constant 896 : i32
      %dma_start3A_1339 = tpu.memref_slice %arg10[%add3A_1331, %dma_start3A_1338] : memref<32x1025xf32, #tpu.memory_space<vmem>> -> memref<8x128xf32, #tpu.memory_space<vmem>>
      %dma_start3A_1340 = arith.constant 0 : i32
      %dma_start3A_1341 = arith.constant 0 : i32
      %dma_start3A_1342 = tpu.memref_slice %arg4[%add3A, %add3A_1335, %add3A_1337, %dma_start3A_1340, %dma_start3A_1341] : memref<4x8x64x8x128xf32, #tpu.memory_space<hbm>> -> memref<1x1x1x8x128xf32, #tpu.memory_space<hbm>>
      %dma_start3A_1343 = tpu.memref_squeeze %dma_start3A_1342 : memref<1x1x1x8x128xf32, #tpu.memory_space<hbm>> -> memref<8x128xf32, #tpu.memory_space<hbm>>
      %dma_start3A_1344 = arith.constant 0 : i32
      %dma_start3A_1345 = arith.constant 0 : i32
      %dma_start3A_1346 = tpu.memref_slice %arg4[%add3A, %add3A_1335, %add3A_1337, %dma_start3A_1344, %dma_start3A_1345] : memref<4x8x64x8x128xf32, #tpu.memory_space<hbm>> -> memref<1x1x1x8x128xf32, #tpu.memory_space<hbm>>
      %dma_start3A_1347 = tpu.memref_squeeze %dma_start3A_1346 : memref<1x1x1x8x128xf32, #tpu.memory_space<hbm>> -> memref<8x128xf32, #tpu.memory_space<hbm>>
      %dma_start3A_1348 = arith.constant 896 : i32
      %dma_start3A_1349 = tpu.memref_slice %arg10[%add3A_1331, %dma_start3A_1348] : memref<32x1025xf32, #tpu.memory_space<vmem>> -> memref<8x128xf32, #tpu.memory_space<vmem>>
      tpu.enqueue_dma source(%dma_start3A_1349 : memref<8x128xf32, #tpu.memory_space<vmem>>) target(%dma_start3A_1347 : memref<8x128xf32, #tpu.memory_space<hbm>>) target_semaphore(%arg14 : memref<!tpu.dma_semaphore, #tpu.memory_space<semaphore_mem>>)
      %mul3A_1350 = arith.constant 16 : i32
      %mul3A_1351 = arith.muli %select_n3A_1161, %mul3A_1350 : i32
      %add3A_1352 = arith.constant 8 : i32
      %add3A_1353 = arith.addi %mul3A_1351, %add3A_1352 : i32
      %mul3A_1354 = arith.constant 2 : i32
      %mul3A_1355 = arith.muli %mul3A_1354, %scan3A_1145 : i32
      %add3A_1356 = arith.constant 1 : i32
      %add3A_1357 = arith.addi %mul3A_1355, %add3A_1356 : i32
      %add3A_1358 = arith.constant 0 : i32
      %add3A_1359 = arith.addi %mul3A_370, %add3A_1358 : i32
      %dma_start3A_1360 = arith.constant 0 : i32
      %dma_start3A_1361 = tpu.memref_slice %arg10[%add3A_1353, %dma_start3A_1360] : memref<32x1025xf32, #tpu.memory_space<vmem>> -> memref<8x128xf32, #tpu.memory_space<vmem>>
      %dma_start3A_1362 = arith.constant 0 : i32
      %dma_start3A_1363 = arith.constant 0 : i32
      %dma_start3A_1364 = tpu.memref_slice %arg4[%add3A, %add3A_1357, %add3A_1359, %dma_start3A_1362, %dma_start3A_1363] : memref<4x8x64x8x128xf32, #tpu.memory_space<hbm>> -> memref<1x1x1x8x128xf32, #tpu.memory_space<hbm>>
      %dma_start3A_1365 = tpu.memref_squeeze %dma_start3A_1364 : memref<1x1x1x8x128xf32, #tpu.memory_space<hbm>> -> memref<8x128xf32, #tpu.memory_space<hbm>>
      %dma_start3A_1366 = arith.constant 0 : i32
      %dma_start3A_1367 = arith.constant 0 : i32
      %dma_start3A_1368 = tpu.memref_slice %arg4[%add3A, %add3A_1357, %add3A_1359, %dma_start3A_1366, %dma_start3A_1367] : memref<4x8x64x8x128xf32, #tpu.memory_space<hbm>> -> memref<1x1x1x8x128xf32, #tpu.memory_space<hbm>>
      %dma_start3A_1369 = tpu.memref_squeeze %dma_start3A_1368 : memref<1x1x1x8x128xf32, #tpu.memory_space<hbm>> -> memref<8x128xf32, #tpu.memory_space<hbm>>
      %dma_start3A_1370 = arith.constant 0 : i32
      %dma_start3A_1371 = tpu.memref_slice %arg10[%add3A_1353, %dma_start3A_1370] : memref<32x1025xf32, #tpu.memory_space<vmem>> -> memref<8x128xf32, #tpu.memory_space<vmem>>
      tpu.enqueue_dma source(%dma_start3A_1371 : memref<8x128xf32, #tpu.memory_space<vmem>>) target(%dma_start3A_1369 : memref<8x128xf32, #tpu.memory_space<hbm>>) target_semaphore(%arg14 : memref<!tpu.dma_semaphore, #tpu.memory_space<semaphore_mem>>)
      %mul3A_1372 = arith.constant 16 : i32
      %mul3A_1373 = arith.muli %select_n3A_1161, %mul3A_1372 : i32
      %add3A_1374 = arith.constant 8 : i32
      %add3A_1375 = arith.addi %mul3A_1373, %add3A_1374 : i32
      %mul3A_1376 = arith.constant 2 : i32
      %mul3A_1377 = arith.muli %mul3A_1376, %scan3A_1145 : i32
      %add3A_1378 = arith.constant 1 : i32
      %add3A_1379 = arith.addi %mul3A_1377, %add3A_1378 : i32
      %add3A_1380 = arith.constant 1 : i32
      %add3A_1381 = arith.addi %mul3A_370, %add3A_1380 : i32
      %dma_start3A_1382 = arith.constant 128 : i32
      %dma_start3A_1383 = tpu.memref_slice %arg10[%add3A_1375, %dma_start3A_1382] : memref<32x1025xf32, #tpu.memory_space<vmem>> -> memref<8x128xf32, #tpu.memory_space<vmem>>
      %dma_start3A_1384 = arith.constant 0 : i32
      %dma_start3A_1385 = arith.constant 0 : i32
      %dma_start3A_1386 = tpu.memref_slice %arg4[%add3A, %add3A_1379, %add3A_1381, %dma_start3A_1384, %dma_start3A_1385] : memref<4x8x64x8x128xf32, #tpu.memory_space<hbm>> -> memref<1x1x1x8x128xf32, #tpu.memory_space<hbm>>
      %dma_start3A_1387 = tpu.memref_squeeze %dma_start3A_1386 : memref<1x1x1x8x128xf32, #tpu.memory_space<hbm>> -> memref<8x128xf32, #tpu.memory_space<hbm>>
      %dma_start3A_1388 = arith.constant 0 : i32
      %dma_start3A_1389 = arith.constant 0 : i32
      %dma_start3A_1390 = tpu.memref_slice %arg4[%add3A, %add3A_1379, %add3A_1381, %dma_start3A_1388, %dma_start3A_1389] : memref<4x8x64x8x128xf32, #tpu.memory_space<hbm>> -> memref<1x1x1x8x128xf32, #tpu.memory_space<hbm>>
      %dma_start3A_1391 = tpu.memref_squeeze %dma_start3A_1390 : memref<1x1x1x8x128xf32, #tpu.memory_space<hbm>> -> memref<8x128xf32, #tpu.memory_space<hbm>>
      %dma_start3A_1392 = arith.constant 128 : i32
      %dma_start3A_1393 = tpu.memref_slice %arg10[%add3A_1375, %dma_start3A_1392] : memref<32x1025xf32, #tpu.memory_space<vmem>> -> memref<8x128xf32, #tpu.memory_space<vmem>>
      tpu.enqueue_dma source(%dma_start3A_1393 : memref<8x128xf32, #tpu.memory_space<vmem>>) target(%dma_start3A_1391 : memref<8x128xf32, #tpu.memory_space<hbm>>) target_semaphore(%arg14 : memref<!tpu.dma_semaphore, #tpu.memory_space<semaphore_mem>>)
      %mul3A_1394 = arith.constant 16 : i32
      %mul3A_1395 = arith.muli %select_n3A_1161, %mul3A_1394 : i32
      %add3A_1396 = arith.constant 8 : i32
      %add3A_1397 = arith.addi %mul3A_1395, %add3A_1396 : i32
      %mul3A_1398 = arith.constant 2 : i32
      %mul3A_1399 = arith.muli %mul3A_1398, %scan3A_1145 : i32
      %add3A_1400 = arith.constant 1 : i32
      %add3A_1401 = arith.addi %mul3A_1399, %add3A_1400 : i32
      %add3A_1402 = arith.constant 2 : i32
      %add3A_1403 = arith.addi %mul3A_370, %add3A_1402 : i32
      %dma_start3A_1404 = arith.constant 256 : i32
      %dma_start3A_1405 = tpu.memref_slice %arg10[%add3A_1397, %dma_start3A_1404] : memref<32x1025xf32, #tpu.memory_space<vmem>> -> memref<8x128xf32, #tpu.memory_space<vmem>>
      %dma_start3A_1406 = arith.constant 0 : i32
      %dma_start3A_1407 = arith.constant 0 : i32
      %dma_start3A_1408 = tpu.memref_slice %arg4[%add3A, %add3A_1401, %add3A_1403, %dma_start3A_1406, %dma_start3A_1407] : memref<4x8x64x8x128xf32, #tpu.memory_space<hbm>> -> memref<1x1x1x8x128xf32, #tpu.memory_space<hbm>>
      %dma_start3A_1409 = tpu.memref_squeeze %dma_start3A_1408 : memref<1x1x1x8x128xf32, #tpu.memory_space<hbm>> -> memref<8x128xf32, #tpu.memory_space<hbm>>
      %dma_start3A_1410 = arith.constant 0 : i32
      %dma_start3A_1411 = arith.constant 0 : i32
      %dma_start3A_1412 = tpu.memref_slice %arg4[%add3A, %add3A_1401, %add3A_1403, %dma_start3A_1410, %dma_start3A_1411] : memref<4x8x64x8x128xf32, #tpu.memory_space<hbm>> -> memref<1x1x1x8x128xf32, #tpu.memory_space<hbm>>
      %dma_start3A_1413 = tpu.memref_squeeze %dma_start3A_1412 : memref<1x1x1x8x128xf32, #tpu.memory_space<hbm>> -> memref<8x128xf32, #tpu.memory_space<hbm>>
      %dma_start3A_1414 = arith.constant 256 : i32
      %dma_start3A_1415 = tpu.memref_slice %arg10[%add3A_1397, %dma_start3A_1414] : memref<32x1025xf32, #tpu.memory_space<vmem>> -> memref<8x128xf32, #tpu.memory_space<vmem>>
      tpu.enqueue_dma source(%dma_start3A_1415 : memref<8x128xf32, #tpu.memory_space<vmem>>) target(%dma_start3A_1413 : memref<8x128xf32, #tpu.memory_space<hbm>>) target_semaphore(%arg14 : memref<!tpu.dma_semaphore, #tpu.memory_space<semaphore_mem>>)
      %mul3A_1416 = arith.constant 16 : i32
      %mul3A_1417 = arith.muli %select_n3A_1161, %mul3A_1416 : i32
      %add3A_1418 = arith.constant 8 : i32
      %add3A_1419 = arith.addi %mul3A_1417, %add3A_1418 : i32
      %mul3A_1420 = arith.constant 2 : i32
      %mul3A_1421 = arith.muli %mul3A_1420, %scan3A_1145 : i32
      %add3A_1422 = arith.constant 1 : i32
      %add3A_1423 = arith.addi %mul3A_1421, %add3A_1422 : i32
      %add3A_1424 = arith.constant 3 : i32
      %add3A_1425 = arith.addi %mul3A_370, %add3A_1424 : i32
      %dma_start3A_1426 = arith.constant 384 : i32
      %dma_start3A_1427 = tpu.memref_slice %arg10[%add3A_1419, %dma_start3A_1426] : memref<32x1025xf32, #tpu.memory_space<vmem>> -> memref<8x128xf32, #tpu.memory_space<vmem>>
      %dma_start3A_1428 = arith.constant 0 : i32
      %dma_start3A_1429 = arith.constant 0 : i32
      %dma_start3A_1430 = tpu.memref_slice %arg4[%add3A, %add3A_1423, %add3A_1425, %dma_start3A_1428, %dma_start3A_1429] : memref<4x8x64x8x128xf32, #tpu.memory_space<hbm>> -> memref<1x1x1x8x128xf32, #tpu.memory_space<hbm>>
      %dma_start3A_1431 = tpu.memref_squeeze %dma_start3A_1430 : memref<1x1x1x8x128xf32, #tpu.memory_space<hbm>> -> memref<8x128xf32, #tpu.memory_space<hbm>>
      %dma_start3A_1432 = arith.constant 0 : i32
      %dma_start3A_1433 = arith.constant 0 : i32
      %dma_start3A_1434 = tpu.memref_slice %arg4[%add3A, %add3A_1423, %add3A_1425, %dma_start3A_1432, %dma_start3A_1433] : memref<4x8x64x8x128xf32, #tpu.memory_space<hbm>> -> memref<1x1x1x8x128xf32, #tpu.memory_space<hbm>>
      %dma_start3A_1435 = tpu.memref_squeeze %dma_start3A_1434 : memref<1x1x1x8x128xf32, #tpu.memory_space<hbm>> -> memref<8x128xf32, #tpu.memory_space<hbm>>
      %dma_start3A_1436 = arith.constant 384 : i32
      %dma_start3A_1437 = tpu.memref_slice %arg10[%add3A_1419, %dma_start3A_1436] : memref<32x1025xf32, #tpu.memory_space<vmem>> -> memref<8x128xf32, #tpu.memory_space<vmem>>
      tpu.enqueue_dma source(%dma_start3A_1437 : memref<8x128xf32, #tpu.memory_space<vmem>>) target(%dma_start3A_1435 : memref<8x128xf32, #tpu.memory_space<hbm>>) target_semaphore(%arg14 : memref<!tpu.dma_semaphore, #tpu.memory_space<semaphore_mem>>)
      %mul3A_1438 = arith.constant 16 : i32
      %mul3A_1439 = arith.muli %select_n3A_1161, %mul3A_1438 : i32
      %add3A_1440 = arith.constant 8 : i32
      %add3A_1441 = arith.addi %mul3A_1439, %add3A_1440 : i32
      %mul3A_1442 = arith.constant 2 : i32
      %mul3A_1443 = arith.muli %mul3A_1442, %scan3A_1145 : i32
      %add3A_1444 = arith.constant 1 : i32
      %add3A_1445 = arith.addi %mul3A_1443, %add3A_1444 : i32
      %add3A_1446 = arith.constant 4 : i32
      %add3A_1447 = arith.addi %mul3A_370, %add3A_1446 : i32
      %dma_start3A_1448 = arith.constant 512 : i32
      %dma_start3A_1449 = tpu.memref_slice %arg10[%add3A_1441, %dma_start3A_1448] : memref<32x1025xf32, #tpu.memory_space<vmem>> -> memref<8x128xf32, #tpu.memory_space<vmem>>
      %dma_start3A_1450 = arith.constant 0 : i32
      %dma_start3A_1451 = arith.constant 0 : i32
      %dma_start3A_1452 = tpu.memref_slice %arg4[%add3A, %add3A_1445, %add3A_1447, %dma_start3A_1450, %dma_start3A_1451] : memref<4x8x64x8x128xf32, #tpu.memory_space<hbm>> -> memref<1x1x1x8x128xf32, #tpu.memory_space<hbm>>
      %dma_start3A_1453 = tpu.memref_squeeze %dma_start3A_1452 : memref<1x1x1x8x128xf32, #tpu.memory_space<hbm>> -> memref<8x128xf32, #tpu.memory_space<hbm>>
      %dma_start3A_1454 = arith.constant 0 : i32
      %dma_start3A_1455 = arith.constant 0 : i32
      %dma_start3A_1456 = tpu.memref_slice %arg4[%add3A, %add3A_1445, %add3A_1447, %dma_start3A_1454, %dma_start3A_1455] : memref<4x8x64x8x128xf32, #tpu.memory_space<hbm>> -> memref<1x1x1x8x128xf32, #tpu.memory_space<hbm>>
      %dma_start3A_1457 = tpu.memref_squeeze %dma_start3A_1456 : memref<1x1x1x8x128xf32, #tpu.memory_space<hbm>> -> memref<8x128xf32, #tpu.memory_space<hbm>>
      %dma_start3A_1458 = arith.constant 512 : i32
      %dma_start3A_1459 = tpu.memref_slice %arg10[%add3A_1441, %dma_start3A_1458] : memref<32x1025xf32, #tpu.memory_space<vmem>> -> memref<8x128xf32, #tpu.memory_space<vmem>>
      tpu.enqueue_dma source(%dma_start3A_1459 : memref<8x128xf32, #tpu.memory_space<vmem>>) target(%dma_start3A_1457 : memref<8x128xf32, #tpu.memory_space<hbm>>) target_semaphore(%arg14 : memref<!tpu.dma_semaphore, #tpu.memory_space<semaphore_mem>>)
      %mul3A_1460 = arith.constant 16 : i32
      %mul3A_1461 = arith.muli %select_n3A_1161, %mul3A_1460 : i32
      %add3A_1462 = arith.constant 8 : i32
      %add3A_1463 = arith.addi %mul3A_1461, %add3A_1462 : i32
      %mul3A_1464 = arith.constant 2 : i32
      %mul3A_1465 = arith.muli %mul3A_1464, %scan3A_1145 : i32
      %add3A_1466 = arith.constant 1 : i32
      %add3A_1467 = arith.addi %mul3A_1465, %add3A_1466 : i32
      %add3A_1468 = arith.constant 5 : i32
      %add3A_1469 = arith.addi %mul3A_370, %add3A_1468 : i32
      %dma_start3A_1470 = arith.constant 640 : i32
      %dma_start3A_1471 = tpu.memref_slice %arg10[%add3A_1463, %dma_start3A_1470] : memref<32x1025xf32, #tpu.memory_space<vmem>> -> memref<8x128xf32, #tpu.memory_space<vmem>>
      %dma_start3A_1472 = arith.constant 0 : i32
      %dma_start3A_1473 = arith.constant 0 : i32
      %dma_start3A_1474 = tpu.memref_slice %arg4[%add3A, %add3A_1467, %add3A_1469, %dma_start3A_1472, %dma_start3A_1473] : memref<4x8x64x8x128xf32, #tpu.memory_space<hbm>> -> memref<1x1x1x8x128xf32, #tpu.memory_space<hbm>>
      %dma_start3A_1475 = tpu.memref_squeeze %dma_start3A_1474 : memref<1x1x1x8x128xf32, #tpu.memory_space<hbm>> -> memref<8x128xf32, #tpu.memory_space<hbm>>
      %dma_start3A_1476 = arith.constant 0 : i32
      %dma_start3A_1477 = arith.constant 0 : i32
      %dma_start3A_1478 = tpu.memref_slice %arg4[%add3A, %add3A_1467, %add3A_1469, %dma_start3A_1476, %dma_start3A_1477] : memref<4x8x64x8x128xf32, #tpu.memory_space<hbm>> -> memref<1x1x1x8x128xf32, #tpu.memory_space<hbm>>
      %dma_start3A_1479 = tpu.memref_squeeze %dma_start3A_1478 : memref<1x1x1x8x128xf32, #tpu.memory_space<hbm>> -> memref<8x128xf32, #tpu.memory_space<hbm>>
      %dma_start3A_1480 = arith.constant 640 : i32
      %dma_start3A_1481 = tpu.memref_slice %arg10[%add3A_1463, %dma_start3A_1480] : memref<32x1025xf32, #tpu.memory_space<vmem>> -> memref<8x128xf32, #tpu.memory_space<vmem>>
      tpu.enqueue_dma source(%dma_start3A_1481 : memref<8x128xf32, #tpu.memory_space<vmem>>) target(%dma_start3A_1479 : memref<8x128xf32, #tpu.memory_space<hbm>>) target_semaphore(%arg14 : memref<!tpu.dma_semaphore, #tpu.memory_space<semaphore_mem>>)
      %mul3A_1482 = arith.constant 16 : i32
      %mul3A_1483 = arith.muli %select_n3A_1161, %mul3A_1482 : i32
      %add3A_1484 = arith.constant 8 : i32
      %add3A_1485 = arith.addi %mul3A_1483, %add3A_1484 : i32
      %mul3A_1486 = arith.constant 2 : i32
      %mul3A_1487 = arith.muli %mul3A_1486, %scan3A_1145 : i32
      %add3A_1488 = arith.constant 1 : i32
      %add3A_1489 = arith.addi %mul3A_1487, %add3A_1488 : i32
      %add3A_1490 = arith.constant 6 : i32
      %add3A_1491 = arith.addi %mul3A_370, %add3A_1490 : i32
      %dma_start3A_1492 = arith.constant 768 : i32
      %dma_start3A_1493 = tpu.memref_slice %arg10[%add3A_1485, %dma_start3A_1492] : memref<32x1025xf32, #tpu.memory_space<vmem>> -> memref<8x128xf32, #tpu.memory_space<vmem>>
      %dma_start3A_1494 = arith.constant 0 : i32
      %dma_start3A_1495 = arith.constant 0 : i32
      %dma_start3A_1496 = tpu.memref_slice %arg4[%add3A, %add3A_1489, %add3A_1491, %dma_start3A_1494, %dma_start3A_1495] : memref<4x8x64x8x128xf32, #tpu.memory_space<hbm>> -> memref<1x1x1x8x128xf32, #tpu.memory_space<hbm>>
      %dma_start3A_1497 = tpu.memref_squeeze %dma_start3A_1496 : memref<1x1x1x8x128xf32, #tpu.memory_space<hbm>> -> memref<8x128xf32, #tpu.memory_space<hbm>>
      %dma_start3A_1498 = arith.constant 0 : i32
      %dma_start3A_1499 = arith.constant 0 : i32
      %dma_start3A_1500 = tpu.memref_slice %arg4[%add3A, %add3A_1489, %add3A_1491, %dma_start3A_1498, %dma_start3A_1499] : memref<4x8x64x8x128xf32, #tpu.memory_space<hbm>> -> memref<1x1x1x8x128xf32, #tpu.memory_space<hbm>>
      %dma_start3A_1501 = tpu.memref_squeeze %dma_start3A_1500 : memref<1x1x1x8x128xf32, #tpu.memory_space<hbm>> -> memref<8x128xf32, #tpu.memory_space<hbm>>
      %dma_start3A_1502 = arith.constant 768 : i32
      %dma_start3A_1503 = tpu.memref_slice %arg10[%add3A_1485, %dma_start3A_1502] : memref<32x1025xf32, #tpu.memory_space<vmem>> -> memref<8x128xf32, #tpu.memory_space<vmem>>
      tpu.enqueue_dma source(%dma_start3A_1503 : memref<8x128xf32, #tpu.memory_space<vmem>>) target(%dma_start3A_1501 : memref<8x128xf32, #tpu.memory_space<hbm>>) target_semaphore(%arg14 : memref<!tpu.dma_semaphore, #tpu.memory_space<semaphore_mem>>)
      %mul3A_1504 = arith.constant 16 : i32
      %mul3A_1505 = arith.muli %select_n3A_1161, %mul3A_1504 : i32
      %add3A_1506 = arith.constant 8 : i32
      %add3A_1507 = arith.addi %mul3A_1505, %add3A_1506 : i32
      %mul3A_1508 = arith.constant 2 : i32
      %mul3A_1509 = arith.muli %mul3A_1508, %scan3A_1145 : i32
      %add3A_1510 = arith.constant 1 : i32
      %add3A_1511 = arith.addi %mul3A_1509, %add3A_1510 : i32
      %add3A_1512 = arith.constant 7 : i32
      %add3A_1513 = arith.addi %mul3A_370, %add3A_1512 : i32
      %dma_start3A_1514 = arith.constant 896 : i32
      %dma_start3A_1515 = tpu.memref_slice %arg10[%add3A_1507, %dma_start3A_1514] : memref<32x1025xf32, #tpu.memory_space<vmem>> -> memref<8x128xf32, #tpu.memory_space<vmem>>
      %dma_start3A_1516 = arith.constant 0 : i32
      %dma_start3A_1517 = arith.constant 0 : i32
      %dma_start3A_1518 = tpu.memref_slice %arg4[%add3A, %add3A_1511, %add3A_1513, %dma_start3A_1516, %dma_start3A_1517] : memref<4x8x64x8x128xf32, #tpu.memory_space<hbm>> -> memref<1x1x1x8x128xf32, #tpu.memory_space<hbm>>
      %dma_start3A_1519 = tpu.memref_squeeze %dma_start3A_1518 : memref<1x1x1x8x128xf32, #tpu.memory_space<hbm>> -> memref<8x128xf32, #tpu.memory_space<hbm>>
      %dma_start3A_1520 = arith.constant 0 : i32
      %dma_start3A_1521 = arith.constant 0 : i32
      %dma_start3A_1522 = tpu.memref_slice %arg4[%add3A, %add3A_1511, %add3A_1513, %dma_start3A_1520, %dma_start3A_1521] : memref<4x8x64x8x128xf32, #tpu.memory_space<hbm>> -> memref<1x1x1x8x128xf32, #tpu.memory_space<hbm>>
      %dma_start3A_1523 = tpu.memref_squeeze %dma_start3A_1522 : memref<1x1x1x8x128xf32, #tpu.memory_space<hbm>> -> memref<8x128xf32, #tpu.memory_space<hbm>>
      %dma_start3A_1524 = arith.constant 896 : i32
      %dma_start3A_1525 = tpu.memref_slice %arg10[%add3A_1507, %dma_start3A_1524] : memref<32x1025xf32, #tpu.memory_space<vmem>> -> memref<8x128xf32, #tpu.memory_space<vmem>>
      tpu.enqueue_dma source(%dma_start3A_1525 : memref<8x128xf32, #tpu.memory_space<vmem>>) target(%dma_start3A_1523 : memref<8x128xf32, #tpu.memory_space<hbm>>) target_semaphore(%arg14 : memref<!tpu.dma_semaphore, #tpu.memory_space<semaphore_mem>>)
    }
    %scan3A_376 = arith.constant 4 : i32
    %dma_wait3A_377 = arith.constant 0 : i32
    %dma_wait3A_378 = arith.constant 0 : i32
    %dma_wait3A_379 = arith.constant 0 : i32
    %dma_wait3A_380 = arith.constant 0 : i32
    %dma_wait3A_381 = tpu.memref_slice %arg10[%dma_wait3A_379, %dma_wait3A_380] : memref<32x1025xf32, #tpu.memory_space<vmem>> -> memref<8x128xf32, #tpu.memory_space<vmem>>
    %dma_wait3A_382 = arith.constant 0 : i32
    %dma_wait3A_383 = arith.constant 0 : i32
    %dma_wait3A_384 = tpu.memref_slice %arg4[%add3A, %dma_wait3A_377, %mul3A_370, %dma_wait3A_382, %dma_wait3A_383] : memref<4x8x64x8x128xf32, #tpu.memory_space<hbm>> -> memref<1x1x8x8x128xf32, #tpu.memory_space<hbm>>
    %dma_wait3A_385 = tpu.memref_squeeze %dma_wait3A_384 : memref<1x1x8x8x128xf32, #tpu.memory_space<hbm>> -> memref<8x8x128xf32, #tpu.memory_space<hbm>>
    %dma_wait3A_386 = arith.constant 0 : i32
    %dma_wait3A_387 = arith.constant 0 : i32
    %dma_wait3A_388 = tpu.memref_slice %dma_wait3A_385[%dma_wait3A_378, %dma_wait3A_386, %dma_wait3A_387] : memref<8x8x128xf32, #tpu.memory_space<hbm>> -> memref<1x8x128xf32, #tpu.memory_space<hbm>>
    %dma_wait3A_389 = tpu.memref_squeeze %dma_wait3A_388 : memref<1x8x128xf32, #tpu.memory_space<hbm>> -> memref<8x128xf32, #tpu.memory_space<hbm>>
    %dma_wait3A_390 = arith.constant 0 : i32
    %dma_wait3A_391 = arith.constant 0 : i32
    %dma_wait3A_392 = tpu.memref_slice %arg4[%add3A, %dma_wait3A_377, %mul3A_370, %dma_wait3A_390, %dma_wait3A_391] : memref<4x8x64x8x128xf32, #tpu.memory_space<hbm>> -> memref<1x1x8x8x128xf32, #tpu.memory_space<hbm>>
    %dma_wait3A_393 = tpu.memref_squeeze %dma_wait3A_392 : memref<1x1x8x8x128xf32, #tpu.memory_space<hbm>> -> memref<8x8x128xf32, #tpu.memory_space<hbm>>
    %dma_wait3A_394 = arith.constant 0 : i32
    %dma_wait3A_395 = arith.constant 0 : i32
    %dma_wait3A_396 = tpu.memref_slice %dma_wait3A_393[%dma_wait3A_378, %dma_wait3A_394, %dma_wait3A_395] : memref<8x8x128xf32, #tpu.memory_space<hbm>> -> memref<1x8x128xf32, #tpu.memory_space<hbm>>
    %dma_wait3A_397 = tpu.memref_squeeze %dma_wait3A_396 : memref<1x8x128xf32, #tpu.memory_space<hbm>> -> memref<8x128xf32, #tpu.memory_space<hbm>>
    %dma_wait3A_398 = arith.constant 0 : i32
    %dma_wait3A_399 = arith.constant 0 : i32
    %dma_wait3A_400 = tpu.memref_slice %arg10[%dma_wait3A_398, %dma_wait3A_399] : memref<32x1025xf32, #tpu.memory_space<vmem>> -> memref<8x128xf32, #tpu.memory_space<vmem>>
    tpu.wait_dma2 semaphore(%arg14 : memref<!tpu.dma_semaphore, #tpu.memory_space<semaphore_mem>>) src(%dma_wait3A_400 : memref<8x128xf32, #tpu.memory_space<vmem>>) dst(%dma_wait3A_397 : memref<8x128xf32, #tpu.memory_space<hbm>>)
    %dma_wait3A_401 = arith.constant 0 : i32
    %dma_wait3A_402 = arith.constant 0 : i32
    %dma_wait3A_403 = arith.constant 0 : i32
    %dma_wait3A_404 = arith.constant 0 : i32
    %dma_wait3A_405 = tpu.memref_slice %arg10[%dma_wait3A_403, %dma_wait3A_404] : memref<32x1025xf32, #tpu.memory_space<vmem>> -> memref<8x128xf32, #tpu.memory_space<vmem>>
    %dma_wait3A_406 = arith.constant 0 : i32
    %dma_wait3A_407 = arith.constant 0 : i32
    %dma_wait3A_408 = tpu.memref_slice %arg4[%add3A, %dma_wait3A_401, %mul3A_370, %dma_wait3A_406, %dma_wait3A_407] : memref<4x8x64x8x128xf32, #tpu.memory_space<hbm>> -> memref<1x1x8x8x128xf32, #tpu.memory_space<hbm>>
    %dma_wait3A_409 = tpu.memref_squeeze %dma_wait3A_408 : memref<1x1x8x8x128xf32, #tpu.memory_space<hbm>> -> memref<8x8x128xf32, #tpu.memory_space<hbm>>
    %dma_wait3A_410 = arith.constant 0 : i32
    %dma_wait3A_411 = arith.constant 0 : i32
    %dma_wait3A_412 = tpu.memref_slice %dma_wait3A_409[%dma_wait3A_402, %dma_wait3A_410, %dma_wait3A_411] : memref<8x8x128xf32, #tpu.memory_space<hbm>> -> memref<1x8x128xf32, #tpu.memory_space<hbm>>
    %dma_wait3A_413 = tpu.memref_squeeze %dma_wait3A_412 : memref<1x8x128xf32, #tpu.memory_space<hbm>> -> memref<8x128xf32, #tpu.memory_space<hbm>>
    %dma_wait3A_414 = arith.constant 0 : i32
    %dma_wait3A_415 = arith.constant 0 : i32
    %dma_wait3A_416 = tpu.memref_slice %arg4[%add3A, %dma_wait3A_401, %mul3A_370, %dma_wait3A_414, %dma_wait3A_415] : memref<4x8x64x8x128xf32, #tpu.memory_space<hbm>> -> memref<1x1x8x8x128xf32, #tpu.memory_space<hbm>>
    %dma_wait3A_417 = tpu.memref_squeeze %dma_wait3A_416 : memref<1x1x8x8x128xf32, #tpu.memory_space<hbm>> -> memref<8x8x128xf32, #tpu.memory_space<hbm>>
    %dma_wait3A_418 = arith.constant 0 : i32
    %dma_wait3A_419 = arith.constant 0 : i32
    %dma_wait3A_420 = tpu.memref_slice %dma_wait3A_417[%dma_wait3A_402, %dma_wait3A_418, %dma_wait3A_419] : memref<8x8x128xf32, #tpu.memory_space<hbm>> -> memref<1x8x128xf32, #tpu.memory_space<hbm>>
    %dma_wait3A_421 = tpu.memref_squeeze %dma_wait3A_420 : memref<1x8x128xf32, #tpu.memory_space<hbm>> -> memref<8x128xf32, #tpu.memory_space<hbm>>
    %dma_wait3A_422 = arith.constant 0 : i32
    %dma_wait3A_423 = arith.constant 0 : i32
    %dma_wait3A_424 = tpu.memref_slice %arg10[%dma_wait3A_422, %dma_wait3A_423] : memref<32x1025xf32, #tpu.memory_space<vmem>> -> memref<8x128xf32, #tpu.memory_space<vmem>>
    tpu.wait_dma2 semaphore(%arg14 : memref<!tpu.dma_semaphore, #tpu.memory_space<semaphore_mem>>) src(%dma_wait3A_424 : memref<8x128xf32, #tpu.memory_space<vmem>>) dst(%dma_wait3A_421 : memref<8x128xf32, #tpu.memory_space<hbm>>)
    %dma_wait3A_425 = arith.constant 0 : i32
    %dma_wait3A_426 = arith.constant 0 : i32
    %dma_wait3A_427 = arith.constant 0 : i32
    %dma_wait3A_428 = arith.constant 0 : i32
    %dma_wait3A_429 = tpu.memref_slice %arg10[%dma_wait3A_427, %dma_wait3A_428] : memref<32x1025xf32, #tpu.memory_space<vmem>> -> memref<8x128xf32, #tpu.memory_space<vmem>>
    %dma_wait3A_430 = arith.constant 0 : i32
    %dma_wait3A_431 = arith.constant 0 : i32
    %dma_wait3A_432 = tpu.memref_slice %arg4[%add3A, %dma_wait3A_425, %mul3A_370, %dma_wait3A_430, %dma_wait3A_431] : memref<4x8x64x8x128xf32, #tpu.memory_space<hbm>> -> memref<1x1x8x8x128xf32, #tpu.memory_space<hbm>>
    %dma_wait3A_433 = tpu.memref_squeeze %dma_wait3A_432 : memref<1x1x8x8x128xf32, #tpu.memory_space<hbm>> -> memref<8x8x128xf32, #tpu.memory_space<hbm>>
    %dma_wait3A_434 = arith.constant 0 : i32
    %dma_wait3A_435 = arith.constant 0 : i32
    %dma_wait3A_436 = tpu.memref_slice %dma_wait3A_433[%dma_wait3A_426, %dma_wait3A_434, %dma_wait3A_435] : memref<8x8x128xf32, #tpu.memory_space<hbm>> -> memref<1x8x128xf32, #tpu.memory_space<hbm>>
    %dma_wait3A_437 = tpu.memref_squeeze %dma_wait3A_436 : memref<1x8x128xf32, #tpu.memory_space<hbm>> -> memref<8x128xf32, #tpu.memory_space<hbm>>
    %dma_wait3A_438 = arith.constant 0 : i32
    %dma_wait3A_439 = arith.constant 0 : i32
    %dma_wait3A_440 = tpu.memref_slice %arg4[%add3A, %dma_wait3A_425, %mul3A_370, %dma_wait3A_438, %dma_wait3A_439] : memref<4x8x64x8x128xf32, #tpu.memory_space<hbm>> -> memref<1x1x8x8x128xf32, #tpu.memory_space<hbm>>
    %dma_wait3A_441 = tpu.memref_squeeze %dma_wait3A_440 : memref<1x1x8x8x128xf32, #tpu.memory_space<hbm>> -> memref<8x8x128xf32, #tpu.memory_space<hbm>>
    %dma_wait3A_442 = arith.constant 0 : i32
    %dma_wait3A_443 = arith.constant 0 : i32
    %dma_wait3A_444 = tpu.memref_slice %dma_wait3A_441[%dma_wait3A_426, %dma_wait3A_442, %dma_wait3A_443] : memref<8x8x128xf32, #tpu.memory_space<hbm>> -> memref<1x8x128xf32, #tpu.memory_space<hbm>>
    %dma_wait3A_445 = tpu.memref_squeeze %dma_wait3A_444 : memref<1x8x128xf32, #tpu.memory_space<hbm>> -> memref<8x128xf32, #tpu.memory_space<hbm>>
    %dma_wait3A_446 = arith.constant 0 : i32
    %dma_wait3A_447 = arith.constant 0 : i32
    %dma_wait3A_448 = tpu.memref_slice %arg10[%dma_wait3A_446, %dma_wait3A_447] : memref<32x1025xf32, #tpu.memory_space<vmem>> -> memref<8x128xf32, #tpu.memory_space<vmem>>
    tpu.wait_dma2 semaphore(%arg14 : memref<!tpu.dma_semaphore, #tpu.memory_space<semaphore_mem>>) src(%dma_wait3A_448 : memref<8x128xf32, #tpu.memory_space<vmem>>) dst(%dma_wait3A_445 : memref<8x128xf32, #tpu.memory_space<hbm>>)
    %dma_wait3A_449 = arith.constant 0 : i32
    %dma_wait3A_450 = arith.constant 0 : i32
    %dma_wait3A_451 = arith.constant 0 : i32
    %dma_wait3A_452 = arith.constant 0 : i32
    %dma_wait3A_453 = tpu.memref_slice %arg10[%dma_wait3A_451, %dma_wait3A_452] : memref<32x1025xf32, #tpu.memory_space<vmem>> -> memref<8x128xf32, #tpu.memory_space<vmem>>
    %dma_wait3A_454 = arith.constant 0 : i32
    %dma_wait3A_455 = arith.constant 0 : i32
    %dma_wait3A_456 = tpu.memref_slice %arg4[%add3A, %dma_wait3A_449, %mul3A_370, %dma_wait3A_454, %dma_wait3A_455] : memref<4x8x64x8x128xf32, #tpu.memory_space<hbm>> -> memref<1x1x8x8x128xf32, #tpu.memory_space<hbm>>
    %dma_wait3A_457 = tpu.memref_squeeze %dma_wait3A_456 : memref<1x1x8x8x128xf32, #tpu.memory_space<hbm>> -> memref<8x8x128xf32, #tpu.memory_space<hbm>>
    %dma_wait3A_458 = arith.constant 0 : i32
    %dma_wait3A_459 = arith.constant 0 : i32
    %dma_wait3A_460 = tpu.memref_slice %dma_wait3A_457[%dma_wait3A_450, %dma_wait3A_458, %dma_wait3A_459] : memref<8x8x128xf32, #tpu.memory_space<hbm>> -> memref<1x8x128xf32, #tpu.memory_space<hbm>>
    %dma_wait3A_461 = tpu.memref_squeeze %dma_wait3A_460 : memref<1x8x128xf32, #tpu.memory_space<hbm>> -> memref<8x128xf32, #tpu.memory_space<hbm>>
    %dma_wait3A_462 = arith.constant 0 : i32
    %dma_wait3A_463 = arith.constant 0 : i32
    %dma_wait3A_464 = tpu.memref_slice %arg4[%add3A, %dma_wait3A_449, %mul3A_370, %dma_wait3A_462, %dma_wait3A_463] : memref<4x8x64x8x128xf32, #tpu.memory_space<hbm>> -> memref<1x1x8x8x128xf32, #tpu.memory_space<hbm>>
    %dma_wait3A_465 = tpu.memref_squeeze %dma_wait3A_464 : memref<1x1x8x8x128xf32, #tpu.memory_space<hbm>> -> memref<8x8x128xf32, #tpu.memory_space<hbm>>
    %dma_wait3A_466 = arith.constant 0 : i32
    %dma_wait3A_467 = arith.constant 0 : i32
    %dma_wait3A_468 = tpu.memref_slice %dma_wait3A_465[%dma_wait3A_450, %dma_wait3A_466, %dma_wait3A_467] : memref<8x8x128xf32, #tpu.memory_space<hbm>> -> memref<1x8x128xf32, #tpu.memory_space<hbm>>
    %dma_wait3A_469 = tpu.memref_squeeze %dma_wait3A_468 : memref<1x8x128xf32, #tpu.memory_space<hbm>> -> memref<8x128xf32, #tpu.memory_space<hbm>>
    %dma_wait3A_470 = arith.constant 0 : i32
    %dma_wait3A_471 = arith.constant 0 : i32
    %dma_wait3A_472 = tpu.memref_slice %arg10[%dma_wait3A_470, %dma_wait3A_471] : memref<32x1025xf32, #tpu.memory_space<vmem>> -> memref<8x128xf32, #tpu.memory_space<vmem>>
    tpu.wait_dma2 semaphore(%arg14 : memref<!tpu.dma_semaphore, #tpu.memory_space<semaphore_mem>>) src(%dma_wait3A_472 : memref<8x128xf32, #tpu.memory_space<vmem>>) dst(%dma_wait3A_469 : memref<8x128xf32, #tpu.memory_space<hbm>>)
    %dma_wait3A_473 = arith.constant 0 : i32
    %dma_wait3A_474 = arith.constant 0 : i32
    %dma_wait3A_475 = arith.constant 0 : i32
    %dma_wait3A_476 = arith.constant 0 : i32
    %dma_wait3A_477 = tpu.memref_slice %arg10[%dma_wait3A_475, %dma_wait3A_476] : memref<32x1025xf32, #tpu.memory_space<vmem>> -> memref<8x128xf32, #tpu.memory_space<vmem>>
    %dma_wait3A_478 = arith.constant 0 : i32
    %dma_wait3A_479 = arith.constant 0 : i32
    %dma_wait3A_480 = tpu.memref_slice %arg4[%add3A, %dma_wait3A_473, %mul3A_370, %dma_wait3A_478, %dma_wait3A_479] : memref<4x8x64x8x128xf32, #tpu.memory_space<hbm>> -> memref<1x1x8x8x128xf32, #tpu.memory_space<hbm>>
    %dma_wait3A_481 = tpu.memref_squeeze %dma_wait3A_480 : memref<1x1x8x8x128xf32, #tpu.memory_space<hbm>> -> memref<8x8x128xf32, #tpu.memory_space<hbm>>
    %dma_wait3A_482 = arith.constant 0 : i32
    %dma_wait3A_483 = arith.constant 0 : i32
    %dma_wait3A_484 = tpu.memref_slice %dma_wait3A_481[%dma_wait3A_474, %dma_wait3A_482, %dma_wait3A_483] : memref<8x8x128xf32, #tpu.memory_space<hbm>> -> memref<1x8x128xf32, #tpu.memory_space<hbm>>
    %dma_wait3A_485 = tpu.memref_squeeze %dma_wait3A_484 : memref<1x8x128xf32, #tpu.memory_space<hbm>> -> memref<8x128xf32, #tpu.memory_space<hbm>>
    %dma_wait3A_486 = arith.constant 0 : i32
    %dma_wait3A_487 = arith.constant 0 : i32
    %dma_wait3A_488 = tpu.memref_slice %arg4[%add3A, %dma_wait3A_473, %mul3A_370, %dma_wait3A_486, %dma_wait3A_487] : memref<4x8x64x8x128xf32, #tpu.memory_space<hbm>> -> memref<1x1x8x8x128xf32, #tpu.memory_space<hbm>>
    %dma_wait3A_489 = tpu.memref_squeeze %dma_wait3A_488 : memref<1x1x8x8x128xf32, #tpu.memory_space<hbm>> -> memref<8x8x128xf32, #tpu.memory_space<hbm>>
    %dma_wait3A_490 = arith.constant 0 : i32
    %dma_wait3A_491 = arith.constant 0 : i32
    %dma_wait3A_492 = tpu.memref_slice %dma_wait3A_489[%dma_wait3A_474, %dma_wait3A_490, %dma_wait3A_491] : memref<8x8x128xf32, #tpu.memory_space<hbm>> -> memref<1x8x128xf32, #tpu.memory_space<hbm>>
    %dma_wait3A_493 = tpu.memref_squeeze %dma_wait3A_492 : memref<1x8x128xf32, #tpu.memory_space<hbm>> -> memref<8x128xf32, #tpu.memory_space<hbm>>
    %dma_wait3A_494 = arith.constant 0 : i32
    %dma_wait3A_495 = arith.constant 0 : i32
    %dma_wait3A_496 = tpu.memref_slice %arg10[%dma_wait3A_494, %dma_wait3A_495] : memref<32x1025xf32, #tpu.memory_space<vmem>> -> memref<8x128xf32, #tpu.memory_space<vmem>>
    tpu.wait_dma2 semaphore(%arg14 : memref<!tpu.dma_semaphore, #tpu.memory_space<semaphore_mem>>) src(%dma_wait3A_496 : memref<8x128xf32, #tpu.memory_space<vmem>>) dst(%dma_wait3A_493 : memref<8x128xf32, #tpu.memory_space<hbm>>)
    %dma_wait3A_497 = arith.constant 0 : i32
    %dma_wait3A_498 = arith.constant 0 : i32
    %dma_wait3A_499 = arith.constant 0 : i32
    %dma_wait3A_500 = arith.constant 0 : i32
    %dma_wait3A_501 = tpu.memref_slice %arg10[%dma_wait3A_499, %dma_wait3A_500] : memref<32x1025xf32, #tpu.memory_space<vmem>> -> memref<8x128xf32, #tpu.memory_space<vmem>>
    %dma_wait3A_502 = arith.constant 0 : i32
    %dma_wait3A_503 = arith.constant 0 : i32
    %dma_wait3A_504 = tpu.memref_slice %arg4[%add3A, %dma_wait3A_497, %mul3A_370, %dma_wait3A_502, %dma_wait3A_503] : memref<4x8x64x8x128xf32, #tpu.memory_space<hbm>> -> memref<1x1x8x8x128xf32, #tpu.memory_space<hbm>>
    %dma_wait3A_505 = tpu.memref_squeeze %dma_wait3A_504 : memref<1x1x8x8x128xf32, #tpu.memory_space<hbm>> -> memref<8x8x128xf32, #tpu.memory_space<hbm>>
    %dma_wait3A_506 = arith.constant 0 : i32
    %dma_wait3A_507 = arith.constant 0 : i32
    %dma_wait3A_508 = tpu.memref_slice %dma_wait3A_505[%dma_wait3A_498, %dma_wait3A_506, %dma_wait3A_507] : memref<8x8x128xf32, #tpu.memory_space<hbm>> -> memref<1x8x128xf32, #tpu.memory_space<hbm>>
    %dma_wait3A_509 = tpu.memref_squeeze %dma_wait3A_508 : memref<1x8x128xf32, #tpu.memory_space<hbm>> -> memref<8x128xf32, #tpu.memory_space<hbm>>
    %dma_wait3A_510 = arith.constant 0 : i32
    %dma_wait3A_511 = arith.constant 0 : i32
    %dma_wait3A_512 = tpu.memref_slice %arg4[%add3A, %dma_wait3A_497, %mul3A_370, %dma_wait3A_510, %dma_wait3A_511] : memref<4x8x64x8x128xf32, #tpu.memory_space<hbm>> -> memref<1x1x8x8x128xf32, #tpu.memory_space<hbm>>
    %dma_wait3A_513 = tpu.memref_squeeze %dma_wait3A_512 : memref<1x1x8x8x128xf32, #tpu.memory_space<hbm>> -> memref<8x8x128xf32, #tpu.memory_space<hbm>>
    %dma_wait3A_514 = arith.constant 0 : i32
    %dma_wait3A_515 = arith.constant 0 : i32
    %dma_wait3A_516 = tpu.memref_slice %dma_wait3A_513[%dma_wait3A_498, %dma_wait3A_514, %dma_wait3A_515] : memref<8x8x128xf32, #tpu.memory_space<hbm>> -> memref<1x8x128xf32, #tpu.memory_space<hbm>>
    %dma_wait3A_517 = tpu.memref_squeeze %dma_wait3A_516 : memref<1x8x128xf32, #tpu.memory_space<hbm>> -> memref<8x128xf32, #tpu.memory_space<hbm>>
    %dma_wait3A_518 = arith.constant 0 : i32
    %dma_wait3A_519 = arith.constant 0 : i32
    %dma_wait3A_520 = tpu.memref_slice %arg10[%dma_wait3A_518, %dma_wait3A_519] : memref<32x1025xf32, #tpu.memory_space<vmem>> -> memref<8x128xf32, #tpu.memory_space<vmem>>
    tpu.wait_dma2 semaphore(%arg14 : memref<!tpu.dma_semaphore, #tpu.memory_space<semaphore_mem>>) src(%dma_wait3A_520 : memref<8x128xf32, #tpu.memory_space<vmem>>) dst(%dma_wait3A_517 : memref<8x128xf32, #tpu.memory_space<hbm>>)
    %dma_wait3A_521 = arith.constant 0 : i32
    %dma_wait3A_522 = arith.constant 0 : i32
    %dma_wait3A_523 = arith.constant 0 : i32
    %dma_wait3A_524 = arith.constant 0 : i32
    %dma_wait3A_525 = tpu.memref_slice %arg10[%dma_wait3A_523, %dma_wait3A_524] : memref<32x1025xf32, #tpu.memory_space<vmem>> -> memref<8x128xf32, #tpu.memory_space<vmem>>
    %dma_wait3A_526 = arith.constant 0 : i32
    %dma_wait3A_527 = arith.constant 0 : i32
    %dma_wait3A_528 = tpu.memref_slice %arg4[%add3A, %dma_wait3A_521, %mul3A_370, %dma_wait3A_526, %dma_wait3A_527] : memref<4x8x64x8x128xf32, #tpu.memory_space<hbm>> -> memref<1x1x8x8x128xf32, #tpu.memory_space<hbm>>
    %dma_wait3A_529 = tpu.memref_squeeze %dma_wait3A_528 : memref<1x1x8x8x128xf32, #tpu.memory_space<hbm>> -> memref<8x8x128xf32, #tpu.memory_space<hbm>>
    %dma_wait3A_530 = arith.constant 0 : i32
    %dma_wait3A_531 = arith.constant 0 : i32
    %dma_wait3A_532 = tpu.memref_slice %dma_wait3A_529[%dma_wait3A_522, %dma_wait3A_530, %dma_wait3A_531] : memref<8x8x128xf32, #tpu.memory_space<hbm>> -> memref<1x8x128xf32, #tpu.memory_space<hbm>>
    %dma_wait3A_533 = tpu.memref_squeeze %dma_wait3A_532 : memref<1x8x128xf32, #tpu.memory_space<hbm>> -> memref<8x128xf32, #tpu.memory_space<hbm>>
    %dma_wait3A_534 = arith.constant 0 : i32
    %dma_wait3A_535 = arith.constant 0 : i32
    %dma_wait3A_536 = tpu.memref_slice %arg4[%add3A, %dma_wait3A_521, %mul3A_370, %dma_wait3A_534, %dma_wait3A_535] : memref<4x8x64x8x128xf32, #tpu.memory_space<hbm>> -> memref<1x1x8x8x128xf32, #tpu.memory_space<hbm>>
    %dma_wait3A_537 = tpu.memref_squeeze %dma_wait3A_536 : memref<1x1x8x8x128xf32, #tpu.memory_space<hbm>> -> memref<8x8x128xf32, #tpu.memory_space<hbm>>
    %dma_wait3A_538 = arith.constant 0 : i32
    %dma_wait3A_539 = arith.constant 0 : i32
    %dma_wait3A_540 = tpu.memref_slice %dma_wait3A_537[%dma_wait3A_522, %dma_wait3A_538, %dma_wait3A_539] : memref<8x8x128xf32, #tpu.memory_space<hbm>> -> memref<1x8x128xf32, #tpu.memory_space<hbm>>
    %dma_wait3A_541 = tpu.memref_squeeze %dma_wait3A_540 : memref<1x8x128xf32, #tpu.memory_space<hbm>> -> memref<8x128xf32, #tpu.memory_space<hbm>>
    %dma_wait3A_542 = arith.constant 0 : i32
    %dma_wait3A_543 = arith.constant 0 : i32
    %dma_wait3A_544 = tpu.memref_slice %arg10[%dma_wait3A_542, %dma_wait3A_543] : memref<32x1025xf32, #tpu.memory_space<vmem>> -> memref<8x128xf32, #tpu.memory_space<vmem>>
    tpu.wait_dma2 semaphore(%arg14 : memref<!tpu.dma_semaphore, #tpu.memory_space<semaphore_mem>>) src(%dma_wait3A_544 : memref<8x128xf32, #tpu.memory_space<vmem>>) dst(%dma_wait3A_541 : memref<8x128xf32, #tpu.memory_space<hbm>>)
    %dma_wait3A_545 = arith.constant 0 : i32
    %dma_wait3A_546 = arith.constant 0 : i32
    %dma_wait3A_547 = arith.constant 0 : i32
    %dma_wait3A_548 = arith.constant 0 : i32
    %dma_wait3A_549 = tpu.memref_slice %arg10[%dma_wait3A_547, %dma_wait3A_548] : memref<32x1025xf32, #tpu.memory_space<vmem>> -> memref<8x128xf32, #tpu.memory_space<vmem>>
    %dma_wait3A_550 = arith.constant 0 : i32
    %dma_wait3A_551 = arith.constant 0 : i32
    %dma_wait3A_552 = tpu.memref_slice %arg4[%add3A, %dma_wait3A_545, %mul3A_370, %dma_wait3A_550, %dma_wait3A_551] : memref<4x8x64x8x128xf32, #tpu.memory_space<hbm>> -> memref<1x1x8x8x128xf32, #tpu.memory_space<hbm>>
    %dma_wait3A_553 = tpu.memref_squeeze %dma_wait3A_552 : memref<1x1x8x8x128xf32, #tpu.memory_space<hbm>> -> memref<8x8x128xf32, #tpu.memory_space<hbm>>
    %dma_wait3A_554 = arith.constant 0 : i32
    %dma_wait3A_555 = arith.constant 0 : i32
    %dma_wait3A_556 = tpu.memref_slice %dma_wait3A_553[%dma_wait3A_546, %dma_wait3A_554, %dma_wait3A_555] : memref<8x8x128xf32, #tpu.memory_space<hbm>> -> memref<1x8x128xf32, #tpu.memory_space<hbm>>
    %dma_wait3A_557 = tpu.memref_squeeze %dma_wait3A_556 : memref<1x8x128xf32, #tpu.memory_space<hbm>> -> memref<8x128xf32, #tpu.memory_space<hbm>>
    %dma_wait3A_558 = arith.constant 0 : i32
    %dma_wait3A_559 = arith.constant 0 : i32
    %dma_wait3A_560 = tpu.memref_slice %arg4[%add3A, %dma_wait3A_545, %mul3A_370, %dma_wait3A_558, %dma_wait3A_559] : memref<4x8x64x8x128xf32, #tpu.memory_space<hbm>> -> memref<1x1x8x8x128xf32, #tpu.memory_space<hbm>>
    %dma_wait3A_561 = tpu.memref_squeeze %dma_wait3A_560 : memref<1x1x8x8x128xf32, #tpu.memory_space<hbm>> -> memref<8x8x128xf32, #tpu.memory_space<hbm>>
    %dma_wait3A_562 = arith.constant 0 : i32
    %dma_wait3A_563 = arith.constant 0 : i32
    %dma_wait3A_564 = tpu.memref_slice %dma_wait3A_561[%dma_wait3A_546, %dma_wait3A_562, %dma_wait3A_563] : memref<8x8x128xf32, #tpu.memory_space<hbm>> -> memref<1x8x128xf32, #tpu.memory_space<hbm>>
    %dma_wait3A_565 = tpu.memref_squeeze %dma_wait3A_564 : memref<1x8x128xf32, #tpu.memory_space<hbm>> -> memref<8x128xf32, #tpu.memory_space<hbm>>
    %dma_wait3A_566 = arith.constant 0 : i32
    %dma_wait3A_567 = arith.constant 0 : i32
    %dma_wait3A_568 = tpu.memref_slice %arg10[%dma_wait3A_566, %dma_wait3A_567] : memref<32x1025xf32, #tpu.memory_space<vmem>> -> memref<8x128xf32, #tpu.memory_space<vmem>>
    tpu.wait_dma2 semaphore(%arg14 : memref<!tpu.dma_semaphore, #tpu.memory_space<semaphore_mem>>) src(%dma_wait3A_568 : memref<8x128xf32, #tpu.memory_space<vmem>>) dst(%dma_wait3A_565 : memref<8x128xf32, #tpu.memory_space<hbm>>)
    %dma_wait3A_569 = arith.constant 0 : i32
    %dma_wait3A_570 = arith.constant 0 : i32
    %dma_wait3A_571 = arith.constant 0 : i32
    %dma_wait3A_572 = arith.constant 0 : i32
    %dma_wait3A_573 = tpu.memref_slice %arg10[%dma_wait3A_571, %dma_wait3A_572] : memref<32x1025xf32, #tpu.memory_space<vmem>> -> memref<8x128xf32, #tpu.memory_space<vmem>>
    %dma_wait3A_574 = arith.constant 0 : i32
    %dma_wait3A_575 = arith.constant 0 : i32
    %dma_wait3A_576 = tpu.memref_slice %arg4[%add3A, %dma_wait3A_569, %mul3A_370, %dma_wait3A_574, %dma_wait3A_575] : memref<4x8x64x8x128xf32, #tpu.memory_space<hbm>> -> memref<1x1x8x8x128xf32, #tpu.memory_space<hbm>>
    %dma_wait3A_577 = tpu.memref_squeeze %dma_wait3A_576 : memref<1x1x8x8x128xf32, #tpu.memory_space<hbm>> -> memref<8x8x128xf32, #tpu.memory_space<hbm>>
    %dma_wait3A_578 = arith.constant 0 : i32
    %dma_wait3A_579 = arith.constant 0 : i32
    %dma_wait3A_580 = tpu.memref_slice %dma_wait3A_577[%dma_wait3A_570, %dma_wait3A_578, %dma_wait3A_579] : memref<8x8x128xf32, #tpu.memory_space<hbm>> -> memref<1x8x128xf32, #tpu.memory_space<hbm>>
    %dma_wait3A_581 = tpu.memref_squeeze %dma_wait3A_580 : memref<1x8x128xf32, #tpu.memory_space<hbm>> -> memref<8x128xf32, #tpu.memory_space<hbm>>
    %dma_wait3A_582 = arith.constant 0 : i32
    %dma_wait3A_583 = arith.constant 0 : i32
    %dma_wait3A_584 = tpu.memref_slice %arg4[%add3A, %dma_wait3A_569, %mul3A_370, %dma_wait3A_582, %dma_wait3A_583] : memref<4x8x64x8x128xf32, #tpu.memory_space<hbm>> -> memref<1x1x8x8x128xf32, #tpu.memory_space<hbm>>
    %dma_wait3A_585 = tpu.memref_squeeze %dma_wait3A_584 : memref<1x1x8x8x128xf32, #tpu.memory_space<hbm>> -> memref<8x8x128xf32, #tpu.memory_space<hbm>>
    %dma_wait3A_586 = arith.constant 0 : i32
    %dma_wait3A_587 = arith.constant 0 : i32
    %dma_wait3A_588 = tpu.memref_slice %dma_wait3A_585[%dma_wait3A_570, %dma_wait3A_586, %dma_wait3A_587] : memref<8x8x128xf32, #tpu.memory_space<hbm>> -> memref<1x8x128xf32, #tpu.memory_space<hbm>>
    %dma_wait3A_589 = tpu.memref_squeeze %dma_wait3A_588 : memref<1x8x128xf32, #tpu.memory_space<hbm>> -> memref<8x128xf32, #tpu.memory_space<hbm>>
    %dma_wait3A_590 = arith.constant 0 : i32
    %dma_wait3A_591 = arith.constant 0 : i32
    %dma_wait3A_592 = tpu.memref_slice %arg10[%dma_wait3A_590, %dma_wait3A_591] : memref<32x1025xf32, #tpu.memory_space<vmem>> -> memref<8x128xf32, #tpu.memory_space<vmem>>
    tpu.wait_dma2 semaphore(%arg14 : memref<!tpu.dma_semaphore, #tpu.memory_space<semaphore_mem>>) src(%dma_wait3A_592 : memref<8x128xf32, #tpu.memory_space<vmem>>) dst(%dma_wait3A_589 : memref<8x128xf32, #tpu.memory_space<hbm>>)
    %dma_wait3A_593 = arith.constant 0 : i32
    %dma_wait3A_594 = arith.constant 0 : i32
    %dma_wait3A_595 = arith.constant 0 : i32
    %dma_wait3A_596 = arith.constant 0 : i32
    %dma_wait3A_597 = tpu.memref_slice %arg10[%dma_wait3A_595, %dma_wait3A_596] : memref<32x1025xf32, #tpu.memory_space<vmem>> -> memref<8x128xf32, #tpu.memory_space<vmem>>
    %dma_wait3A_598 = arith.constant 0 : i32
    %dma_wait3A_599 = arith.constant 0 : i32
    %dma_wait3A_600 = tpu.memref_slice %arg4[%add3A, %dma_wait3A_593, %mul3A_370, %dma_wait3A_598, %dma_wait3A_599] : memref<4x8x64x8x128xf32, #tpu.memory_space<hbm>> -> memref<1x1x8x8x128xf32, #tpu.memory_space<hbm>>
    %dma_wait3A_601 = tpu.memref_squeeze %dma_wait3A_600 : memref<1x1x8x8x128xf32, #tpu.memory_space<hbm>> -> memref<8x8x128xf32, #tpu.memory_space<hbm>>
    %dma_wait3A_602 = arith.constant 0 : i32
    %dma_wait3A_603 = arith.constant 0 : i32
    %dma_wait3A_604 = tpu.memref_slice %dma_wait3A_601[%dma_wait3A_594, %dma_wait3A_602, %dma_wait3A_603] : memref<8x8x128xf32, #tpu.memory_space<hbm>> -> memref<1x8x128xf32, #tpu.memory_space<hbm>>
    %dma_wait3A_605 = tpu.memref_squeeze %dma_wait3A_604 : memref<1x8x128xf32, #tpu.memory_space<hbm>> -> memref<8x128xf32, #tpu.memory_space<hbm>>
    %dma_wait3A_606 = arith.constant 0 : i32
    %dma_wait3A_607 = arith.constant 0 : i32
    %dma_wait3A_608 = tpu.memref_slice %arg4[%add3A, %dma_wait3A_593, %mul3A_370, %dma_wait3A_606, %dma_wait3A_607] : memref<4x8x64x8x128xf32, #tpu.memory_space<hbm>> -> memref<1x1x8x8x128xf32, #tpu.memory_space<hbm>>
    %dma_wait3A_609 = tpu.memref_squeeze %dma_wait3A_608 : memref<1x1x8x8x128xf32, #tpu.memory_space<hbm>> -> memref<8x8x128xf32, #tpu.memory_space<hbm>>
    %dma_wait3A_610 = arith.constant 0 : i32
    %dma_wait3A_611 = arith.constant 0 : i32
    %dma_wait3A_612 = tpu.memref_slice %dma_wait3A_609[%dma_wait3A_594, %dma_wait3A_610, %dma_wait3A_611] : memref<8x8x128xf32, #tpu.memory_space<hbm>> -> memref<1x8x128xf32, #tpu.memory_space<hbm>>
    %dma_wait3A_613 = tpu.memref_squeeze %dma_wait3A_612 : memref<1x8x128xf32, #tpu.memory_space<hbm>> -> memref<8x128xf32, #tpu.memory_space<hbm>>
    %dma_wait3A_614 = arith.constant 0 : i32
    %dma_wait3A_615 = arith.constant 0 : i32
    %dma_wait3A_616 = tpu.memref_slice %arg10[%dma_wait3A_614, %dma_wait3A_615] : memref<32x1025xf32, #tpu.memory_space<vmem>> -> memref<8x128xf32, #tpu.memory_space<vmem>>
    tpu.wait_dma2 semaphore(%arg14 : memref<!tpu.dma_semaphore, #tpu.memory_space<semaphore_mem>>) src(%dma_wait3A_616 : memref<8x128xf32, #tpu.memory_space<vmem>>) dst(%dma_wait3A_613 : memref<8x128xf32, #tpu.memory_space<hbm>>)
    %dma_wait3A_617 = arith.constant 0 : i32
    %dma_wait3A_618 = arith.constant 0 : i32
    %dma_wait3A_619 = arith.constant 0 : i32
    %dma_wait3A_620 = arith.constant 0 : i32
    %dma_wait3A_621 = tpu.memref_slice %arg10[%dma_wait3A_619, %dma_wait3A_620] : memref<32x1025xf32, #tpu.memory_space<vmem>> -> memref<8x128xf32, #tpu.memory_space<vmem>>
    %dma_wait3A_622 = arith.constant 0 : i32
    %dma_wait3A_623 = arith.constant 0 : i32
    %dma_wait3A_624 = tpu.memref_slice %arg4[%add3A, %dma_wait3A_617, %mul3A_370, %dma_wait3A_622, %dma_wait3A_623] : memref<4x8x64x8x128xf32, #tpu.memory_space<hbm>> -> memref<1x1x8x8x128xf32, #tpu.memory_space<hbm>>
    %dma_wait3A_625 = tpu.memref_squeeze %dma_wait3A_624 : memref<1x1x8x8x128xf32, #tpu.memory_space<hbm>> -> memref<8x8x128xf32, #tpu.memory_space<hbm>>
    %dma_wait3A_626 = arith.constant 0 : i32
    %dma_wait3A_627 = arith.constant 0 : i32
    %dma_wait3A_628 = tpu.memref_slice %dma_wait3A_625[%dma_wait3A_618, %dma_wait3A_626, %dma_wait3A_627] : memref<8x8x128xf32, #tpu.memory_space<hbm>> -> memref<1x8x128xf32, #tpu.memory_space<hbm>>
    %dma_wait3A_629 = tpu.memref_squeeze %dma_wait3A_628 : memref<1x8x128xf32, #tpu.memory_space<hbm>> -> memref<8x128xf32, #tpu.memory_space<hbm>>
    %dma_wait3A_630 = arith.constant 0 : i32
    %dma_wait3A_631 = arith.constant 0 : i32
    %dma_wait3A_632 = tpu.memref_slice %arg4[%add3A, %dma_wait3A_617, %mul3A_370, %dma_wait3A_630, %dma_wait3A_631] : memref<4x8x64x8x128xf32, #tpu.memory_space<hbm>> -> memref<1x1x8x8x128xf32, #tpu.memory_space<hbm>>
    %dma_wait3A_633 = tpu.memref_squeeze %dma_wait3A_632 : memref<1x1x8x8x128xf32, #tpu.memory_space<hbm>> -> memref<8x8x128xf32, #tpu.memory_space<hbm>>
    %dma_wait3A_634 = arith.constant 0 : i32
    %dma_wait3A_635 = arith.constant 0 : i32
    %dma_wait3A_636 = tpu.memref_slice %dma_wait3A_633[%dma_wait3A_618, %dma_wait3A_634, %dma_wait3A_635] : memref<8x8x128xf32, #tpu.memory_space<hbm>> -> memref<1x8x128xf32, #tpu.memory_space<hbm>>
    %dma_wait3A_637 = tpu.memref_squeeze %dma_wait3A_636 : memref<1x8x128xf32, #tpu.memory_space<hbm>> -> memref<8x128xf32, #tpu.memory_space<hbm>>
    %dma_wait3A_638 = arith.constant 0 : i32
    %dma_wait3A_639 = arith.constant 0 : i32
    %dma_wait3A_640 = tpu.memref_slice %arg10[%dma_wait3A_638, %dma_wait3A_639] : memref<32x1025xf32, #tpu.memory_space<vmem>> -> memref<8x128xf32, #tpu.memory_space<vmem>>
    tpu.wait_dma2 semaphore(%arg14 : memref<!tpu.dma_semaphore, #tpu.memory_space<semaphore_mem>>) src(%dma_wait3A_640 : memref<8x128xf32, #tpu.memory_space<vmem>>) dst(%dma_wait3A_637 : memref<8x128xf32, #tpu.memory_space<hbm>>)
    %dma_wait3A_641 = arith.constant 0 : i32
    %dma_wait3A_642 = arith.constant 0 : i32
    %dma_wait3A_643 = arith.constant 0 : i32
    %dma_wait3A_644 = arith.constant 0 : i32
    %dma_wait3A_645 = tpu.memref_slice %arg10[%dma_wait3A_643, %dma_wait3A_644] : memref<32x1025xf32, #tpu.memory_space<vmem>> -> memref<8x128xf32, #tpu.memory_space<vmem>>
    %dma_wait3A_646 = arith.constant 0 : i32
    %dma_wait3A_647 = arith.constant 0 : i32
    %dma_wait3A_648 = tpu.memref_slice %arg4[%add3A, %dma_wait3A_641, %mul3A_370, %dma_wait3A_646, %dma_wait3A_647] : memref<4x8x64x8x128xf32, #tpu.memory_space<hbm>> -> memref<1x1x8x8x128xf32, #tpu.memory_space<hbm>>
    %dma_wait3A_649 = tpu.memref_squeeze %dma_wait3A_648 : memref<1x1x8x8x128xf32, #tpu.memory_space<hbm>> -> memref<8x8x128xf32, #tpu.memory_space<hbm>>
    %dma_wait3A_650 = arith.constant 0 : i32
    %dma_wait3A_651 = arith.constant 0 : i32
    %dma_wait3A_652 = tpu.memref_slice %dma_wait3A_649[%dma_wait3A_642, %dma_wait3A_650, %dma_wait3A_651] : memref<8x8x128xf32, #tpu.memory_space<hbm>> -> memref<1x8x128xf32, #tpu.memory_space<hbm>>
    %dma_wait3A_653 = tpu.memref_squeeze %dma_wait3A_652 : memref<1x8x128xf32, #tpu.memory_space<hbm>> -> memref<8x128xf32, #tpu.memory_space<hbm>>
    %dma_wait3A_654 = arith.constant 0 : i32
    %dma_wait3A_655 = arith.constant 0 : i32
    %dma_wait3A_656 = tpu.memref_slice %arg4[%add3A, %dma_wait3A_641, %mul3A_370, %dma_wait3A_654, %dma_wait3A_655] : memref<4x8x64x8x128xf32, #tpu.memory_space<hbm>> -> memref<1x1x8x8x128xf32, #tpu.memory_space<hbm>>
    %dma_wait3A_657 = tpu.memref_squeeze %dma_wait3A_656 : memref<1x1x8x8x128xf32, #tpu.memory_space<hbm>> -> memref<8x8x128xf32, #tpu.memory_space<hbm>>
    %dma_wait3A_658 = arith.constant 0 : i32
    %dma_wait3A_659 = arith.constant 0 : i32
    %dma_wait3A_660 = tpu.memref_slice %dma_wait3A_657[%dma_wait3A_642, %dma_wait3A_658, %dma_wait3A_659] : memref<8x8x128xf32, #tpu.memory_space<hbm>> -> memref<1x8x128xf32, #tpu.memory_space<hbm>>
    %dma_wait3A_661 = tpu.memref_squeeze %dma_wait3A_660 : memref<1x8x128xf32, #tpu.memory_space<hbm>> -> memref<8x128xf32, #tpu.memory_space<hbm>>
    %dma_wait3A_662 = arith.constant 0 : i32
    %dma_wait3A_663 = arith.constant 0 : i32
    %dma_wait3A_664 = tpu.memref_slice %arg10[%dma_wait3A_662, %dma_wait3A_663] : memref<32x1025xf32, #tpu.memory_space<vmem>> -> memref<8x128xf32, #tpu.memory_space<vmem>>
    tpu.wait_dma2 semaphore(%arg14 : memref<!tpu.dma_semaphore, #tpu.memory_space<semaphore_mem>>) src(%dma_wait3A_664 : memref<8x128xf32, #tpu.memory_space<vmem>>) dst(%dma_wait3A_661 : memref<8x128xf32, #tpu.memory_space<hbm>>)
    %dma_wait3A_665 = arith.constant 0 : i32
    %dma_wait3A_666 = arith.constant 0 : i32
    %dma_wait3A_667 = arith.constant 0 : i32
    %dma_wait3A_668 = arith.constant 0 : i32
    %dma_wait3A_669 = tpu.memref_slice %arg10[%dma_wait3A_667, %dma_wait3A_668] : memref<32x1025xf32, #tpu.memory_space<vmem>> -> memref<8x128xf32, #tpu.memory_space<vmem>>
    %dma_wait3A_670 = arith.constant 0 : i32
    %dma_wait3A_671 = arith.constant 0 : i32
    %dma_wait3A_672 = tpu.memref_slice %arg4[%add3A, %dma_wait3A_665, %mul3A_370, %dma_wait3A_670, %dma_wait3A_671] : memref<4x8x64x8x128xf32, #tpu.memory_space<hbm>> -> memref<1x1x8x8x128xf32, #tpu.memory_space<hbm>>
    %dma_wait3A_673 = tpu.memref_squeeze %dma_wait3A_672 : memref<1x1x8x8x128xf32, #tpu.memory_space<hbm>> -> memref<8x8x128xf32, #tpu.memory_space<hbm>>
    %dma_wait3A_674 = arith.constant 0 : i32
    %dma_wait3A_675 = arith.constant 0 : i32
    %dma_wait3A_676 = tpu.memref_slice %dma_wait3A_673[%dma_wait3A_666, %dma_wait3A_674, %dma_wait3A_675] : memref<8x8x128xf32, #tpu.memory_space<hbm>> -> memref<1x8x128xf32, #tpu.memory_space<hbm>>
    %dma_wait3A_677 = tpu.memref_squeeze %dma_wait3A_676 : memref<1x8x128xf32, #tpu.memory_space<hbm>> -> memref<8x128xf32, #tpu.memory_space<hbm>>
    %dma_wait3A_678 = arith.constant 0 : i32
    %dma_wait3A_679 = arith.constant 0 : i32
    %dma_wait3A_680 = tpu.memref_slice %arg4[%add3A, %dma_wait3A_665, %mul3A_370, %dma_wait3A_678, %dma_wait3A_679] : memref<4x8x64x8x128xf32, #tpu.memory_space<hbm>> -> memref<1x1x8x8x128xf32, #tpu.memory_space<hbm>>
    %dma_wait3A_681 = tpu.memref_squeeze %dma_wait3A_680 : memref<1x1x8x8x128xf32, #tpu.memory_space<hbm>> -> memref<8x8x128xf32, #tpu.memory_space<hbm>>
    %dma_wait3A_682 = arith.constant 0 : i32
    %dma_wait3A_683 = arith.constant 0 : i32
    %dma_wait3A_684 = tpu.memref_slice %dma_wait3A_681[%dma_wait3A_666, %dma_wait3A_682, %dma_wait3A_683] : memref<8x8x128xf32, #tpu.memory_space<hbm>> -> memref<1x8x128xf32, #tpu.memory_space<hbm>>
    %dma_wait3A_685 = tpu.memref_squeeze %dma_wait3A_684 : memref<1x8x128xf32, #tpu.memory_space<hbm>> -> memref<8x128xf32, #tpu.memory_space<hbm>>
    %dma_wait3A_686 = arith.constant 0 : i32
    %dma_wait3A_687 = arith.constant 0 : i32
    %dma_wait3A_688 = tpu.memref_slice %arg10[%dma_wait3A_686, %dma_wait3A_687] : memref<32x1025xf32, #tpu.memory_space<vmem>> -> memref<8x128xf32, #tpu.memory_space<vmem>>
    tpu.wait_dma2 semaphore(%arg14 : memref<!tpu.dma_semaphore, #tpu.memory_space<semaphore_mem>>) src(%dma_wait3A_688 : memref<8x128xf32, #tpu.memory_space<vmem>>) dst(%dma_wait3A_685 : memref<8x128xf32, #tpu.memory_space<hbm>>)
    %dma_wait3A_689 = arith.constant 0 : i32
    %dma_wait3A_690 = arith.constant 0 : i32
    %dma_wait3A_691 = arith.constant 0 : i32
    %dma_wait3A_692 = arith.constant 0 : i32
    %dma_wait3A_693 = tpu.memref_slice %arg10[%dma_wait3A_691, %dma_wait3A_692] : memref<32x1025xf32, #tpu.memory_space<vmem>> -> memref<8x128xf32, #tpu.memory_space<vmem>>
    %dma_wait3A_694 = arith.constant 0 : i32
    %dma_wait3A_695 = arith.constant 0 : i32
    %dma_wait3A_696 = tpu.memref_slice %arg4[%add3A, %dma_wait3A_689, %mul3A_370, %dma_wait3A_694, %dma_wait3A_695] : memref<4x8x64x8x128xf32, #tpu.memory_space<hbm>> -> memref<1x1x8x8x128xf32, #tpu.memory_space<hbm>>
    %dma_wait3A_697 = tpu.memref_squeeze %dma_wait3A_696 : memref<1x1x8x8x128xf32, #tpu.memory_space<hbm>> -> memref<8x8x128xf32, #tpu.memory_space<hbm>>
    %dma_wait3A_698 = arith.constant 0 : i32
    %dma_wait3A_699 = arith.constant 0 : i32
    %dma_wait3A_700 = tpu.memref_slice %dma_wait3A_697[%dma_wait3A_690, %dma_wait3A_698, %dma_wait3A_699] : memref<8x8x128xf32, #tpu.memory_space<hbm>> -> memref<1x8x128xf32, #tpu.memory_space<hbm>>
    %dma_wait3A_701 = tpu.memref_squeeze %dma_wait3A_700 : memref<1x8x128xf32, #tpu.memory_space<hbm>> -> memref<8x128xf32, #tpu.memory_space<hbm>>
    %dma_wait3A_702 = arith.constant 0 : i32
    %dma_wait3A_703 = arith.constant 0 : i32
    %dma_wait3A_704 = tpu.memref_slice %arg4[%add3A, %dma_wait3A_689, %mul3A_370, %dma_wait3A_702, %dma_wait3A_703] : memref<4x8x64x8x128xf32, #tpu.memory_space<hbm>> -> memref<1x1x8x8x128xf32, #tpu.memory_space<hbm>>
    %dma_wait3A_705 = tpu.memref_squeeze %dma_wait3A_704 : memref<1x1x8x8x128xf32, #tpu.memory_space<hbm>> -> memref<8x8x128xf32, #tpu.memory_space<hbm>>
    %dma_wait3A_706 = arith.constant 0 : i32
    %dma_wait3A_707 = arith.constant 0 : i32
    %dma_wait3A_708 = tpu.memref_slice %dma_wait3A_705[%dma_wait3A_690, %dma_wait3A_706, %dma_wait3A_707] : memref<8x8x128xf32, #tpu.memory_space<hbm>> -> memref<1x8x128xf32, #tpu.memory_space<hbm>>
    %dma_wait3A_709 = tpu.memref_squeeze %dma_wait3A_708 : memref<1x8x128xf32, #tpu.memory_space<hbm>> -> memref<8x128xf32, #tpu.memory_space<hbm>>
    %dma_wait3A_710 = arith.constant 0 : i32
    %dma_wait3A_711 = arith.constant 0 : i32
    %dma_wait3A_712 = tpu.memref_slice %arg10[%dma_wait3A_710, %dma_wait3A_711] : memref<32x1025xf32, #tpu.memory_space<vmem>> -> memref<8x128xf32, #tpu.memory_space<vmem>>
    tpu.wait_dma2 semaphore(%arg14 : memref<!tpu.dma_semaphore, #tpu.memory_space<semaphore_mem>>) src(%dma_wait3A_712 : memref<8x128xf32, #tpu.memory_space<vmem>>) dst(%dma_wait3A_709 : memref<8x128xf32, #tpu.memory_space<hbm>>)
    %dma_wait3A_713 = arith.constant 0 : i32
    %dma_wait3A_714 = arith.constant 0 : i32
    %dma_wait3A_715 = arith.constant 0 : i32
    %dma_wait3A_716 = arith.constant 0 : i32
    %dma_wait3A_717 = tpu.memref_slice %arg10[%dma_wait3A_715, %dma_wait3A_716] : memref<32x1025xf32, #tpu.memory_space<vmem>> -> memref<8x128xf32, #tpu.memory_space<vmem>>
    %dma_wait3A_718 = arith.constant 0 : i32
    %dma_wait3A_719 = arith.constant 0 : i32
    %dma_wait3A_720 = tpu.memref_slice %arg4[%add3A, %dma_wait3A_713, %mul3A_370, %dma_wait3A_718, %dma_wait3A_719] : memref<4x8x64x8x128xf32, #tpu.memory_space<hbm>> -> memref<1x1x8x8x128xf32, #tpu.memory_space<hbm>>
    %dma_wait3A_721 = tpu.memref_squeeze %dma_wait3A_720 : memref<1x1x8x8x128xf32, #tpu.memory_space<hbm>> -> memref<8x8x128xf32, #tpu.memory_space<hbm>>
    %dma_wait3A_722 = arith.constant 0 : i32
    %dma_wait3A_723 = arith.constant 0 : i32
    %dma_wait3A_724 = tpu.memref_slice %dma_wait3A_721[%dma_wait3A_714, %dma_wait3A_722, %dma_wait3A_723] : memref<8x8x128xf32, #tpu.memory_space<hbm>> -> memref<1x8x128xf32, #tpu.memory_space<hbm>>
    %dma_wait3A_725 = tpu.memref_squeeze %dma_wait3A_724 : memref<1x8x128xf32, #tpu.memory_space<hbm>> -> memref<8x128xf32, #tpu.memory_space<hbm>>
    %dma_wait3A_726 = arith.constant 0 : i32
    %dma_wait3A_727 = arith.constant 0 : i32
    %dma_wait3A_728 = tpu.memref_slice %arg4[%add3A, %dma_wait3A_713, %mul3A_370, %dma_wait3A_726, %dma_wait3A_727] : memref<4x8x64x8x128xf32, #tpu.memory_space<hbm>> -> memref<1x1x8x8x128xf32, #tpu.memory_space<hbm>>
    %dma_wait3A_729 = tpu.memref_squeeze %dma_wait3A_728 : memref<1x1x8x8x128xf32, #tpu.memory_space<hbm>> -> memref<8x8x128xf32, #tpu.memory_space<hbm>>
    %dma_wait3A_730 = arith.constant 0 : i32
    %dma_wait3A_731 = arith.constant 0 : i32
    %dma_wait3A_732 = tpu.memref_slice %dma_wait3A_729[%dma_wait3A_714, %dma_wait3A_730, %dma_wait3A_731] : memref<8x8x128xf32, #tpu.memory_space<hbm>> -> memref<1x8x128xf32, #tpu.memory_space<hbm>>
    %dma_wait3A_733 = tpu.memref_squeeze %dma_wait3A_732 : memref<1x8x128xf32, #tpu.memory_space<hbm>> -> memref<8x128xf32, #tpu.memory_space<hbm>>
    %dma_wait3A_734 = arith.constant 0 : i32
    %dma_wait3A_735 = arith.constant 0 : i32
    %dma_wait3A_736 = tpu.memref_slice %arg10[%dma_wait3A_734, %dma_wait3A_735] : memref<32x1025xf32, #tpu.memory_space<vmem>> -> memref<8x128xf32, #tpu.memory_space<vmem>>
    tpu.wait_dma2 semaphore(%arg14 : memref<!tpu.dma_semaphore, #tpu.memory_space<semaphore_mem>>) src(%dma_wait3A_736 : memref<8x128xf32, #tpu.memory_space<vmem>>) dst(%dma_wait3A_733 : memref<8x128xf32, #tpu.memory_space<hbm>>)
    %dma_wait3A_737 = arith.constant 0 : i32
    %dma_wait3A_738 = arith.constant 0 : i32
    %dma_wait3A_739 = arith.constant 0 : i32
    %dma_wait3A_740 = arith.constant 0 : i32
    %dma_wait3A_741 = tpu.memref_slice %arg10[%dma_wait3A_739, %dma_wait3A_740] : memref<32x1025xf32, #tpu.memory_space<vmem>> -> memref<8x128xf32, #tpu.memory_space<vmem>>
    %dma_wait3A_742 = arith.constant 0 : i32
    %dma_wait3A_743 = arith.constant 0 : i32
    %dma_wait3A_744 = tpu.memref_slice %arg4[%add3A, %dma_wait3A_737, %mul3A_370, %dma_wait3A_742, %dma_wait3A_743] : memref<4x8x64x8x128xf32, #tpu.memory_space<hbm>> -> memref<1x1x8x8x128xf32, #tpu.memory_space<hbm>>
    %dma_wait3A_745 = tpu.memref_squeeze %dma_wait3A_744 : memref<1x1x8x8x128xf32, #tpu.memory_space<hbm>> -> memref<8x8x128xf32, #tpu.memory_space<hbm>>
    %dma_wait3A_746 = arith.constant 0 : i32
    %dma_wait3A_747 = arith.constant 0 : i32
    %dma_wait3A_748 = tpu.memref_slice %dma_wait3A_745[%dma_wait3A_738, %dma_wait3A_746, %dma_wait3A_747] : memref<8x8x128xf32, #tpu.memory_space<hbm>> -> memref<1x8x128xf32, #tpu.memory_space<hbm>>
    %dma_wait3A_749 = tpu.memref_squeeze %dma_wait3A_748 : memref<1x8x128xf32, #tpu.memory_space<hbm>> -> memref<8x128xf32, #tpu.memory_space<hbm>>
    %dma_wait3A_750 = arith.constant 0 : i32
    %dma_wait3A_751 = arith.constant 0 : i32
    %dma_wait3A_752 = tpu.memref_slice %arg4[%add3A, %dma_wait3A_737, %mul3A_370, %dma_wait3A_750, %dma_wait3A_751] : memref<4x8x64x8x128xf32, #tpu.memory_space<hbm>> -> memref<1x1x8x8x128xf32, #tpu.memory_space<hbm>>
    %dma_wait3A_753 = tpu.memref_squeeze %dma_wait3A_752 : memref<1x1x8x8x128xf32, #tpu.memory_space<hbm>> -> memref<8x8x128xf32, #tpu.memory_space<hbm>>
    %dma_wait3A_754 = arith.constant 0 : i32
    %dma_wait3A_755 = arith.constant 0 : i32
    %dma_wait3A_756 = tpu.memref_slice %dma_wait3A_753[%dma_wait3A_738, %dma_wait3A_754, %dma_wait3A_755] : memref<8x8x128xf32, #tpu.memory_space<hbm>> -> memref<1x8x128xf32, #tpu.memory_space<hbm>>
    %dma_wait3A_757 = tpu.memref_squeeze %dma_wait3A_756 : memref<1x8x128xf32, #tpu.memory_space<hbm>> -> memref<8x128xf32, #tpu.memory_space<hbm>>
    %dma_wait3A_758 = arith.constant 0 : i32
    %dma_wait3A_759 = arith.constant 0 : i32
    %dma_wait3A_760 = tpu.memref_slice %arg10[%dma_wait3A_758, %dma_wait3A_759] : memref<32x1025xf32, #tpu.memory_space<vmem>> -> memref<8x128xf32, #tpu.memory_space<vmem>>
    tpu.wait_dma2 semaphore(%arg14 : memref<!tpu.dma_semaphore, #tpu.memory_space<semaphore_mem>>) src(%dma_wait3A_760 : memref<8x128xf32, #tpu.memory_space<vmem>>) dst(%dma_wait3A_757 : memref<8x128xf32, #tpu.memory_space<hbm>>)
    %dma_wait3A_761 = arith.constant 0 : i32
    %dma_wait3A_762 = arith.constant 0 : i32
    %dma_wait3A_763 = arith.constant 0 : i32
    %dma_wait3A_764 = arith.constant 0 : i32
    %dma_wait3A_765 = tpu.memref_slice %arg10[%dma_wait3A_763, %dma_wait3A_764] : memref<32x1025xf32, #tpu.memory_space<vmem>> -> memref<8x128xf32, #tpu.memory_space<vmem>>
    %dma_wait3A_766 = arith.constant 0 : i32
    %dma_wait3A_767 = arith.constant 0 : i32
    %dma_wait3A_768 = tpu.memref_slice %arg4[%add3A, %dma_wait3A_761, %mul3A_370, %dma_wait3A_766, %dma_wait3A_767] : memref<4x8x64x8x128xf32, #tpu.memory_space<hbm>> -> memref<1x1x8x8x128xf32, #tpu.memory_space<hbm>>
    %dma_wait3A_769 = tpu.memref_squeeze %dma_wait3A_768 : memref<1x1x8x8x128xf32, #tpu.memory_space<hbm>> -> memref<8x8x128xf32, #tpu.memory_space<hbm>>
    %dma_wait3A_770 = arith.constant 0 : i32
    %dma_wait3A_771 = arith.constant 0 : i32
    %dma_wait3A_772 = tpu.memref_slice %dma_wait3A_769[%dma_wait3A_762, %dma_wait3A_770, %dma_wait3A_771] : memref<8x8x128xf32, #tpu.memory_space<hbm>> -> memref<1x8x128xf32, #tpu.memory_space<hbm>>
    %dma_wait3A_773 = tpu.memref_squeeze %dma_wait3A_772 : memref<1x8x128xf32, #tpu.memory_space<hbm>> -> memref<8x128xf32, #tpu.memory_space<hbm>>
    %dma_wait3A_774 = arith.constant 0 : i32
    %dma_wait3A_775 = arith.constant 0 : i32
    %dma_wait3A_776 = tpu.memref_slice %arg4[%add3A, %dma_wait3A_761, %mul3A_370, %dma_wait3A_774, %dma_wait3A_775] : memref<4x8x64x8x128xf32, #tpu.memory_space<hbm>> -> memref<1x1x8x8x128xf32, #tpu.memory_space<hbm>>
    %dma_wait3A_777 = tpu.memref_squeeze %dma_wait3A_776 : memref<1x1x8x8x128xf32, #tpu.memory_space<hbm>> -> memref<8x8x128xf32, #tpu.memory_space<hbm>>
    %dma_wait3A_778 = arith.constant 0 : i32
    %dma_wait3A_779 = arith.constant 0 : i32
    %dma_wait3A_780 = tpu.memref_slice %dma_wait3A_777[%dma_wait3A_762, %dma_wait3A_778, %dma_wait3A_779] : memref<8x8x128xf32, #tpu.memory_space<hbm>> -> memref<1x8x128xf32, #tpu.memory_space<hbm>>
    %dma_wait3A_781 = tpu.memref_squeeze %dma_wait3A_780 : memref<1x8x128xf32, #tpu.memory_space<hbm>> -> memref<8x128xf32, #tpu.memory_space<hbm>>
    %dma_wait3A_782 = arith.constant 0 : i32
    %dma_wait3A_783 = arith.constant 0 : i32
    %dma_wait3A_784 = tpu.memref_slice %arg10[%dma_wait3A_782, %dma_wait3A_783] : memref<32x1025xf32, #tpu.memory_space<vmem>> -> memref<8x128xf32, #tpu.memory_space<vmem>>
    tpu.wait_dma2 semaphore(%arg14 : memref<!tpu.dma_semaphore, #tpu.memory_space<semaphore_mem>>) src(%dma_wait3A_784 : memref<8x128xf32, #tpu.memory_space<vmem>>) dst(%dma_wait3A_781 : memref<8x128xf32, #tpu.memory_space<hbm>>)
    %dma_wait3A_785 = arith.constant 0 : i32
    %dma_wait3A_786 = arith.constant 0 : i32
    %dma_wait3A_787 = arith.constant 0 : i32
    %dma_wait3A_788 = arith.constant 0 : i32
    %dma_wait3A_789 = tpu.memref_slice %arg10[%dma_wait3A_787, %dma_wait3A_788] : memref<32x1025xf32, #tpu.memory_space<vmem>> -> memref<8x128xf32, #tpu.memory_space<vmem>>
    %dma_wait3A_790 = arith.constant 0 : i32
    %dma_wait3A_791 = arith.constant 0 : i32
    %dma_wait3A_792 = tpu.memref_slice %arg4[%add3A, %dma_wait3A_785, %mul3A_370, %dma_wait3A_790, %dma_wait3A_791] : memref<4x8x64x8x128xf32, #tpu.memory_space<hbm>> -> memref<1x1x8x8x128xf32, #tpu.memory_space<hbm>>
    %dma_wait3A_793 = tpu.memref_squeeze %dma_wait3A_792 : memref<1x1x8x8x128xf32, #tpu.memory_space<hbm>> -> memref<8x8x128xf32, #tpu.memory_space<hbm>>
    %dma_wait3A_794 = arith.constant 0 : i32
    %dma_wait3A_795 = arith.constant 0 : i32
    %dma_wait3A_796 = tpu.memref_slice %dma_wait3A_793[%dma_wait3A_786, %dma_wait3A_794, %dma_wait3A_795] : memref<8x8x128xf32, #tpu.memory_space<hbm>> -> memref<1x8x128xf32, #tpu.memory_space<hbm>>
    %dma_wait3A_797 = tpu.memref_squeeze %dma_wait3A_796 : memref<1x8x128xf32, #tpu.memory_space<hbm>> -> memref<8x128xf32, #tpu.memory_space<hbm>>
    %dma_wait3A_798 = arith.constant 0 : i32
    %dma_wait3A_799 = arith.constant 0 : i32
    %dma_wait3A_800 = tpu.memref_slice %arg4[%add3A, %dma_wait3A_785, %mul3A_370, %dma_wait3A_798, %dma_wait3A_799] : memref<4x8x64x8x128xf32, #tpu.memory_space<hbm>> -> memref<1x1x8x8x128xf32, #tpu.memory_space<hbm>>
    %dma_wait3A_801 = tpu.memref_squeeze %dma_wait3A_800 : memref<1x1x8x8x128xf32, #tpu.memory_space<hbm>> -> memref<8x8x128xf32, #tpu.memory_space<hbm>>
    %dma_wait3A_802 = arith.constant 0 : i32
    %dma_wait3A_803 = arith.constant 0 : i32
    %dma_wait3A_804 = tpu.memref_slice %dma_wait3A_801[%dma_wait3A_786, %dma_wait3A_802, %dma_wait3A_803] : memref<8x8x128xf32, #tpu.memory_space<hbm>> -> memref<1x8x128xf32, #tpu.memory_space<hbm>>
    %dma_wait3A_805 = tpu.memref_squeeze %dma_wait3A_804 : memref<1x8x128xf32, #tpu.memory_space<hbm>> -> memref<8x128xf32, #tpu.memory_space<hbm>>
    %dma_wait3A_806 = arith.constant 0 : i32
    %dma_wait3A_807 = arith.constant 0 : i32
    %dma_wait3A_808 = tpu.memref_slice %arg10[%dma_wait3A_806, %dma_wait3A_807] : memref<32x1025xf32, #tpu.memory_space<vmem>> -> memref<8x128xf32, #tpu.memory_space<vmem>>
    tpu.wait_dma2 semaphore(%arg14 : memref<!tpu.dma_semaphore, #tpu.memory_space<semaphore_mem>>) src(%dma_wait3A_808 : memref<8x128xf32, #tpu.memory_space<vmem>>) dst(%dma_wait3A_805 : memref<8x128xf32, #tpu.memory_space<hbm>>)
    %dma_wait3A_809 = arith.constant 0 : i32
    %dma_wait3A_810 = arith.constant 0 : i32
    %dma_wait3A_811 = arith.constant 0 : i32
    %dma_wait3A_812 = arith.constant 0 : i32
    %dma_wait3A_813 = tpu.memref_slice %arg10[%dma_wait3A_811, %dma_wait3A_812] : memref<32x1025xf32, #tpu.memory_space<vmem>> -> memref<8x128xf32, #tpu.memory_space<vmem>>
    %dma_wait3A_814 = arith.constant 0 : i32
    %dma_wait3A_815 = arith.constant 0 : i32
    %dma_wait3A_816 = tpu.memref_slice %arg4[%add3A, %dma_wait3A_809, %mul3A_370, %dma_wait3A_814, %dma_wait3A_815] : memref<4x8x64x8x128xf32, #tpu.memory_space<hbm>> -> memref<1x1x8x8x128xf32, #tpu.memory_space<hbm>>
    %dma_wait3A_817 = tpu.memref_squeeze %dma_wait3A_816 : memref<1x1x8x8x128xf32, #tpu.memory_space<hbm>> -> memref<8x8x128xf32, #tpu.memory_space<hbm>>
    %dma_wait3A_818 = arith.constant 0 : i32
    %dma_wait3A_819 = arith.constant 0 : i32
    %dma_wait3A_820 = tpu.memref_slice %dma_wait3A_817[%dma_wait3A_810, %dma_wait3A_818, %dma_wait3A_819] : memref<8x8x128xf32, #tpu.memory_space<hbm>> -> memref<1x8x128xf32, #tpu.memory_space<hbm>>
    %dma_wait3A_821 = tpu.memref_squeeze %dma_wait3A_820 : memref<1x8x128xf32, #tpu.memory_space<hbm>> -> memref<8x128xf32, #tpu.memory_space<hbm>>
    %dma_wait3A_822 = arith.constant 0 : i32
    %dma_wait3A_823 = arith.constant 0 : i32
    %dma_wait3A_824 = tpu.memref_slice %arg4[%add3A, %dma_wait3A_809, %mul3A_370, %dma_wait3A_822, %dma_wait3A_823] : memref<4x8x64x8x128xf32, #tpu.memory_space<hbm>> -> memref<1x1x8x8x128xf32, #tpu.memory_space<hbm>>
    %dma_wait3A_825 = tpu.memref_squeeze %dma_wait3A_824 : memref<1x1x8x8x128xf32, #tpu.memory_space<hbm>> -> memref<8x8x128xf32, #tpu.memory_space<hbm>>
    %dma_wait3A_826 = arith.constant 0 : i32
    %dma_wait3A_827 = arith.constant 0 : i32
    %dma_wait3A_828 = tpu.memref_slice %dma_wait3A_825[%dma_wait3A_810, %dma_wait3A_826, %dma_wait3A_827] : memref<8x8x128xf32, #tpu.memory_space<hbm>> -> memref<1x8x128xf32, #tpu.memory_space<hbm>>
    %dma_wait3A_829 = tpu.memref_squeeze %dma_wait3A_828 : memref<1x8x128xf32, #tpu.memory_space<hbm>> -> memref<8x128xf32, #tpu.memory_space<hbm>>
    %dma_wait3A_830 = arith.constant 0 : i32
    %dma_wait3A_831 = arith.constant 0 : i32
    %dma_wait3A_832 = tpu.memref_slice %arg10[%dma_wait3A_830, %dma_wait3A_831] : memref<32x1025xf32, #tpu.memory_space<vmem>> -> memref<8x128xf32, #tpu.memory_space<vmem>>
    tpu.wait_dma2 semaphore(%arg14 : memref<!tpu.dma_semaphore, #tpu.memory_space<semaphore_mem>>) src(%dma_wait3A_832 : memref<8x128xf32, #tpu.memory_space<vmem>>) dst(%dma_wait3A_829 : memref<8x128xf32, #tpu.memory_space<hbm>>)
    %dma_wait3A_833 = arith.constant 0 : i32
    %dma_wait3A_834 = arith.constant 0 : i32
    %dma_wait3A_835 = arith.constant 0 : i32
    %dma_wait3A_836 = arith.constant 0 : i32
    %dma_wait3A_837 = tpu.memref_slice %arg10[%dma_wait3A_835, %dma_wait3A_836] : memref<32x1025xf32, #tpu.memory_space<vmem>> -> memref<8x128xf32, #tpu.memory_space<vmem>>
    %dma_wait3A_838 = arith.constant 0 : i32
    %dma_wait3A_839 = arith.constant 0 : i32
    %dma_wait3A_840 = tpu.memref_slice %arg4[%add3A, %dma_wait3A_833, %mul3A_370, %dma_wait3A_838, %dma_wait3A_839] : memref<4x8x64x8x128xf32, #tpu.memory_space<hbm>> -> memref<1x1x8x8x128xf32, #tpu.memory_space<hbm>>
    %dma_wait3A_841 = tpu.memref_squeeze %dma_wait3A_840 : memref<1x1x8x8x128xf32, #tpu.memory_space<hbm>> -> memref<8x8x128xf32, #tpu.memory_space<hbm>>
    %dma_wait3A_842 = arith.constant 0 : i32
    %dma_wait3A_843 = arith.constant 0 : i32
    %dma_wait3A_844 = tpu.memref_slice %dma_wait3A_841[%dma_wait3A_834, %dma_wait3A_842, %dma_wait3A_843] : memref<8x8x128xf32, #tpu.memory_space<hbm>> -> memref<1x8x128xf32, #tpu.memory_space<hbm>>
    %dma_wait3A_845 = tpu.memref_squeeze %dma_wait3A_844 : memref<1x8x128xf32, #tpu.memory_space<hbm>> -> memref<8x128xf32, #tpu.memory_space<hbm>>
    %dma_wait3A_846 = arith.constant 0 : i32
    %dma_wait3A_847 = arith.constant 0 : i32
    %dma_wait3A_848 = tpu.memref_slice %arg4[%add3A, %dma_wait3A_833, %mul3A_370, %dma_wait3A_846, %dma_wait3A_847] : memref<4x8x64x8x128xf32, #tpu.memory_space<hbm>> -> memref<1x1x8x8x128xf32, #tpu.memory_space<hbm>>
    %dma_wait3A_849 = tpu.memref_squeeze %dma_wait3A_848 : memref<1x1x8x8x128xf32, #tpu.memory_space<hbm>> -> memref<8x8x128xf32, #tpu.memory_space<hbm>>
    %dma_wait3A_850 = arith.constant 0 : i32
    %dma_wait3A_851 = arith.constant 0 : i32
    %dma_wait3A_852 = tpu.memref_slice %dma_wait3A_849[%dma_wait3A_834, %dma_wait3A_850, %dma_wait3A_851] : memref<8x8x128xf32, #tpu.memory_space<hbm>> -> memref<1x8x128xf32, #tpu.memory_space<hbm>>
    %dma_wait3A_853 = tpu.memref_squeeze %dma_wait3A_852 : memref<1x8x128xf32, #tpu.memory_space<hbm>> -> memref<8x128xf32, #tpu.memory_space<hbm>>
    %dma_wait3A_854 = arith.constant 0 : i32
    %dma_wait3A_855 = arith.constant 0 : i32
    %dma_wait3A_856 = tpu.memref_slice %arg10[%dma_wait3A_854, %dma_wait3A_855] : memref<32x1025xf32, #tpu.memory_space<vmem>> -> memref<8x128xf32, #tpu.memory_space<vmem>>
    tpu.wait_dma2 semaphore(%arg14 : memref<!tpu.dma_semaphore, #tpu.memory_space<semaphore_mem>>) src(%dma_wait3A_856 : memref<8x128xf32, #tpu.memory_space<vmem>>) dst(%dma_wait3A_853 : memref<8x128xf32, #tpu.memory_space<hbm>>)
    %dma_wait3A_857 = arith.constant 0 : i32
    %dma_wait3A_858 = arith.constant 0 : i32
    %dma_wait3A_859 = arith.constant 0 : i32
    %dma_wait3A_860 = arith.constant 0 : i32
    %dma_wait3A_861 = tpu.memref_slice %arg10[%dma_wait3A_859, %dma_wait3A_860] : memref<32x1025xf32, #tpu.memory_space<vmem>> -> memref<8x128xf32, #tpu.memory_space<vmem>>
    %dma_wait3A_862 = arith.constant 0 : i32
    %dma_wait3A_863 = arith.constant 0 : i32
    %dma_wait3A_864 = tpu.memref_slice %arg4[%add3A, %dma_wait3A_857, %mul3A_370, %dma_wait3A_862, %dma_wait3A_863] : memref<4x8x64x8x128xf32, #tpu.memory_space<hbm>> -> memref<1x1x8x8x128xf32, #tpu.memory_space<hbm>>
    %dma_wait3A_865 = tpu.memref_squeeze %dma_wait3A_864 : memref<1x1x8x8x128xf32, #tpu.memory_space<hbm>> -> memref<8x8x128xf32, #tpu.memory_space<hbm>>
    %dma_wait3A_866 = arith.constant 0 : i32
    %dma_wait3A_867 = arith.constant 0 : i32
    %dma_wait3A_868 = tpu.memref_slice %dma_wait3A_865[%dma_wait3A_858, %dma_wait3A_866, %dma_wait3A_867] : memref<8x8x128xf32, #tpu.memory_space<hbm>> -> memref<1x8x128xf32, #tpu.memory_space<hbm>>
    %dma_wait3A_869 = tpu.memref_squeeze %dma_wait3A_868 : memref<1x8x128xf32, #tpu.memory_space<hbm>> -> memref<8x128xf32, #tpu.memory_space<hbm>>
    %dma_wait3A_870 = arith.constant 0 : i32
    %dma_wait3A_871 = arith.constant 0 : i32
    %dma_wait3A_872 = tpu.memref_slice %arg4[%add3A, %dma_wait3A_857, %mul3A_370, %dma_wait3A_870, %dma_wait3A_871] : memref<4x8x64x8x128xf32, #tpu.memory_space<hbm>> -> memref<1x1x8x8x128xf32, #tpu.memory_space<hbm>>
    %dma_wait3A_873 = tpu.memref_squeeze %dma_wait3A_872 : memref<1x1x8x8x128xf32, #tpu.memory_space<hbm>> -> memref<8x8x128xf32, #tpu.memory_space<hbm>>
    %dma_wait3A_874 = arith.constant 0 : i32
    %dma_wait3A_875 = arith.constant 0 : i32
    %dma_wait3A_876 = tpu.memref_slice %dma_wait3A_873[%dma_wait3A_858, %dma_wait3A_874, %dma_wait3A_875] : memref<8x8x128xf32, #tpu.memory_space<hbm>> -> memref<1x8x128xf32, #tpu.memory_space<hbm>>
    %dma_wait3A_877 = tpu.memref_squeeze %dma_wait3A_876 : memref<1x8x128xf32, #tpu.memory_space<hbm>> -> memref<8x128xf32, #tpu.memory_space<hbm>>
    %dma_wait3A_878 = arith.constant 0 : i32
    %dma_wait3A_879 = arith.constant 0 : i32
    %dma_wait3A_880 = tpu.memref_slice %arg10[%dma_wait3A_878, %dma_wait3A_879] : memref<32x1025xf32, #tpu.memory_space<vmem>> -> memref<8x128xf32, #tpu.memory_space<vmem>>
    tpu.wait_dma2 semaphore(%arg14 : memref<!tpu.dma_semaphore, #tpu.memory_space<semaphore_mem>>) src(%dma_wait3A_880 : memref<8x128xf32, #tpu.memory_space<vmem>>) dst(%dma_wait3A_877 : memref<8x128xf32, #tpu.memory_space<hbm>>)
    %dma_wait3A_881 = arith.constant 0 : i32
    %dma_wait3A_882 = arith.constant 0 : i32
    %dma_wait3A_883 = arith.constant 0 : i32
    %dma_wait3A_884 = arith.constant 0 : i32
    %dma_wait3A_885 = tpu.memref_slice %arg10[%dma_wait3A_883, %dma_wait3A_884] : memref<32x1025xf32, #tpu.memory_space<vmem>> -> memref<8x128xf32, #tpu.memory_space<vmem>>
    %dma_wait3A_886 = arith.constant 0 : i32
    %dma_wait3A_887 = arith.constant 0 : i32
    %dma_wait3A_888 = tpu.memref_slice %arg4[%add3A, %dma_wait3A_881, %mul3A_370, %dma_wait3A_886, %dma_wait3A_887] : memref<4x8x64x8x128xf32, #tpu.memory_space<hbm>> -> memref<1x1x8x8x128xf32, #tpu.memory_space<hbm>>
    %dma_wait3A_889 = tpu.memref_squeeze %dma_wait3A_888 : memref<1x1x8x8x128xf32, #tpu.memory_space<hbm>> -> memref<8x8x128xf32, #tpu.memory_space<hbm>>
    %dma_wait3A_890 = arith.constant 0 : i32
    %dma_wait3A_891 = arith.constant 0 : i32
    %dma_wait3A_892 = tpu.memref_slice %dma_wait3A_889[%dma_wait3A_882, %dma_wait3A_890, %dma_wait3A_891] : memref<8x8x128xf32, #tpu.memory_space<hbm>> -> memref<1x8x128xf32, #tpu.memory_space<hbm>>
    %dma_wait3A_893 = tpu.memref_squeeze %dma_wait3A_892 : memref<1x8x128xf32, #tpu.memory_space<hbm>> -> memref<8x128xf32, #tpu.memory_space<hbm>>
    %dma_wait3A_894 = arith.constant 0 : i32
    %dma_wait3A_895 = arith.constant 0 : i32
    %dma_wait3A_896 = tpu.memref_slice %arg4[%add3A, %dma_wait3A_881, %mul3A_370, %dma_wait3A_894, %dma_wait3A_895] : memref<4x8x64x8x128xf32, #tpu.memory_space<hbm>> -> memref<1x1x8x8x128xf32, #tpu.memory_space<hbm>>
    %dma_wait3A_897 = tpu.memref_squeeze %dma_wait3A_896 : memref<1x1x8x8x128xf32, #tpu.memory_space<hbm>> -> memref<8x8x128xf32, #tpu.memory_space<hbm>>
    %dma_wait3A_898 = arith.constant 0 : i32
    %dma_wait3A_899 = arith.constant 0 : i32
    %dma_wait3A_900 = tpu.memref_slice %dma_wait3A_897[%dma_wait3A_882, %dma_wait3A_898, %dma_wait3A_899] : memref<8x8x128xf32, #tpu.memory_space<hbm>> -> memref<1x8x128xf32, #tpu.memory_space<hbm>>
    %dma_wait3A_901 = tpu.memref_squeeze %dma_wait3A_900 : memref<1x8x128xf32, #tpu.memory_space<hbm>> -> memref<8x128xf32, #tpu.memory_space<hbm>>
    %dma_wait3A_902 = arith.constant 0 : i32
    %dma_wait3A_903 = arith.constant 0 : i32
    %dma_wait3A_904 = tpu.memref_slice %arg10[%dma_wait3A_902, %dma_wait3A_903] : memref<32x1025xf32, #tpu.memory_space<vmem>> -> memref<8x128xf32, #tpu.memory_space<vmem>>
    tpu.wait_dma2 semaphore(%arg14 : memref<!tpu.dma_semaphore, #tpu.memory_space<semaphore_mem>>) src(%dma_wait3A_904 : memref<8x128xf32, #tpu.memory_space<vmem>>) dst(%dma_wait3A_901 : memref<8x128xf32, #tpu.memory_space<hbm>>)
    %dma_wait3A_905 = arith.constant 0 : i32
    %dma_wait3A_906 = arith.constant 0 : i32
    %dma_wait3A_907 = arith.constant 0 : i32
    %dma_wait3A_908 = arith.constant 0 : i32
    %dma_wait3A_909 = tpu.memref_slice %arg10[%dma_wait3A_907, %dma_wait3A_908] : memref<32x1025xf32, #tpu.memory_space<vmem>> -> memref<8x128xf32, #tpu.memory_space<vmem>>
    %dma_wait3A_910 = arith.constant 0 : i32
    %dma_wait3A_911 = arith.constant 0 : i32
    %dma_wait3A_912 = tpu.memref_slice %arg4[%add3A, %dma_wait3A_905, %mul3A_370, %dma_wait3A_910, %dma_wait3A_911] : memref<4x8x64x8x128xf32, #tpu.memory_space<hbm>> -> memref<1x1x8x8x128xf32, #tpu.memory_space<hbm>>
    %dma_wait3A_913 = tpu.memref_squeeze %dma_wait3A_912 : memref<1x1x8x8x128xf32, #tpu.memory_space<hbm>> -> memref<8x8x128xf32, #tpu.memory_space<hbm>>
    %dma_wait3A_914 = arith.constant 0 : i32
    %dma_wait3A_915 = arith.constant 0 : i32
    %dma_wait3A_916 = tpu.memref_slice %dma_wait3A_913[%dma_wait3A_906, %dma_wait3A_914, %dma_wait3A_915] : memref<8x8x128xf32, #tpu.memory_space<hbm>> -> memref<1x8x128xf32, #tpu.memory_space<hbm>>
    %dma_wait3A_917 = tpu.memref_squeeze %dma_wait3A_916 : memref<1x8x128xf32, #tpu.memory_space<hbm>> -> memref<8x128xf32, #tpu.memory_space<hbm>>
    %dma_wait3A_918 = arith.constant 0 : i32
    %dma_wait3A_919 = arith.constant 0 : i32
    %dma_wait3A_920 = tpu.memref_slice %arg4[%add3A, %dma_wait3A_905, %mul3A_370, %dma_wait3A_918, %dma_wait3A_919] : memref<4x8x64x8x128xf32, #tpu.memory_space<hbm>> -> memref<1x1x8x8x128xf32, #tpu.memory_space<hbm>>
    %dma_wait3A_921 = tpu.memref_squeeze %dma_wait3A_920 : memref<1x1x8x8x128xf32, #tpu.memory_space<hbm>> -> memref<8x8x128xf32, #tpu.memory_space<hbm>>
    %dma_wait3A_922 = arith.constant 0 : i32
    %dma_wait3A_923 = arith.constant 0 : i32
    %dma_wait3A_924 = tpu.memref_slice %dma_wait3A_921[%dma_wait3A_906, %dma_wait3A_922, %dma_wait3A_923] : memref<8x8x128xf32, #tpu.memory_space<hbm>> -> memref<1x8x128xf32, #tpu.memory_space<hbm>>
    %dma_wait3A_925 = tpu.memref_squeeze %dma_wait3A_924 : memref<1x8x128xf32, #tpu.memory_space<hbm>> -> memref<8x128xf32, #tpu.memory_space<hbm>>
    %dma_wait3A_926 = arith.constant 0 : i32
    %dma_wait3A_927 = arith.constant 0 : i32
    %dma_wait3A_928 = tpu.memref_slice %arg10[%dma_wait3A_926, %dma_wait3A_927] : memref<32x1025xf32, #tpu.memory_space<vmem>> -> memref<8x128xf32, #tpu.memory_space<vmem>>
    tpu.wait_dma2 semaphore(%arg14 : memref<!tpu.dma_semaphore, #tpu.memory_space<semaphore_mem>>) src(%dma_wait3A_928 : memref<8x128xf32, #tpu.memory_space<vmem>>) dst(%dma_wait3A_925 : memref<8x128xf32, #tpu.memory_space<hbm>>)
    %dma_wait3A_929 = arith.constant 0 : i32
    %dma_wait3A_930 = arith.constant 0 : i32
    %dma_wait3A_931 = arith.constant 0 : i32
    %dma_wait3A_932 = arith.constant 0 : i32
    %dma_wait3A_933 = tpu.memref_slice %arg10[%dma_wait3A_931, %dma_wait3A_932] : memref<32x1025xf32, #tpu.memory_space<vmem>> -> memref<8x128xf32, #tpu.memory_space<vmem>>
    %dma_wait3A_934 = arith.constant 0 : i32
    %dma_wait3A_935 = arith.constant 0 : i32
    %dma_wait3A_936 = tpu.memref_slice %arg4[%add3A, %dma_wait3A_929, %mul3A_370, %dma_wait3A_934, %dma_wait3A_935] : memref<4x8x64x8x128xf32, #tpu.memory_space<hbm>> -> memref<1x1x8x8x128xf32, #tpu.memory_space<hbm>>
    %dma_wait3A_937 = tpu.memref_squeeze %dma_wait3A_936 : memref<1x1x8x8x128xf32, #tpu.memory_space<hbm>> -> memref<8x8x128xf32, #tpu.memory_space<hbm>>
    %dma_wait3A_938 = arith.constant 0 : i32
    %dma_wait3A_939 = arith.constant 0 : i32
    %dma_wait3A_940 = tpu.memref_slice %dma_wait3A_937[%dma_wait3A_930, %dma_wait3A_938, %dma_wait3A_939] : memref<8x8x128xf32, #tpu.memory_space<hbm>> -> memref<1x8x128xf32, #tpu.memory_space<hbm>>
    %dma_wait3A_941 = tpu.memref_squeeze %dma_wait3A_940 : memref<1x8x128xf32, #tpu.memory_space<hbm>> -> memref<8x128xf32, #tpu.memory_space<hbm>>
    %dma_wait3A_942 = arith.constant 0 : i32
    %dma_wait3A_943 = arith.constant 0 : i32
    %dma_wait3A_944 = tpu.memref_slice %arg4[%add3A, %dma_wait3A_929, %mul3A_370, %dma_wait3A_942, %dma_wait3A_943] : memref<4x8x64x8x128xf32, #tpu.memory_space<hbm>> -> memref<1x1x8x8x128xf32, #tpu.memory_space<hbm>>
    %dma_wait3A_945 = tpu.memref_squeeze %dma_wait3A_944 : memref<1x1x8x8x128xf32, #tpu.memory_space<hbm>> -> memref<8x8x128xf32, #tpu.memory_space<hbm>>
    %dma_wait3A_946 = arith.constant 0 : i32
    %dma_wait3A_947 = arith.constant 0 : i32
    %dma_wait3A_948 = tpu.memref_slice %dma_wait3A_945[%dma_wait3A_930, %dma_wait3A_946, %dma_wait3A_947] : memref<8x8x128xf32, #tpu.memory_space<hbm>> -> memref<1x8x128xf32, #tpu.memory_space<hbm>>
    %dma_wait3A_949 = tpu.memref_squeeze %dma_wait3A_948 : memref<1x8x128xf32, #tpu.memory_space<hbm>> -> memref<8x128xf32, #tpu.memory_space<hbm>>
    %dma_wait3A_950 = arith.constant 0 : i32
    %dma_wait3A_951 = arith.constant 0 : i32
    %dma_wait3A_952 = tpu.memref_slice %arg10[%dma_wait3A_950, %dma_wait3A_951] : memref<32x1025xf32, #tpu.memory_space<vmem>> -> memref<8x128xf32, #tpu.memory_space<vmem>>
    tpu.wait_dma2 semaphore(%arg14 : memref<!tpu.dma_semaphore, #tpu.memory_space<semaphore_mem>>) src(%dma_wait3A_952 : memref<8x128xf32, #tpu.memory_space<vmem>>) dst(%dma_wait3A_949 : memref<8x128xf32, #tpu.memory_space<hbm>>)
    %dma_wait3A_953 = arith.constant 0 : i32
    %dma_wait3A_954 = arith.constant 0 : i32
    %dma_wait3A_955 = arith.constant 0 : i32
    %dma_wait3A_956 = arith.constant 0 : i32
    %dma_wait3A_957 = tpu.memref_slice %arg10[%dma_wait3A_955, %dma_wait3A_956] : memref<32x1025xf32, #tpu.memory_space<vmem>> -> memref<8x128xf32, #tpu.memory_space<vmem>>
    %dma_wait3A_958 = arith.constant 0 : i32
    %dma_wait3A_959 = arith.constant 0 : i32
    %dma_wait3A_960 = tpu.memref_slice %arg4[%add3A, %dma_wait3A_953, %mul3A_370, %dma_wait3A_958, %dma_wait3A_959] : memref<4x8x64x8x128xf32, #tpu.memory_space<hbm>> -> memref<1x1x8x8x128xf32, #tpu.memory_space<hbm>>
    %dma_wait3A_961 = tpu.memref_squeeze %dma_wait3A_960 : memref<1x1x8x8x128xf32, #tpu.memory_space<hbm>> -> memref<8x8x128xf32, #tpu.memory_space<hbm>>
    %dma_wait3A_962 = arith.constant 0 : i32
    %dma_wait3A_963 = arith.constant 0 : i32
    %dma_wait3A_964 = tpu.memref_slice %dma_wait3A_961[%dma_wait3A_954, %dma_wait3A_962, %dma_wait3A_963] : memref<8x8x128xf32, #tpu.memory_space<hbm>> -> memref<1x8x128xf32, #tpu.memory_space<hbm>>
    %dma_wait3A_965 = tpu.memref_squeeze %dma_wait3A_964 : memref<1x8x128xf32, #tpu.memory_space<hbm>> -> memref<8x128xf32, #tpu.memory_space<hbm>>
    %dma_wait3A_966 = arith.constant 0 : i32
    %dma_wait3A_967 = arith.constant 0 : i32
    %dma_wait3A_968 = tpu.memref_slice %arg4[%add3A, %dma_wait3A_953, %mul3A_370, %dma_wait3A_966, %dma_wait3A_967] : memref<4x8x64x8x128xf32, #tpu.memory_space<hbm>> -> memref<1x1x8x8x128xf32, #tpu.memory_space<hbm>>
    %dma_wait3A_969 = tpu.memref_squeeze %dma_wait3A_968 : memref<1x1x8x8x128xf32, #tpu.memory_space<hbm>> -> memref<8x8x128xf32, #tpu.memory_space<hbm>>
    %dma_wait3A_970 = arith.constant 0 : i32
    %dma_wait3A_971 = arith.constant 0 : i32
    %dma_wait3A_972 = tpu.memref_slice %dma_wait3A_969[%dma_wait3A_954, %dma_wait3A_970, %dma_wait3A_971] : memref<8x8x128xf32, #tpu.memory_space<hbm>> -> memref<1x8x128xf32, #tpu.memory_space<hbm>>
    %dma_wait3A_973 = tpu.memref_squeeze %dma_wait3A_972 : memref<1x8x128xf32, #tpu.memory_space<hbm>> -> memref<8x128xf32, #tpu.memory_space<hbm>>
    %dma_wait3A_974 = arith.constant 0 : i32
    %dma_wait3A_975 = arith.constant 0 : i32
    %dma_wait3A_976 = tpu.memref_slice %arg10[%dma_wait3A_974, %dma_wait3A_975] : memref<32x1025xf32, #tpu.memory_space<vmem>> -> memref<8x128xf32, #tpu.memory_space<vmem>>
    tpu.wait_dma2 semaphore(%arg14 : memref<!tpu.dma_semaphore, #tpu.memory_space<semaphore_mem>>) src(%dma_wait3A_976 : memref<8x128xf32, #tpu.memory_space<vmem>>) dst(%dma_wait3A_973 : memref<8x128xf32, #tpu.memory_space<hbm>>)
    %dma_wait3A_977 = arith.constant 0 : i32
    %dma_wait3A_978 = arith.constant 0 : i32
    %dma_wait3A_979 = arith.constant 0 : i32
    %dma_wait3A_980 = arith.constant 0 : i32
    %dma_wait3A_981 = tpu.memref_slice %arg10[%dma_wait3A_979, %dma_wait3A_980] : memref<32x1025xf32, #tpu.memory_space<vmem>> -> memref<8x128xf32, #tpu.memory_space<vmem>>
    %dma_wait3A_982 = arith.constant 0 : i32
    %dma_wait3A_983 = arith.constant 0 : i32
    %dma_wait3A_984 = tpu.memref_slice %arg4[%add3A, %dma_wait3A_977, %mul3A_370, %dma_wait3A_982, %dma_wait3A_983] : memref<4x8x64x8x128xf32, #tpu.memory_space<hbm>> -> memref<1x1x8x8x128xf32, #tpu.memory_space<hbm>>
    %dma_wait3A_985 = tpu.memref_squeeze %dma_wait3A_984 : memref<1x1x8x8x128xf32, #tpu.memory_space<hbm>> -> memref<8x8x128xf32, #tpu.memory_space<hbm>>
    %dma_wait3A_986 = arith.constant 0 : i32
    %dma_wait3A_987 = arith.constant 0 : i32
    %dma_wait3A_988 = tpu.memref_slice %dma_wait3A_985[%dma_wait3A_978, %dma_wait3A_986, %dma_wait3A_987] : memref<8x8x128xf32, #tpu.memory_space<hbm>> -> memref<1x8x128xf32, #tpu.memory_space<hbm>>
    %dma_wait3A_989 = tpu.memref_squeeze %dma_wait3A_988 : memref<1x8x128xf32, #tpu.memory_space<hbm>> -> memref<8x128xf32, #tpu.memory_space<hbm>>
    %dma_wait3A_990 = arith.constant 0 : i32
    %dma_wait3A_991 = arith.constant 0 : i32
    %dma_wait3A_992 = tpu.memref_slice %arg4[%add3A, %dma_wait3A_977, %mul3A_370, %dma_wait3A_990, %dma_wait3A_991] : memref<4x8x64x8x128xf32, #tpu.memory_space<hbm>> -> memref<1x1x8x8x128xf32, #tpu.memory_space<hbm>>
    %dma_wait3A_993 = tpu.memref_squeeze %dma_wait3A_992 : memref<1x1x8x8x128xf32, #tpu.memory_space<hbm>> -> memref<8x8x128xf32, #tpu.memory_space<hbm>>
    %dma_wait3A_994 = arith.constant 0 : i32
    %dma_wait3A_995 = arith.constant 0 : i32
    %dma_wait3A_996 = tpu.memref_slice %dma_wait3A_993[%dma_wait3A_978, %dma_wait3A_994, %dma_wait3A_995] : memref<8x8x128xf32, #tpu.memory_space<hbm>> -> memref<1x8x128xf32, #tpu.memory_space<hbm>>
    %dma_wait3A_997 = tpu.memref_squeeze %dma_wait3A_996 : memref<1x8x128xf32, #tpu.memory_space<hbm>> -> memref<8x128xf32, #tpu.memory_space<hbm>>
    %dma_wait3A_998 = arith.constant 0 : i32
    %dma_wait3A_999 = arith.constant 0 : i32
    %dma_wait3A_1000 = tpu.memref_slice %arg10[%dma_wait3A_998, %dma_wait3A_999] : memref<32x1025xf32, #tpu.memory_space<vmem>> -> memref<8x128xf32, #tpu.memory_space<vmem>>
    tpu.wait_dma2 semaphore(%arg14 : memref<!tpu.dma_semaphore, #tpu.memory_space<semaphore_mem>>) src(%dma_wait3A_1000 : memref<8x128xf32, #tpu.memory_space<vmem>>) dst(%dma_wait3A_997 : memref<8x128xf32, #tpu.memory_space<hbm>>)
    %dma_wait3A_1001 = arith.constant 0 : i32
    %dma_wait3A_1002 = arith.constant 0 : i32
    %dma_wait3A_1003 = arith.constant 0 : i32
    %dma_wait3A_1004 = arith.constant 0 : i32
    %dma_wait3A_1005 = tpu.memref_slice %arg10[%dma_wait3A_1003, %dma_wait3A_1004] : memref<32x1025xf32, #tpu.memory_space<vmem>> -> memref<8x128xf32, #tpu.memory_space<vmem>>
    %dma_wait3A_1006 = arith.constant 0 : i32
    %dma_wait3A_1007 = arith.constant 0 : i32
    %dma_wait3A_1008 = tpu.memref_slice %arg4[%add3A, %dma_wait3A_1001, %mul3A_370, %dma_wait3A_1006, %dma_wait3A_1007] : memref<4x8x64x8x128xf32, #tpu.memory_space<hbm>> -> memref<1x1x8x8x128xf32, #tpu.memory_space<hbm>>
    %dma_wait3A_1009 = tpu.memref_squeeze %dma_wait3A_1008 : memref<1x1x8x8x128xf32, #tpu.memory_space<hbm>> -> memref<8x8x128xf32, #tpu.memory_space<hbm>>
    %dma_wait3A_1010 = arith.constant 0 : i32
    %dma_wait3A_1011 = arith.constant 0 : i32
    %dma_wait3A_1012 = tpu.memref_slice %dma_wait3A_1009[%dma_wait3A_1002, %dma_wait3A_1010, %dma_wait3A_1011] : memref<8x8x128xf32, #tpu.memory_space<hbm>> -> memref<1x8x128xf32, #tpu.memory_space<hbm>>
    %dma_wait3A_1013 = tpu.memref_squeeze %dma_wait3A_1012 : memref<1x8x128xf32, #tpu.memory_space<hbm>> -> memref<8x128xf32, #tpu.memory_space<hbm>>
    %dma_wait3A_1014 = arith.constant 0 : i32
    %dma_wait3A_1015 = arith.constant 0 : i32
    %dma_wait3A_1016 = tpu.memref_slice %arg4[%add3A, %dma_wait3A_1001, %mul3A_370, %dma_wait3A_1014, %dma_wait3A_1015] : memref<4x8x64x8x128xf32, #tpu.memory_space<hbm>> -> memref<1x1x8x8x128xf32, #tpu.memory_space<hbm>>
    %dma_wait3A_1017 = tpu.memref_squeeze %dma_wait3A_1016 : memref<1x1x8x8x128xf32, #tpu.memory_space<hbm>> -> memref<8x8x128xf32, #tpu.memory_space<hbm>>
    %dma_wait3A_1018 = arith.constant 0 : i32
    %dma_wait3A_1019 = arith.constant 0 : i32
    %dma_wait3A_1020 = tpu.memref_slice %dma_wait3A_1017[%dma_wait3A_1002, %dma_wait3A_1018, %dma_wait3A_1019] : memref<8x8x128xf32, #tpu.memory_space<hbm>> -> memref<1x8x128xf32, #tpu.memory_space<hbm>>
    %dma_wait3A_1021 = tpu.memref_squeeze %dma_wait3A_1020 : memref<1x8x128xf32, #tpu.memory_space<hbm>> -> memref<8x128xf32, #tpu.memory_space<hbm>>
    %dma_wait3A_1022 = arith.constant 0 : i32
    %dma_wait3A_1023 = arith.constant 0 : i32
    %dma_wait3A_1024 = tpu.memref_slice %arg10[%dma_wait3A_1022, %dma_wait3A_1023] : memref<32x1025xf32, #tpu.memory_space<vmem>> -> memref<8x128xf32, #tpu.memory_space<vmem>>
    tpu.wait_dma2 semaphore(%arg14 : memref<!tpu.dma_semaphore, #tpu.memory_space<semaphore_mem>>) src(%dma_wait3A_1024 : memref<8x128xf32, #tpu.memory_space<vmem>>) dst(%dma_wait3A_1021 : memref<8x128xf32, #tpu.memory_space<hbm>>)
    %dma_wait3A_1025 = arith.constant 0 : i32
    %dma_wait3A_1026 = arith.constant 0 : i32
    %dma_wait3A_1027 = arith.constant 0 : i32
    %dma_wait3A_1028 = arith.constant 0 : i32
    %dma_wait3A_1029 = tpu.memref_slice %arg10[%dma_wait3A_1027, %dma_wait3A_1028] : memref<32x1025xf32, #tpu.memory_space<vmem>> -> memref<8x128xf32, #tpu.memory_space<vmem>>
    %dma_wait3A_1030 = arith.constant 0 : i32
    %dma_wait3A_1031 = arith.constant 0 : i32
    %dma_wait3A_1032 = tpu.memref_slice %arg4[%add3A, %dma_wait3A_1025, %mul3A_370, %dma_wait3A_1030, %dma_wait3A_1031] : memref<4x8x64x8x128xf32, #tpu.memory_space<hbm>> -> memref<1x1x8x8x128xf32, #tpu.memory_space<hbm>>
    %dma_wait3A_1033 = tpu.memref_squeeze %dma_wait3A_1032 : memref<1x1x8x8x128xf32, #tpu.memory_space<hbm>> -> memref<8x8x128xf32, #tpu.memory_space<hbm>>
    %dma_wait3A_1034 = arith.constant 0 : i32
    %dma_wait3A_1035 = arith.constant 0 : i32
    %dma_wait3A_1036 = tpu.memref_slice %dma_wait3A_1033[%dma_wait3A_1026, %dma_wait3A_1034, %dma_wait3A_1035] : memref<8x8x128xf32, #tpu.memory_space<hbm>> -> memref<1x8x128xf32, #tpu.memory_space<hbm>>
    %dma_wait3A_1037 = tpu.memref_squeeze %dma_wait3A_1036 : memref<1x8x128xf32, #tpu.memory_space<hbm>> -> memref<8x128xf32, #tpu.memory_space<hbm>>
    %dma_wait3A_1038 = arith.constant 0 : i32
    %dma_wait3A_1039 = arith.constant 0 : i32
    %dma_wait3A_1040 = tpu.memref_slice %arg4[%add3A, %dma_wait3A_1025, %mul3A_370, %dma_wait3A_1038, %dma_wait3A_1039] : memref<4x8x64x8x128xf32, #tpu.memory_space<hbm>> -> memref<1x1x8x8x128xf32, #tpu.memory_space<hbm>>
    %dma_wait3A_1041 = tpu.memref_squeeze %dma_wait3A_1040 : memref<1x1x8x8x128xf32, #tpu.memory_space<hbm>> -> memref<8x8x128xf32, #tpu.memory_space<hbm>>
    %dma_wait3A_1042 = arith.constant 0 : i32
    %dma_wait3A_1043 = arith.constant 0 : i32
    %dma_wait3A_1044 = tpu.memref_slice %dma_wait3A_1041[%dma_wait3A_1026, %dma_wait3A_1042, %dma_wait3A_1043] : memref<8x8x128xf32, #tpu.memory_space<hbm>> -> memref<1x8x128xf32, #tpu.memory_space<hbm>>
    %dma_wait3A_1045 = tpu.memref_squeeze %dma_wait3A_1044 : memref<1x8x128xf32, #tpu.memory_space<hbm>> -> memref<8x128xf32, #tpu.memory_space<hbm>>
    %dma_wait3A_1046 = arith.constant 0 : i32
    %dma_wait3A_1047 = arith.constant 0 : i32
    %dma_wait3A_1048 = tpu.memref_slice %arg10[%dma_wait3A_1046, %dma_wait3A_1047] : memref<32x1025xf32, #tpu.memory_space<vmem>> -> memref<8x128xf32, #tpu.memory_space<vmem>>
    tpu.wait_dma2 semaphore(%arg14 : memref<!tpu.dma_semaphore, #tpu.memory_space<semaphore_mem>>) src(%dma_wait3A_1048 : memref<8x128xf32, #tpu.memory_space<vmem>>) dst(%dma_wait3A_1045 : memref<8x128xf32, #tpu.memory_space<hbm>>)
    %dma_wait3A_1049 = arith.constant 0 : i32
    %dma_wait3A_1050 = arith.constant 0 : i32
    %dma_wait3A_1051 = arith.constant 0 : i32
    %dma_wait3A_1052 = arith.constant 0 : i32
    %dma_wait3A_1053 = tpu.memref_slice %arg10[%dma_wait3A_1051, %dma_wait3A_1052] : memref<32x1025xf32, #tpu.memory_space<vmem>> -> memref<8x128xf32, #tpu.memory_space<vmem>>
    %dma_wait3A_1054 = arith.constant 0 : i32
    %dma_wait3A_1055 = arith.constant 0 : i32
    %dma_wait3A_1056 = tpu.memref_slice %arg4[%add3A, %dma_wait3A_1049, %mul3A_370, %dma_wait3A_1054, %dma_wait3A_1055] : memref<4x8x64x8x128xf32, #tpu.memory_space<hbm>> -> memref<1x1x8x8x128xf32, #tpu.memory_space<hbm>>
    %dma_wait3A_1057 = tpu.memref_squeeze %dma_wait3A_1056 : memref<1x1x8x8x128xf32, #tpu.memory_space<hbm>> -> memref<8x8x128xf32, #tpu.memory_space<hbm>>
    %dma_wait3A_1058 = arith.constant 0 : i32
    %dma_wait3A_1059 = arith.constant 0 : i32
    %dma_wait3A_1060 = tpu.memref_slice %dma_wait3A_1057[%dma_wait3A_1050, %dma_wait3A_1058, %dma_wait3A_1059] : memref<8x8x128xf32, #tpu.memory_space<hbm>> -> memref<1x8x128xf32, #tpu.memory_space<hbm>>
    %dma_wait3A_1061 = tpu.memref_squeeze %dma_wait3A_1060 : memref<1x8x128xf32, #tpu.memory_space<hbm>> -> memref<8x128xf32, #tpu.memory_space<hbm>>
    %dma_wait3A_1062 = arith.constant 0 : i32
    %dma_wait3A_1063 = arith.constant 0 : i32
    %dma_wait3A_1064 = tpu.memref_slice %arg4[%add3A, %dma_wait3A_1049, %mul3A_370, %dma_wait3A_1062, %dma_wait3A_1063] : memref<4x8x64x8x128xf32, #tpu.memory_space<hbm>> -> memref<1x1x8x8x128xf32, #tpu.memory_space<hbm>>
    %dma_wait3A_1065 = tpu.memref_squeeze %dma_wait3A_1064 : memref<1x1x8x8x128xf32, #tpu.memory_space<hbm>> -> memref<8x8x128xf32, #tpu.memory_space<hbm>>
    %dma_wait3A_1066 = arith.constant 0 : i32
    %dma_wait3A_1067 = arith.constant 0 : i32
    %dma_wait3A_1068 = tpu.memref_slice %dma_wait3A_1065[%dma_wait3A_1050, %dma_wait3A_1066, %dma_wait3A_1067] : memref<8x8x128xf32, #tpu.memory_space<hbm>> -> memref<1x8x128xf32, #tpu.memory_space<hbm>>
    %dma_wait3A_1069 = tpu.memref_squeeze %dma_wait3A_1068 : memref<1x8x128xf32, #tpu.memory_space<hbm>> -> memref<8x128xf32, #tpu.memory_space<hbm>>
    %dma_wait3A_1070 = arith.constant 0 : i32
    %dma_wait3A_1071 = arith.constant 0 : i32
    %dma_wait3A_1072 = tpu.memref_slice %arg10[%dma_wait3A_1070, %dma_wait3A_1071] : memref<32x1025xf32, #tpu.memory_space<vmem>> -> memref<8x128xf32, #tpu.memory_space<vmem>>
    tpu.wait_dma2 semaphore(%arg14 : memref<!tpu.dma_semaphore, #tpu.memory_space<semaphore_mem>>) src(%dma_wait3A_1072 : memref<8x128xf32, #tpu.memory_space<vmem>>) dst(%dma_wait3A_1069 : memref<8x128xf32, #tpu.memory_space<hbm>>)
    %dma_wait3A_1073 = arith.constant 0 : i32
    %dma_wait3A_1074 = arith.constant 0 : i32
    %dma_wait3A_1075 = arith.constant 0 : i32
    %dma_wait3A_1076 = arith.constant 0 : i32
    %dma_wait3A_1077 = tpu.memref_slice %arg10[%dma_wait3A_1075, %dma_wait3A_1076] : memref<32x1025xf32, #tpu.memory_space<vmem>> -> memref<8x128xf32, #tpu.memory_space<vmem>>
    %dma_wait3A_1078 = arith.constant 0 : i32
    %dma_wait3A_1079 = arith.constant 0 : i32
    %dma_wait3A_1080 = tpu.memref_slice %arg4[%add3A, %dma_wait3A_1073, %mul3A_370, %dma_wait3A_1078, %dma_wait3A_1079] : memref<4x8x64x8x128xf32, #tpu.memory_space<hbm>> -> memref<1x1x8x8x128xf32, #tpu.memory_space<hbm>>
    %dma_wait3A_1081 = tpu.memref_squeeze %dma_wait3A_1080 : memref<1x1x8x8x128xf32, #tpu.memory_space<hbm>> -> memref<8x8x128xf32, #tpu.memory_space<hbm>>
    %dma_wait3A_1082 = arith.constant 0 : i32
    %dma_wait3A_1083 = arith.constant 0 : i32
    %dma_wait3A_1084 = tpu.memref_slice %dma_wait3A_1081[%dma_wait3A_1074, %dma_wait3A_1082, %dma_wait3A_1083] : memref<8x8x128xf32, #tpu.memory_space<hbm>> -> memref<1x8x128xf32, #tpu.memory_space<hbm>>
    %dma_wait3A_1085 = tpu.memref_squeeze %dma_wait3A_1084 : memref<1x8x128xf32, #tpu.memory_space<hbm>> -> memref<8x128xf32, #tpu.memory_space<hbm>>
    %dma_wait3A_1086 = arith.constant 0 : i32
    %dma_wait3A_1087 = arith.constant 0 : i32
    %dma_wait3A_1088 = tpu.memref_slice %arg4[%add3A, %dma_wait3A_1073, %mul3A_370, %dma_wait3A_1086, %dma_wait3A_1087] : memref<4x8x64x8x128xf32, #tpu.memory_space<hbm>> -> memref<1x1x8x8x128xf32, #tpu.memory_space<hbm>>
    %dma_wait3A_1089 = tpu.memref_squeeze %dma_wait3A_1088 : memref<1x1x8x8x128xf32, #tpu.memory_space<hbm>> -> memref<8x8x128xf32, #tpu.memory_space<hbm>>
    %dma_wait3A_1090 = arith.constant 0 : i32
    %dma_wait3A_1091 = arith.constant 0 : i32
    %dma_wait3A_1092 = tpu.memref_slice %dma_wait3A_1089[%dma_wait3A_1074, %dma_wait3A_1090, %dma_wait3A_1091] : memref<8x8x128xf32, #tpu.memory_space<hbm>> -> memref<1x8x128xf32, #tpu.memory_space<hbm>>
    %dma_wait3A_1093 = tpu.memref_squeeze %dma_wait3A_1092 : memref<1x8x128xf32, #tpu.memory_space<hbm>> -> memref<8x128xf32, #tpu.memory_space<hbm>>
    %dma_wait3A_1094 = arith.constant 0 : i32
    %dma_wait3A_1095 = arith.constant 0 : i32
    %dma_wait3A_1096 = tpu.memref_slice %arg10[%dma_wait3A_1094, %dma_wait3A_1095] : memref<32x1025xf32, #tpu.memory_space<vmem>> -> memref<8x128xf32, #tpu.memory_space<vmem>>
    tpu.wait_dma2 semaphore(%arg14 : memref<!tpu.dma_semaphore, #tpu.memory_space<semaphore_mem>>) src(%dma_wait3A_1096 : memref<8x128xf32, #tpu.memory_space<vmem>>) dst(%dma_wait3A_1093 : memref<8x128xf32, #tpu.memory_space<hbm>>)
    %dma_wait3A_1097 = arith.constant 0 : i32
    %dma_wait3A_1098 = arith.constant 0 : i32
    %dma_wait3A_1099 = arith.constant 0 : i32
    %dma_wait3A_1100 = arith.constant 0 : i32
    %dma_wait3A_1101 = tpu.memref_slice %arg10[%dma_wait3A_1099, %dma_wait3A_1100] : memref<32x1025xf32, #tpu.memory_space<vmem>> -> memref<8x128xf32, #tpu.memory_space<vmem>>
    %dma_wait3A_1102 = arith.constant 0 : i32
    %dma_wait3A_1103 = arith.constant 0 : i32
    %dma_wait3A_1104 = tpu.memref_slice %arg4[%add3A, %dma_wait3A_1097, %mul3A_370, %dma_wait3A_1102, %dma_wait3A_1103] : memref<4x8x64x8x128xf32, #tpu.memory_space<hbm>> -> memref<1x1x8x8x128xf32, #tpu.memory_space<hbm>>
    %dma_wait3A_1105 = tpu.memref_squeeze %dma_wait3A_1104 : memref<1x1x8x8x128xf32, #tpu.memory_space<hbm>> -> memref<8x8x128xf32, #tpu.memory_space<hbm>>
    %dma_wait3A_1106 = arith.constant 0 : i32
    %dma_wait3A_1107 = arith.constant 0 : i32
    %dma_wait3A_1108 = tpu.memref_slice %dma_wait3A_1105[%dma_wait3A_1098, %dma_wait3A_1106, %dma_wait3A_1107] : memref<8x8x128xf32, #tpu.memory_space<hbm>> -> memref<1x8x128xf32, #tpu.memory_space<hbm>>
    %dma_wait3A_1109 = tpu.memref_squeeze %dma_wait3A_1108 : memref<1x8x128xf32, #tpu.memory_space<hbm>> -> memref<8x128xf32, #tpu.memory_space<hbm>>
    %dma_wait3A_1110 = arith.constant 0 : i32
    %dma_wait3A_1111 = arith.constant 0 : i32
    %dma_wait3A_1112 = tpu.memref_slice %arg4[%add3A, %dma_wait3A_1097, %mul3A_370, %dma_wait3A_1110, %dma_wait3A_1111] : memref<4x8x64x8x128xf32, #tpu.memory_space<hbm>> -> memref<1x1x8x8x128xf32, #tpu.memory_space<hbm>>
    %dma_wait3A_1113 = tpu.memref_squeeze %dma_wait3A_1112 : memref<1x1x8x8x128xf32, #tpu.memory_space<hbm>> -> memref<8x8x128xf32, #tpu.memory_space<hbm>>
    %dma_wait3A_1114 = arith.constant 0 : i32
    %dma_wait3A_1115 = arith.constant 0 : i32
    %dma_wait3A_1116 = tpu.memref_slice %dma_wait3A_1113[%dma_wait3A_1098, %dma_wait3A_1114, %dma_wait3A_1115] : memref<8x8x128xf32, #tpu.memory_space<hbm>> -> memref<1x8x128xf32, #tpu.memory_space<hbm>>
    %dma_wait3A_1117 = tpu.memref_squeeze %dma_wait3A_1116 : memref<1x8x128xf32, #tpu.memory_space<hbm>> -> memref<8x128xf32, #tpu.memory_space<hbm>>
    %dma_wait3A_1118 = arith.constant 0 : i32
    %dma_wait3A_1119 = arith.constant 0 : i32
    %dma_wait3A_1120 = tpu.memref_slice %arg10[%dma_wait3A_1118, %dma_wait3A_1119] : memref<32x1025xf32, #tpu.memory_space<vmem>> -> memref<8x128xf32, #tpu.memory_space<vmem>>
    tpu.wait_dma2 semaphore(%arg14 : memref<!tpu.dma_semaphore, #tpu.memory_space<semaphore_mem>>) src(%dma_wait3A_1120 : memref<8x128xf32, #tpu.memory_space<vmem>>) dst(%dma_wait3A_1117 : memref<8x128xf32, #tpu.memory_space<hbm>>)
    %dma_wait3A_1121 = arith.constant 0 : i32
    %dma_wait3A_1122 = arith.constant 0 : i32
    %dma_wait3A_1123 = arith.constant 0 : i32
    %dma_wait3A_1124 = arith.constant 0 : i32
    %dma_wait3A_1125 = tpu.memref_slice %arg10[%dma_wait3A_1123, %dma_wait3A_1124] : memref<32x1025xf32, #tpu.memory_space<vmem>> -> memref<8x128xf32, #tpu.memory_space<vmem>>
    %dma_wait3A_1126 = arith.constant 0 : i32
    %dma_wait3A_1127 = arith.constant 0 : i32
    %dma_wait3A_1128 = tpu.memref_slice %arg4[%add3A, %dma_wait3A_1121, %mul3A_370, %dma_wait3A_1126, %dma_wait3A_1127] : memref<4x8x64x8x128xf32, #tpu.memory_space<hbm>> -> memref<1x1x8x8x128xf32, #tpu.memory_space<hbm>>
    %dma_wait3A_1129 = tpu.memref_squeeze %dma_wait3A_1128 : memref<1x1x8x8x128xf32, #tpu.memory_space<hbm>> -> memref<8x8x128xf32, #tpu.memory_space<hbm>>
    %dma_wait3A_1130 = arith.constant 0 : i32
    %dma_wait3A_1131 = arith.constant 0 : i32
    %dma_wait3A_1132 = tpu.memref_slice %dma_wait3A_1129[%dma_wait3A_1122, %dma_wait3A_1130, %dma_wait3A_1131] : memref<8x8x128xf32, #tpu.memory_space<hbm>> -> memref<1x8x128xf32, #tpu.memory_space<hbm>>
    %dma_wait3A_1133 = tpu.memref_squeeze %dma_wait3A_1132 : memref<1x8x128xf32, #tpu.memory_space<hbm>> -> memref<8x128xf32, #tpu.memory_space<hbm>>
    %dma_wait3A_1134 = arith.constant 0 : i32
    %dma_wait3A_1135 = arith.constant 0 : i32
    %dma_wait3A_1136 = tpu.memref_slice %arg4[%add3A, %dma_wait3A_1121, %mul3A_370, %dma_wait3A_1134, %dma_wait3A_1135] : memref<4x8x64x8x128xf32, #tpu.memory_space<hbm>> -> memref<1x1x8x8x128xf32, #tpu.memory_space<hbm>>
    %dma_wait3A_1137 = tpu.memref_squeeze %dma_wait3A_1136 : memref<1x1x8x8x128xf32, #tpu.memory_space<hbm>> -> memref<8x8x128xf32, #tpu.memory_space<hbm>>
    %dma_wait3A_1138 = arith.constant 0 : i32
    %dma_wait3A_1139 = arith.constant 0 : i32
    %dma_wait3A_1140 = tpu.memref_slice %dma_wait3A_1137[%dma_wait3A_1122, %dma_wait3A_1138, %dma_wait3A_1139] : memref<8x8x128xf32, #tpu.memory_space<hbm>> -> memref<1x8x128xf32, #tpu.memory_space<hbm>>
    %dma_wait3A_1141 = tpu.memref_squeeze %dma_wait3A_1140 : memref<1x8x128xf32, #tpu.memory_space<hbm>> -> memref<8x128xf32, #tpu.memory_space<hbm>>
    %dma_wait3A_1142 = arith.constant 0 : i32
    %dma_wait3A_1143 = arith.constant 0 : i32
    %dma_wait3A_1144 = tpu.memref_slice %arg10[%dma_wait3A_1142, %dma_wait3A_1143] : memref<32x1025xf32, #tpu.memory_space<vmem>> -> memref<8x128xf32, #tpu.memory_space<vmem>>
    tpu.wait_dma2 semaphore(%arg14 : memref<!tpu.dma_semaphore, #tpu.memory_space<semaphore_mem>>) src(%dma_wait3A_1144 : memref<8x128xf32, #tpu.memory_space<vmem>>) dst(%dma_wait3A_1141 : memref<8x128xf32, #tpu.memory_space<hbm>>)
    return
  }
}

</mosaic_0001>

<sc_bundles>
// kernel: kernel.3.cloned.1.call-start
scs
__scs_entry_jumppad:
0x0: {  	(pc) =	sbr.rel $0x88, $3  }
0x1: {  	(tag) =	ssettag $0x0;
	lr =	simm.s32 $0x1  }
0x2: {  	[smem:$0x3F9F] =	sst lr;
	_ =	strace $0xD0000000  }
0x3: {  	_ = 	snop  }
0x4: {  	_ = 	snop  }
0x5: {  	_ = 	snop  }
0x6: {  	_ = 	snop  }
0x7: {  	_ = 	snop  }
__scs_overlays_trampoline_lowered:
0x8: {  	[smem:$0x3FAE] =	sst s0  }
0x9: {  	[smem:$0x3FAF] =	sst s1  }
0xa: {  	[smem:$0x3FB0] =	sst s2  }
0xb: {  	[smem:$0x3FB1] =	sst s3  }
0xc: {  	[smem:$0x3FB2] =	sst s4  }
0xd: {  	[smem:$0x3FB3] =	sst s5  }
0xe: {  	[smem:$0x3FB4] =	sst s6  }
0xf: {  	[smem:$0x3FB5] =	sst s7  }
0x10: {  	[smem:$0x3FB6] =	sst s8  }
0x11: {  	[smem:$0x3FB7] =	sst s9;
	s0 =	simm.s32 @!p0 $0x0  }
0x12: {  	s1 =	sld [smem:$0x3F9D];
	s0 =	simm.s32 @p0 $0x1  }
0x13: {  	[smem:$0x3FB8] =	sst s0;
	s0 =	simm.s32 @!p1 $0x0  }
0x14: {  	s2 =	sld [smem:$0x3F9C];
	s0 =	simm.s32 @p1 $0x1  }
0x15: {  	[smem:$0x3FB9] =	sst s0;
	s0 =	simm.s32 @!p2 $0x0  }
0x16: {  	s3 =	sld [smem:$0x3FDB];
	s0 =	simm.s32 @p2 $0x1  }
0x17: {  	s4 =	simm.s32 $0x1BF5;
	[smem:$0x3FBB] =	sst s0  }
0x18: {  	s0 =	sld [smem:$0x3F9E];
	_ =	swait.ge [sflag:s4], $0x0  }
0x19: {  	s7 =	sld [smem:$0x3F9F]  }
0x1a: {  	s8 =	sadd.s32 $0xFFFFE003, lr  }
0x1b: {  	s9 =	sadd.s32 $0xFFFFFEF7, lr;
	s5 =	simm.s32 $0xFFFFFFFF;
	p2 =	slt.u32 s8, $0xFFFFF086  }
0x1c: {  	p1 =	slt.u32 s9, $0xF7A;
	s5 =	simm.s32 @!p2 $0x0  }
0x1d: {  	s5 =	simm.s32 @p1 $0x1;
	p0 =	seq.s32 s7, s2  }
0x1e: {  	s7 =	smul.u32 @!p0 $0xF7A, s2;
	p2 =	seq.s32 @!p0 s5, $0x0  }
0x1f: {  	s9 =	smul.u32 $0xF7A, s1;
	s8 =	simm.s32 @!p0 $0x1BF5;
	p2 =	por !p2, p0  }
0x20: {  	[sflag:s8] =	ssyncset.s32 @!p0 $0xFFFFF086;
	s6 =	sadd.s32 @!p0 s3, s7;
	s7 =	simm.s32 @!p0 $0x108  }
0x21: {  	s3 =	sadd.s32 s3, s9;
	s6 =	sadd.s32 @!p0 $0x88, s6;
	s7 =	simm.s32 @p2 $0x1082  }
0x22: {  	[simem:s7], [sflag:s8] =	dma.local @!p0 [hbm:s6], $0xF7A  }
0x23: {  	s9 =	sor.u32 $0xD0000000, s2;
	s6 =	simm.s32 $0x108;
	_ =	swait.ge @!p0 [sflag:s8], $0x0  }
0x24: {  	s3 =	sadd.s32 $0x88, s3;
	s6 =	simm.s32 @!p1 $0x1082;
	[sflag:s4] =	ssyncset.s32 $0xFFFFF086  }
0x25: {  	[simem:s6], [sflag:s4] =	dma.local [hbm:s3], $0xF7A  }
0x26: {  	[smem:$0x3F9F] =	sst s1;
	(tag) =	ssettag s2;
	_ =	strace s9  }
0x27: {  	s1 =	sld [smem:$0x3FAF]  }
0x28: {  	s2 =	sld [smem:$0x3FB0]  }
0x29: {  	s4 =	sld [smem:$0x3FB2]  }
0x2a: {  	p0 =	seq.s32 s5, $0x0;
	s5 =	sld [smem:$0x3FB3]  }
0x2b: {  	s6 =	sld [smem:$0x3FB4]  }
0x2c: {  	s7 =	sld [smem:$0x3FB5]  }
0x2d: {  	s3 =	simm.s32 $0x108;
	s8 =	sld [smem:$0x3FB6]  }
0x2e: {  	s3 =	simm.s32 @!p0 $0x1082;
	s9 =	sld [smem:$0x3FB7]  }
0x2f: {  	lr =	sadd.s32 s0, s3;
	s0 =	sld [smem:$0x3FAE]  }
0x30: {  	s3 =	sld [smem:$0x3FB1]  }
0x31: {  	[smem:$0x3FBA] =	sst s10  }
0x32: {  	s10 =	sld [smem:$0x3FB8];
	_ =	sdelay $0x3  }
0x33: {  	p0 =	seq.s32 s10, $0x1;
	s10 =	sld [smem:$0x3FBA];
	_ =	sdelay $0x3  }
0x34: {  	[smem:$0x3FBA] =	sst s10  }
0x35: {  	s10 =	sld [smem:$0x3FB9];
	_ =	sdelay $0x3  }
0x36: {  	p1 =	seq.s32 s10, $0x1;
	s10 =	sld [smem:$0x3FBA];
	_ =	sdelay $0x3  }
0x37: {  	[smem:$0x3FBA] =	sst s10  }
0x38: {  	s10 =	sld [smem:$0x3FBB]  }
0x39: {  	_ = 	snop;
	(pc) =	sbr.ind lr, $3  }
0x3a: {  	_ = 	snop  }
0x3b: {  	_ = 	snop  }
0x3c: {  	p2 =	seq.s32 s10, $0x1;
	s10 =	sld [smem:$0x3FBA]  }
0x3d: {  	_ =	shalt  }
0x3e: {  	_ =	shalt  }
0x3f: {  	_ =	shalt  }
0x40: {  	_ =	shalt  }
0x41: {  	_ =	shalt  }
0x42: {  	_ =	shalt  }
0x43: {  	_ =	shalt  }
0x44: {  	_ =	shalt  }
0x45: {  	_ =	shalt  }
0x46: {  	_ =	shalt  }
0x47: {  	_ =	shalt  }
0x48: {  	_ =	shalt  }
0x49: {  	_ =	shalt  }
0x4a: {  	_ =	shalt  }
0x4b: {  	_ =	shalt  }
0x4c: {  	_ =	shalt  }
0x4d: {  	_ =	shalt  }
0x4e: {  	_ =	shalt  }
0x4f: {  	_ =	shalt  }
0x50: {  	_ =	shalt  }
0x51: {  	_ =	shalt  }
0x52: {  	_ =	shalt  }
0x53: {  	_ =	shalt  }
0x54: {  	_ =	shalt  }
0x55: {  	_ =	shalt  }
0x56: {  	_ =	shalt  }
0x57: {  	_ =	shalt  }
0x58: {  	_ =	shalt  }
0x59: {  	_ =	shalt  }
0x5a: {  	_ =	shalt  }
0x5b: {  	_ =	shalt  }
0x5c: {  	_ =	shalt  }
0x5d: {  	_ =	shalt  }
0x5e: {  	_ =	shalt  }
0x5f: {  	_ =	shalt  }
0x60: {  	_ =	shalt  }
0x61: {  	_ =	shalt  }
0x62: {  	_ =	shalt  }
0x63: {  	_ =	shalt  }
0x64: {  	_ =	shalt  }
0x65: {  	_ =	shalt  }
0x66: {  	_ =	shalt  }
0x67: {  	_ =	shalt  }
0x68: {  	_ =	shalt  }
0x69: {  	_ =	shalt  }
0x6a: {  	_ =	shalt  }
0x6b: {  	_ =	shalt  }
0x6c: {  	_ =	shalt  }
0x6d: {  	_ =	shalt  }
0x6e: {  	_ =	shalt  }
0x6f: {  	_ =	shalt  }
0x70: {  	_ =	shalt  }
0x71: {  	_ =	shalt  }
0x72: {  	_ =	shalt  }
0x73: {  	_ =	shalt  }
0x74: {  	_ =	shalt  }
0x75: {  	_ =	shalt  }
0x76: {  	_ =	shalt  }
0x77: {  	_ =	shalt  }
0x78: {  	_ =	shalt  }
0x79: {  	_ =	shalt  }
0x7a: {  	_ =	shalt  }
0x7b: {  	_ =	shalt  }
0x7c: {  	_ =	shalt  }
0x7d: {  	_ =	shalt  }
0x7e: {  	_ =	shalt  }
0x7f: {  	_ =	shalt  }
0x80: {  	_ =	shalt  }
0x81: {  	_ =	shalt  }
0x82: {  	_ =	shalt  }
0x83: {  	_ =	shalt  }
0x84: {  	_ =	shalt  }
0x85: {  	_ =	shalt  }
0x86: {  	_ =	shalt  }
0x87: {  	_ =	shalt  }
.Lfunc_end0:
.L_simem_size_0:
called_computation_lowered:
.L_overlay_start_0:
0x88: {  	s2 =	sld [smem:$0x3FD9]  }
0x89: {  	s3 =	sld [smem:$0x3FFE];
	_ =	sdelay $0x1  }
0x8a: {  	s1 =	srdreg.scid  }
0x8b: {  	s0 =	sand.u32 $0x1, s1  }
0x8c: {  	s17 =	sshll.u32 s0, $0xA;
	s2 =	sadd.s32 s3, s2  }
0x8d: {  	s2 =	sadd.s32 s2, s17  }
0x8e: {  	[smem:$0x3FC6] =	sst s2  }
0x8f: {  	_ = 	snop  }
0x90: {  	s2 =	sld [smem:$0x3FC9]  }
0x91: {  	s18 =	sld [smem:$0x3FD0];
	(tm) =	ssettm $0x1  }
0x92: {  	s4 =	sld [smem:$0x3FFB];
	_ =	sdelay $0x3  }
0x93: {  	_ =	strace s4  }
0x94: {  	s4 =	sld [smem:$0x3FFC];
	_ =	sdelay $0x3  }
0x95: {  	_ =	strace s4  }
0x96: {  	s4 =	sld [smem:$0x3FFD];
	_ =	sdelay $0x3  }
0x97: {  	_ =	strace s4  }
0x98: {  	_ =	strace $0x8FFFFFFF  }
0x99: {  	s19 =	sld [smem:$0x3FDB];
	_ =	sdelay $0x1  }
0x9a: {  	s5 =	simm.s32 $_scs_section_size  }
0x9b: {  	s6 =	simm.s32 $_size__tile_overlayer_lowered;
	s7 =	simm.s32 $_tile_overlayer_lowered  }
0x9c: {  	s22 =	simm.s32 $0x1BFF;
	s21 =	sshll.u32 s7, $0x1;
	s4 =	sadd.s32 s5, s19  }
0x9d: {  	s8 =	simm.s32 $0x0;
	s20 =	sshll.u32 s6, $0x1;
	s6 =	sadd.s32 s21, s4  }
0x9e: {  	[timem:s8], [sflag:s22] =	dma.local [hbm:s6], s20  }
0x9f: {  	_ =	swait.ge [sflag:s22], s20  }
0xa0: {  	s5 =	ssub.s32 $0x0, s20;
	[sflag:s22] =	ssyncset.done $0x0  }
0xa1: {  	[sflag:s22] =	ssyncadd.s32 s5;
	_ =	sdelay $0x1  }
0xa2: {  	s23 =	simm.s32 $0x1B8B  }
0xa3: {  	_ =	swait.ge [sflag:s23], $0x1  }
0xa4: {  	[sflag:s23] =	ssyncset.done $0x0  }
0xa5: {  	s25 =	simm.s32 $0x1B8E;
	s24 =	sld [smem:$0x3FFE];
	[sflag:s23] =	ssyncadd.s32 $0xFFFFFFFF  }
0xa6: {  	s26 =	simm.s32 $execute0_lowered;
	[smem:$0x3FD2] =	sst s25  }
0xa7: {  	s6 =	sshll.u32 s26, $0x1;
	_ =	strace $0x80000046;
	[dreg:$0x1] =	wrdreg $0xFFFFFFFF  }
0xa8: {  	s28 =	simm.s32 $_size_execute0_lowered;
	s4 =	sadd.s32 s4, s6;
	[dreg:$0x0] =	wrdreg $0x0  }
0xa9: {  	s6 =	sshll.u32 s28, $0x1;
	[dreg:$0x2] =	wrdreg s4  }
0xaa: {  	[dreg:$0x3] =	wrdreg s6  }
0xab: {  	[dreg:$0x4] =	wrdreg $0xC0  }
0xac: {  	_ =	task [dreg:s8], $0x5FFFF  }
0xad: {  	[dreg:$0x1] =	wrdreg $0xFFFFFFFF  }
0xae: {  	[dreg:$0x0] =	wrdreg $0x60  }
0xaf: {  	[dreg:$0x2] =	wrdreg s2  }
0xb0: {  	[dreg:$0x3] =	wrdreg s24  }
0xb1: {  	[dreg:$0x4] =	wrdreg s18  }
0xb2: {  	[dreg:$0x5] =	wrdreg $0x191900  }
0xb3: {  	[dreg:$0x6] =	wrdreg $0x9  }
0xb4: {  	_ =	task.clear_ibuf [dreg:s8], $0x7FFFF;
	_ =	strace $0x90000046  }
0xb5: {  	s29 =	simm.s32 $0x9;
	_ =	strace $0x80000048  }
0xb6: {  	_ =	swait.ge [sflag:s29], $0x1  }
0xb7: {  	[sflag:s29] =	ssyncadd.s32 $0xFFFFFFFF  }
0xb8: {  	_ =	strace $0x90000048  }
0xb9: {  	_ =	sfence  }
0xba: {  	s30 =	sld [smem:$0x0];
	_ =	sdelay $0x2  }
0xbb: {  	s31 =	sshll.u32 s1, $0xD;
	s1 =	sshrl.u32 s1, $0x2  }
0xbc: {  	s3 =	sand.u32 $0x4000, s31;
	s1 =	sadd.s32 s1, s30  }
0xbd: {  	s0 =	sor.u32 s3, s0;
	s1 =	sshll.u32 s1, $0x11  }
0xbe: {  	s0 =	sor.u32 s1, s0  }
0xbf: {  	s0 =	sadd.s32 $0x8F2B, s0  }
0xc0: {  	[sflag:s0] =	ssyncadd.remote.s32 $0x1  }
0xc1: {  	_ =	sfence.sel $0xFFFF  }
0xc2: {  	[dreg:$0x0] =	wrdreg $0xFFFFFFFF;
	(pc) =	sbr.abs _section_cstart, $3  }
0xc3: {  	[dreg:$0x1] =	wrdreg $0xFFFFFFFF  }
0xc4: {  	_ =	task.clear_ibuf [dreg:s8], $0x2FFFF;
	_ =	strace $0x9FFFFFFF  }
0xc5: {  	(tm) =	ssettm $0x7FFFFFFF  }
tec
execute0_lowered:
.L_overlay_start_1:
0x0: {  	(tag) =	ssettag $0x1  }
0x1: {  	s0 =	rddreg [dreg:$0x0]  }
0x2: {  	s3 =	rddreg [dreg:$0x1]  }
0x3: {  	s1 =	rddreg [dreg:$0x2]  }
0x4: {  	s8 =	rddreg [dreg:$0x3];
	s4 =	srdreg.scid;
	s2 =	simm.s32 $0x0  }
0x5: {  	s11 =	stileid.u32;
	s19 =	simm.s32 $0x80;
	s21 =	simm.s32 $0x2  }
0x6: {  	s29 =	simm.s32 $0x1;
	s30 =	simm.s32 $0x11000;
	s31 =	simm.s32 $0x0  }
0x7: {  	s5 =	sand.u32 $0x1, s4;
	[smem:$0x7FF] =	sst s2;
	s4 =	sadd.s32 $0x400, s3  }
0x8: {  	s9 =	sshrl.u32 s11, $0x3;
	s20 =	sand.u32 $0x7, s11;
	s11 =	sshll.u32 s11, $0x4  }
0x9: {  	s6 =	ssub.s32 $0x2, s5;
	_ =	strace $0x80000047;
	s5 =	sshll.u32 s5, $0x1  }
0xa: {  	s24 =	sshll.u32 s20, $0x9;
	s26 =	sadd.s32 s11, s8;
	s28 =	sshll.u32 s9, $0x7  }
0xb: {  	p0 =	seq.s32 s20, $0x7;
	p1 =	sgt.u32 s20, $0x5;
	p2 =	sgt.u32 s20, $0x4  }
0xc: {  	p3 =	sgt.u32 s20, $0x3;
	p4 =	sgt.u32 s20, $0x2;
	p5 =	sgt.u32 s20, $0x1  }
0xd: {  	p6 =	seq.s32 s20, $0x0;
	s7 =	sshrl.u32 s6, $0x1;
	s10 =	sor.u32 s9, s5  }
0xe: {  	s5 =	sshll.u32 s20, $0xD;
	s0 =	sadd.s32 s0, s24;
	[dreg:$0x6] =	wrdreg s26  }
0xf: {  	v0 =	vlaneseq.u32;
	s8 =	sadd.s32 s28, s8;
	s23 =	ssub.s32 s6, s7;
	s25 =	sshll.u32 s10, $0x4  }
0x10: {  	v0 =	vmul.u32 $0x408, v0;
	s9 =	sshll.u32 s10, $0x13;
	s10 =	sor.u32 $0x400, s5;
	s11 =	sor.u32 $0x800, s5  }
0x11: {  	v1 =	vimm.s32 $0x0;
	vm0 =	vcmask $0x300;
	s12 =	sor.u32 $0xC00, s5;
	s13 =	sor.u32 $0x1000, s5;
	s0 =	sadd.s32 s25, s0  }
0x12: {  	v2 =	vsel vm0, $0x3, v1;
	v3 =	vor.u32 $0x1, v0;
	s14 =	sor.u32 $0x1400, s5;
	[dreg:$0x5] =	wrdreg s0;
	s0 =	simm.s32 @!p0 $0x0  }
0x13: {  	v4 =	vor.u32 $0x2, v0;
	v5 =	vor.u32 $0x3, v0;
	v6 =	vor.u32 $0x4, v0;
	s15 =	sor.u32 $0x1800, s5;
	s16 =	sor.u32 $0x1C00, s5;
	s0 =	simm.s32 @p0 $0x1  }
0x14: {  	v7 =	vor.u32 $0x5, v0;
	v8 =	vor.u32 $0x6, v0;
	v9 =	vor.u32 $0x7, v0;
	s17 =	sor.u32 $0x10000, s9;
	s18 =	smax.u32 s23, $0x1;
	[smem:$0x7FD] =	sst s0  }
.LBB2_1:
0x15: {  	s0 =	rddreg [dreg:$0x5];
	s3 =	simm.s32 $0x200  }
0x16: {  	[tilespmem:s2], [sflag:$0x2] =	stream.strided.gather [hbm4b:s0+s19], $0x400, s3, s19, $0x38;
	[tilespmem:$0x191A0] =	vst v63  }
0x17: {  	s26 =	sand.u32 $0xE00, s2;
	_ =	swait.ge [sflag:s21], $0x400  }
0x18: {  	s28 =	sand.u32 $0x70, s2;
	s0 =	sshrl.u32 s26, $0x2;
	[sflag:s21] =	ssyncset.done $0x0  }
0x19: {  	s0 =	sor.u32 s28, s0;
	[sflag:s21] =	ssyncadd.s32 $0xFFFFFC00  }
0x1a: {  	v10 =	vld [tilespmem:s0+$0x0];
	_ =	sdelay $0x4  }
0x1b: {  	vm0 =	vne.s32 v10, $0x1  }
0x1c: {  	v10 =	vsel vm0, $0x1, v1  }
0x1d: {  	(xrf0) =	vadd.scan.msk.s32 $0xffff, v10;
	_ =	sdelay $0x5  }
0x1e: {  	s20 =	simm.s32 $0x10;
	s23 =	simm.s32 $0x0;
	s0 =	simm.s32 $0x40;
	v11, _, _ =	vpop (xrf0)  }
0x1f: {  	s22 =	simm.s32 $0x20;
	s3 =	simm.s32 $0x0;
	s24 =	sand.u32 $0xE00, s0;
	[tilespmem:s23+$0xC00] =	vst v10;
	v10 =	vadd.s32 s2, v11;
	(v2sf) =	vpush v11, $0xF  }
.LBB2_2:
0x20: {  	p0 =	sne.s32 s22, $0x3F0;
	s20 =	sand.u32 $0x70, s20;
	s24 =	sshrl.u32 s24, $0x2;
	v10 =	vnsel vm0, $0x0, v10  }
0x21: {  	s24 =	sor.u32 s20, s24;
	[tilespmem:s23+$0x800] =	vst v10;
	s20 =	smov.u32 s22  }
0x22: {  	v10 =	vld [tilespmem:s24+$0x0];
	_ =	sdelay $0x4  }
0x23: {  	vm0 =	vne.s32 v10, $0x1  }
0x24: {  	s23 =	sshra.s32 s0, $0x2;
	v10 =	vsel vm0, $0x1, v1  }
0x25: {  	[tilespmem:s23+$0xC00] =	vst v10;
	(xrf0) =	vadd.scan.msk.s32 $0xffff, v10;
	_ =	sdelay $0x2  }
.Ltmp0:
0x26: {  	(pc) =	sbr.rel @p0 .LBB2_2-.Ltmp0, $4  }
0x27: {  	_ = 	snop  }
0x28: {  	s24 =	spop (v2sf)  }
0x29: {  	s0 =	sadd.s32 $0x40, s0;
	v11, _, _ =	vpop (xrf0);
	s3 =	sadd.s32 s3, s24  }
0x2a: {  	s22 =	sadd.s32 $0x10, s22;
	s24 =	sand.u32 $0xE00, s0;
	v10 =	vadd.s32 s3, v11;
	(v2sf) =	vpush v11, $0xF  }
0x2b: {  	s20 =	sand.u32 $0x70, s20;
	s22 =	sshrl.u32 s24, $0x2;
	v10 =	vnsel vm0, $0x0, v10  }
0x2c: {  	s20 =	sor.u32 s20, s22;
	[tilespmem:s23+$0x800] =	vst v10  }
0x2d: {  	v10 =	vld [tilespmem:s20+$0x0];
	_ =	sdelay $0x4  }
0x2e: {  	vm15 =	vne.s32 v10, $0x1  }
0x2f: {  	v10 =	vsel vm15, $0x1, v1  }
0x30: {  	(xrf0) =	vadd.scan.msk.s32 $0xffff, v10;
	_ =	sdelay $0x5  }
0x31: {  	v11, _, _ =	vpop (xrf0)  }
0x32: {  	(v2sf) =	vpush v11, $0xF;
	_ =	sdelay $0xc  }
0x33: {  	s28 =	spop (v2sf)  }
0x34: {  	s3 =	sadd.s32 s3, s28  }
0x35: {  	s0 =	sshra.s32 s0, $0x2;
	v11 =	vadd.s32 s3, v11;
	s6 =	spop (v2sf)  }
0x36: {  	[tilespmem:s0+$0xC00] =	vst v10;
	v10 =	vnsel vm15, $0x0, v11;
	s3 =	sadd.s32 s3, s6  }
0x37: {  	[tilespmem:s0+$0x800] =	vst v10;
	v10 =	vmov s3  }
0x38: {  	s7 =	rddreg [dreg:$0x6];
	s20 =	simm.s32 $0x19100;
	[tilespmem:$0x19100] =	vst v10  }
0x39: {  	[spmem:s7] =	stream.linear.scatter [tilespmem:s20], [sflag:$0x2], $0x10, $0x38;
	[tilespmem:$0x191A0] =	vst v63  }
0x3a: {  	_ =	swait.ge [sflag:s21], $0x10  }
0x3b: {  	[sflag:s21] =	ssyncset.done $0x0  }
0x3c: {  	[sflag:s21] =	ssyncadd.s32 $0xFFFFFFF0  }
0x3d: {  	s22 =	simm.s32 $0x19110;
	[bflag:$0x0] =	sbarrier.arrive $0xFFFF  }
0x3e: {  	[tilespmem:s22], [sflag:$0x2] =	stream.linear.gather [spmem:s8], $0x80, $0x38;
	[tilespmem:$0x191A0] =	vst v63  }
0x3f: {  	_ =	swait.ge [sflag:s21], $0x80  }
0x40: {  	[sflag:s21] =	ssyncset.done $0x0  }
0x41: {  	[sflag:s21] =	ssyncadd.s32 $0xFFFFFF80  }
0x42: {  	v10 =	vld [tilespmem:$0x19110]  }
0x43: {  	v11 =	vld [tilespmem:$0x19120]  }
0x44: {  	v12 =	vld [tilespmem:$0x19130]  }
0x45: {  	v13 =	vld [tilespmem:$0x19140]  }
0x46: {  	v14 =	vld [tilespmem:$0x19150]  }
0x47: {  	v10 =	vxor.u32 $0x80000000, v10  }
0x48: {  	(xrf0) =	vmax.scan.msk.u32 $0xffff, v10;
	v10 =	vxor.u32 $0x80000000, v11;
	v11 =	vld [tilespmem:$0x19160]  }
0x49: {  	(xrf0) =	vmax.scan.msk.u32 $0xffff, v10;
	v10 =	vxor.u32 $0x80000000, v12  }
0x4a: {  	(xrf0) =	vmax.scan.msk.u32 $0xffff, v10;
	v10 =	vxor.u32 $0x80000000, v13  }
0x4b: {  	v62 =	vld [tilespmem:$0x19170];
	(xrf0) =	vmax.scan.msk.u32 $0xffff, v10;
	v10 =	vxor.u32 $0x80000000, v14;
	_ =	sdelay $0x1  }
0x4c: {  	(xrf0) =	vmax.scan.msk.u32 $0xffff, v10;
	v11 =	vxor.u32 $0x80000000, v11  }
0x4d: {  	v10, _, _ =	vpop (xrf0);
	(xrf0) =	vmax.scan.msk.u32 $0xffff, v11  }
0x4e: {  	(v2sf) =	vpush v10, $0xF;
	v10, _, _ =	vpop (xrf0)  }
0x4f: {  	v11, _, _ =	vpop (xrf0);
	(v2sf) =	vpush v10, $0xF;
	v10 =	vxor.u32 $0x80000000, v62  }
0x50: {  	(v2sf) =	vpush v11, $0xF;
	v11, _, _ =	vpop (xrf0);
	(xrf0) =	vmax.scan.msk.u32 $0xffff, v10  }
0x51: {  	(v2sf) =	vpush v11, $0xF  }
0x52: {  	v10, _, _ =	vpop (xrf0)  }
0x53: {  	(v2sf) =	vpush v10, $0xF;
	v10, _, _ =	vpop (xrf0)  }
0x54: {  	(v2sf) =	vpush v10, $0xF;
	_ =	sdelay $0x1  }
0x55: {  	v10, _, _ =	vpop (xrf0)  }
0x56: {  	(v2sf) =	vpush v10, $0xF;
	_ =	sdelay $0x5  }
0x57: {  	s23 =	spop (v2sf)  }
0x58: {  	s24 =	spop (v2sf);
	s0 =	sxor.u32 $0x80000000, s23  }
0x59: {  	s25 =	spop (v2sf);
	s3 =	sxor.u32 $0x80000000, s24;
	s0 =	simm.s32 @p6 $0x0  }
0x5a: {  	s26 =	spop (v2sf);
	s3 =	simm.s32 @!p5 $0x0;
	s20 =	sxor.u32 $0x80000000, s25  }
0x5b: {  	s0 =	sadd.s32 s0, s3;
	s20 =	simm.s32 @!p4 $0x0;
	s3 =	sxor.u32 $0x80000000, s26  }
0x5c: {  	s28 =	spop (v2sf);
	s0 =	sadd.s32 s20, s0;
	s3 =	simm.s32 @!p3 $0x0  }
0x5d: {  	s6 =	spop (v2sf);
	s0 =	sadd.s32 s3, s0  }
0x5e: {  	s3 =	sxor.u32 $0x80000000, s28;
	s22 =	sxor.u32 $0x80000000, s6;
	s6 =	sld [smem:$0x7FD]  }
0x5f: {  	s7 =	simm.s32 $0x0;
	s3 =	simm.s32 @!p2 $0x0  }
0x60: {  	v11 =	vld [tilespmem:s7+$0xC00];
	s0 =	sadd.s32 s3, s0;
	s24 =	spop (v2sf)  }
0x61: {  	s22 =	simm.s32 @!p1 $0x0;
	s3 =	sxor.u32 $0x80000000, s24;
	p0 =	seq.s32 s6, $0x1  }
0x62: {  	v63 =	vld [tilespmem:s7+$0x800];
	s0 =	sadd.s32 s22, s0;
	s3 =	simm.s32 @!p0 $0x0  }
0x63: {  	s0 =	sadd.s32 s3, s0  }
0x64: {  	v10 =	vmov s0  }
0x65: {  	s0 =	simm.s32 $0x0;
	v11 =	vmul.u32 v10, v11  }
0x66: {  	s25 =	sand.u32 $0xE00, s0  }
0x67: {  	s26 =	sand.u32 $0x70, s0;
	s3 =	sshrl.u32 s25, $0x2;
	v11 =	vadd.s32 v11, v63  }
0x68: {  	s28 =	sor.u32 s26, s3;
	v11 =	vadd.s32 $0x1, v11  }
0x69: {  	s20 =	simm.s32 $0x80;
	s22 =	simm.s32 $0x10;
	s3 =	simm.s32 $0x40;
	[tilespmem:s28+$0x400] =	vst v11  }
.LBB2_4:
0x6a: {  	p0 =	sne.s32 s20, $0xFC0;
	v11 =	vld [tilespmem:s22+$0xC00];
	_ =	sdelay $0x1  }
0x6b: {  	v12 =	vld [tilespmem:s22+$0x800];
	_ =	sdelay $0x2  }
.Ltmp1:
0x6c: {  	v11 =	vmul.u32 v10, v11;
	(pc) =	sbr.rel @p0 .LBB2_4-.Ltmp1, $4  }
0x6d: {  	s0 =	sadd.s32 $0x10, s0;
	s22 =	sand.u32 $0xE00, s3;
	s3 =	smov.u32 s20  }
0x6e: {  	s23 =	sand.u32 $0x70, s0;
	s22 =	sshrl.u32 s22, $0x2;
	v11 =	vadd.s32 v11, v12  }
0x6f: {  	s23 =	sor.u32 s23, s22;
	v11 =	vadd.s32 $0x1, v11  }
0x70: {  	s20 =	sadd.s32 $0x40, s20;
	s22 =	sshra.s32 s3, $0x2;
	[tilespmem:s23+$0x400] =	vst v11  }
0x71: {  	v11 =	vld [tilespmem:s22+$0xC00];
	_ =	sdelay $0x1  }
0x72: {  	v12 =	vld [tilespmem:s22+$0x800];
	_ =	sdelay $0x2  }
0x73: {  	v10 =	vmul.u32 v10, v11  }
0x74: {  	s3 =	sand.u32 $0xE00, s3;
	s0 =	sadd.s32 $0x10, s0  }
0x75: {  	s0 =	sand.u32 $0x70, s0;
	s3 =	sshrl.u32 s3, $0x2;
	v10 =	vadd.s32 v10, v12  }
0x76: {  	s0 =	sor.u32 s0, s3;
	v10 =	vadd.s32 $0x1, v10  }
0x77: {  	s22 =	simm.s32 $0x400;
	s23 =	simm.s32 $0x1000;
	[tilespmem:s0+$0x400] =	vst v10  }
0x78: {  	[tilespmem:s23], [sflag:$0x1] =	stream.indirect.gather [hbm4b:s4+s19], $0x40, s22, s19, $0xb8;
	[tilespmem:$0x191A0] =	vst v63  }
0x79: {  	s24 =	simm.s32 $0x480;
	s25 =	simm.s32 $0x3000  }
0x7a: {  	[tilespmem:s25], [sflag:$0x1] =	stream.indirect.gather [hbm4b:s4+s19], $0x40, s24, s19, $0xb8;
	[tilespmem:$0x191A0] =	vst v63  }
0x7b: {  	s26 =	simm.s32 $0x500;
	s28 =	simm.s32 $0x5000  }
0x7c: {  	[tilespmem:s28], [sflag:$0x1] =	stream.indirect.gather [hbm4b:s4+s19], $0x40, s26, s19, $0xb8;
	[tilespmem:$0x191A0] =	vst v63  }
0x7d: {  	s6 =	simm.s32 $0x7000;
	s3 =	simm.s32 $0x580  }
0x7e: {  	[tilespmem:s6], [sflag:$0x1] =	stream.indirect.gather [hbm4b:s4+s19], $0x40, s3, s19, $0xb8;
	[tilespmem:$0x191A0] =	vst v63  }
0x7f: {  	s7 =	simm.s32 $0x600;
	s20 =	simm.s32 $0x9000  }
0x80: {  	[tilespmem:s20], [sflag:$0x1] =	stream.indirect.gather [hbm4b:s4+s19], $0x40, s7, s19, $0xb8;
	[tilespmem:$0x191A0] =	vst v63  }
0x81: {  	s22 =	simm.s32 $0x680;
	s23 =	simm.s32 $0xB000  }
0x82: {  	[tilespmem:s23], [sflag:$0x1] =	stream.indirect.gather [hbm4b:s4+s19], $0x40, s22, s19, $0xb8;
	[tilespmem:$0x191A0] =	vst v63  }
0x83: {  	s24 =	simm.s32 $0x700;
	s25 =	simm.s32 $0xD000  }
0x84: {  	[tilespmem:s25], [sflag:$0x1] =	stream.indirect.gather [hbm4b:s4+s19], $0x40, s24, s19, $0xb8;
	[tilespmem:$0x191A0] =	vst v63  }
0x85: {  	s26 =	simm.s32 $0x780;
	s28 =	simm.s32 $0xF000  }
0x86: {  	[tilespmem:s28], [sflag:$0x1] =	stream.indirect.gather [hbm4b:s4+s19], $0x40, s26, s19, $0xb8;
	[tilespmem:$0x191A0] =	vst v63  }
0x87: {  	_ =	swait.ge [sflag:s29], $0x2000  }
0x88: {  	[sflag:s29] =	ssyncset.done $0x0  }
0x89: {  	[sflag:s29] =	ssyncadd.s32 $0xFFFFE000  }
0x8a: {  	_ =	swait.ge [sflag:s29], $0x2000  }
0x8b: {  	[sflag:s29] =	ssyncset.done $0x0  }
0x8c: {  	[sflag:s29] =	ssyncadd.s32 $0xFFFFE000  }
0x8d: {  	_ =	swait.ge [sflag:s29], $0x2000  }
0x8e: {  	[sflag:s29] =	ssyncset.done $0x0  }
0x8f: {  	[sflag:s29] =	ssyncadd.s32 $0xFFFFE000  }
0x90: {  	_ =	swait.ge [sflag:s29], $0x2000  }
0x91: {  	[sflag:s29] =	ssyncset.done $0x0  }
0x92: {  	[sflag:s29] =	ssyncadd.s32 $0xFFFFE000  }
0x93: {  	_ =	swait.ge [sflag:s29], $0x2000  }
0x94: {  	[sflag:s29] =	ssyncset.done $0x0  }
0x95: {  	[sflag:s29] =	ssyncadd.s32 $0xFFFFE000  }
0x96: {  	_ =	swait.ge [sflag:s29], $0x2000  }
0x97: {  	[sflag:s29] =	ssyncset.done $0x0  }
0x98: {  	[sflag:s29] =	ssyncadd.s32 $0xFFFFE000  }
0x99: {  	_ =	swait.ge [sflag:s29], $0x2000  }
0x9a: {  	[sflag:s29] =	ssyncset.done $0x0  }
0x9b: {  	[sflag:s29] =	ssyncadd.s32 $0xFFFFE000  }
0x9c: {  	_ =	swait.ge [sflag:s29], $0x2000  }
0x9d: {  	[sflag:s29] =	ssyncset.done $0x0  }
0x9e: {  	s0 =	simm.s32 $0x0;
	s25 =	simm.s32 $0x1100;
	[sflag:s29] =	ssyncadd.s32 $0xFFFFE000  }
.LBB2_6:
0x9f: {  	p0 =	slt.u32 s0, $0x2  }
0xa0: {  	s22 =	simm.s32 @!p0 $0x1  }
0xa1: {  	_ =	swait.ge @!p0 [sflag:s22], $0x400  }
0xa2: {  	[sflag:s22] =	ssyncset.done @!p0 $0x0  }
0xa3: {  	[sflag:s22] =	ssyncadd.s32 @!p0 $0xFFFFFC00  }
0xa4: {  	_ =	swait.ge @!p0 [sflag:s22], $0x400  }
0xa5: {  	[sflag:s22] =	ssyncset.done @!p0 $0x0  }
0xa6: {  	[sflag:s22] =	ssyncadd.s32 @!p0 $0xFFFFFC00  }
0xa7: {  	_ =	swait.ge @!p0 [sflag:s22], $0x400  }
0xa8: {  	[sflag:s22] =	ssyncset.done @!p0 $0x0  }
0xa9: {  	[sflag:s22] =	ssyncadd.s32 @!p0 $0xFFFFFC00  }
0xaa: {  	_ =	swait.ge @!p0 [sflag:s22], $0x400  }
0xab: {  	[sflag:s22] =	ssyncset.done @!p0 $0x0  }
0xac: {  	[sflag:s22] =	ssyncadd.s32 @!p0 $0xFFFFFC00  }
0xad: {  	_ =	swait.ge @!p0 [sflag:s22], $0x400  }
0xae: {  	[sflag:s22] =	ssyncset.done @!p0 $0x0  }
0xaf: {  	[sflag:s22] =	ssyncadd.s32 @!p0 $0xFFFFFC00  }
0xb0: {  	_ =	swait.ge @!p0 [sflag:s22], $0x400  }
0xb1: {  	[sflag:s22] =	ssyncset.done @!p0 $0x0  }
0xb2: {  	[sflag:s22] =	ssyncadd.s32 @!p0 $0xFFFFFC00  }
0xb3: {  	_ =	swait.ge @!p0 [sflag:s22], $0x400  }
0xb4: {  	[sflag:s22] =	ssyncset.done @!p0 $0x0  }
0xb5: {  	[sflag:s22] =	ssyncadd.s32 @!p0 $0xFFFFFC00  }
0xb6: {  	_ =	swait.ge @!p0 [sflag:s22], $0x400  }
0xb7: {  	[sflag:s22] =	ssyncset.done @!p0 $0x0  }
0xb8: {  	[sflag:s22] =	ssyncadd.s32 @!p0 $0xFFFFFC00  }
0xb9: {  	_ =	swait.ge @!p0 [sflag:s22], $0x400  }
0xba: {  	s3 =	sshll.u32 s0, $0x4;
	s26 =	simm.s32 $0x0;
	[sflag:s22] =	ssyncset.done @!p0 $0x0  }
0xbb: {  	s23 =	simm.s32 $0x1;
	s28 =	simm.s32 $0x2;
	[sflag:s22] =	ssyncadd.s32 @!p0 $0xFFFFFC00  }
0xbc: {  	s6 =	simm.s32 $0x3;
	s7 =	simm.s32 $0x5;
	v11 =	vmov s26;
	_ =	swait.ge @!p0 [sflag:s22], $0x400  }
0xbd: {  	s24 =	simm.s32 $0x6;
	s20 =	sand.u32 $0x10, s3;
	v12 =	vmov s23;
	v13 =	vmov s28;
	v14 =	vmov s6;
	[sflag:s22] =	ssyncset.done @!p0 $0x0  }
0xbe: {  	v15 =	vmov s7;
	v17 =	vmov s24;
	v10 =	vmov s20;
	[sflag:s22] =	ssyncadd.s32 @!p0 $0xFFFFFC00  }
0xbf: {  	s23 =	simm.s32 $0x4;
	v11 =	vshrl.u32 v11, $0x3;
	v12 =	vshrl.u32 v12, $0x3;
	v14 =	vshrl.u32 v14, $0x3;
	_ =	swait.ge @!p0 [sflag:s22], $0x400  }
0xc0: {  	s28 =	simm.s32 $0x8;
	s24 =	simm.s32 $0x9;
	v15 =	vshrl.u32 v15, $0x3;
	v16 =	vmov s23;
	v17 =	vshrl.u32 v17, $0x3;
	[sflag:s22] =	ssyncset.done @!p0 $0x0  }
0xc1: {  	v13 =	vshrl.u32 v13, $0x3;
	v19 =	vmov s28;
	v20 =	vmov s24;
	[sflag:s22] =	ssyncadd.s32 @!p0 $0xFFFFFC00  }
0xc2: {  	v10 =	vmul.u32 $0x408, v10;
	v11 =	vshll.u32 v11, v2;
	v12 =	vshll.u32 v12, v2;
	_ =	swait.ge @!p0 [sflag:s22], $0x400  }
0xc3: {  	v15 =	vshll.u32 v15, v2;
	v16 =	vshrl.u32 v16, $0x3;
	v17 =	vshll.u32 v17, v2;
	[sflag:s22] =	ssyncset.done @!p0 $0x0  }
0xc4: {  	s28 =	simm.s32 $0xE;
	v18 =	vshll.u32 v13, v2;
	v14 =	vshll.u32 v14, v2;
	v19 =	vshrl.u32 v19, $0x3;
	[sflag:s22] =	ssyncadd.s32 @!p0 $0xFFFFFC00  }
0xc5: {  	v20 =	vshrl.u32 v20, $0x3;
	v25 =	vmov s28;
	v16 =	vshll.u32 v16, v2;
	_ =	swait.ge @!p0 [sflag:s22], $0x400  }
0xc6: {  	v19 =	vshll.u32 v19, v2;
	v20 =	vshll.u32 v20, v2;
	v29 =	vshrl.u32 v25, $0x3;
	[sflag:s22] =	ssyncset.done @!p0 $0x0  }
0xc7: {  	v11 =	vadd.s32 v10, v11;
	v12 =	vadd.s32 v10, v12;
	v15 =	vadd.s32 v10, v15;
	[sflag:s22] =	ssyncadd.s32 @!p0 $0xFFFFFC00  }
0xc8: {  	v17 =	vadd.s32 v10, v17;
	v14 =	vadd.s32 v10, v14;
	v18 =	vadd.s32 v10, v18;
	_ =	swait.ge @!p0 [sflag:s22], $0x400  }
0xc9: {  	v23 =	vadd.s32 v10, v16;
	v11 =	vbroadcast v11, $0x0;
	v12 =	vbroadcast v12, $0x0;
	[sflag:s22] =	ssyncset.done @!p0 $0x0  }
0xca: {  	s7 =	simm.s32 $0xB;
	v15 =	vbroadcast v15, $0x0;
	v21 =	vbroadcast v14, $0x0;
	v14 =	vadd.s32 v10, v19;
	[sflag:s22] =	ssyncadd.s32 @!p0 $0xFFFFFC00  }
0xcb: {  	s24 =	simm.s32 $0xC;
	v19 =	vadd.s32 v10, v20;
	v20 =	vmov s7;
	v24 =	vbroadcast v18, $0x0;
	_ =	swait.ge @!p0 [sflag:s22], $0x400  }
0xcc: {  	v18 =	vmov s24;
	v28 =	vbroadcast v23, $0x0;
	v14 =	vbroadcast v14, $0x0;
	[sflag:s22] =	ssyncset.done @!p0 $0x0  }
0xcd: {  	s26 =	simm.s32 $0x7;
	v26 =	vshrl.u32 v20, $0x3;
	v20 =	vshrl.u32 v18, $0x3;
	v11 =	vadd.s32 v0, v11;
	[sflag:s22] =	ssyncadd.s32 @!p0 $0xFFFFFC00  }
0xce: {  	v13 =	vadd.s32 v7, v15;
	v15 =	vbroadcast v17, $0x0;
	v17 =	vmov s26;
	_ =	swait.ge @!p0 [sflag:s22], $0x400  }
0xcf: {  	s6 =	simm.s32 $0xA;
	v12 =	vadd.s32 v3, v12;
	s26 =	simm.s32 $0xD;
	v22 =	vshrl.u32 v17, $0x3;
	v17 =	vbroadcast v19, $0x0;
	[sflag:s22] =	ssyncset.done @!p0 $0x0  }
0xd0: {  	v19 =	vmov s6;
	v16 =	vadd.s32 v0, v14;
	v18 =	vmov s26;
	[sflag:s22] =	ssyncadd.s32 @!p0 $0xFFFFFC00  }
0xd1: {  	v27 =	vshll.u32 v22, v2;
	v22 =	vshrl.u32 v18, $0x3;
	v14 =	vadd.s32 v3, v17;
	v18 =	vld [tilespmem:s25+$0x40]  }
0xd2: {  	v17 =	vadd.s32 v5, v21;
	v21 =	vadd.s32 v4, v24;
	v24 =	vshll.u32 v22, v2;
	v22 =	vld [tilespmem:s25+$0xFFFFFF80]  }
0xd3: {  	v30 =	vshll.u32 v26, v2;
	v19 =	vshrl.u32 v19, $0x3;
	v24 =	vadd.s32 v10, v24;
	v25 =	vld [tilespmem:s25+$0xFFFFFF40]  }
0xd4: {  	v23 =	vshll.u32 v19, v2;
	v19 =	vbroadcast v24, $0x0;
	v24 =	vshll.u32 v29, v2;
	v29 =	vld [tilespmem:s25+$0xFFFFFF00]  }
0xd5: {  	s3 =	smov.u32 s25;
	v28 =	vadd.s32 v6, v28;
	v27 =	vadd.s32 v10, v27;
	v26 =	vadd.s32 v10, v24;
	v24 =	vld [tilespmem:s25+$0x80]  }
0xd6: {  	s23 =	simm.s32 $0xF;
	s24 =	simm.s32 $0x17;
	v31 =	vbroadcast v27, $0x0;
	v19 =	vadd.s32 v7, v19;
	v26 =	vbroadcast v26, $0x0;
	s22 =	sadd.s32 $0x200, s25;
	v27 =	vld [tilespmem:s25+$0x0]  }
.LBB2_7:
0xd7: {  	s26 =	sadd.s32 $0xFFFFFFF9, s24  }
0xd8: {  	s28 =	sadd.s32 $0xFFFFFFFA, s24;
	s6 =	sadd.s32 $0xFFFFFFFB, s24;
	v30 =	vadd.s32 v10, v30;
	v32 =	vmov s23;
	v33 =	vld [tilespmem:s3+$0xFFFFFFC0];
	v34 =	vadd.s32 v8, v15;
	s23 =	smov.u32 s24  }
0xd9: {  	p0 =	sne.s32 s24, $0x3FF;
	s24 =	sadd.s32 $0x8, s24;
	v31 =	vadd.s32 v9, v31;
	s7 =	sadd.s32 $0xFFFFFFFD, s23;
	v35 =	vmov s26;
	v36 =	vmov s28;
	v37 =	vld [tilespmem:s3+$0xC0];
	v15 =	vmovc v26  }
0xda: {  	v20 =	vshll.u32 v20, v2;
	s3 =	smov.u32 s22;
	v26 =	vshrl.u32 v35, $0x3;
	v35 =	vshrl.u32 v36, $0x3;
	[tilespmem:v11+s30+$0x0] =	vst.idx.msk $0xffff, v29;
	v11 =	vmovc v16  }
0xdb: {  	v29 =	vbroadcast v30, $0x0;
	v16 =	vshll.u32 v26, v2;
	v26 =	vshll.u32 v35, v2;
	[tilespmem:v12+s30+$0x0] =	vst.idx.msk $0xffff, v25  }
0xdc: {  	s26 =	sadd.s32 $0xFFFFFFFC, s23;
	v25 =	vshrl.u32 v32, $0x3;
	v30 =	vadd.s32 v10, v16;
	v16 =	vadd.s32 v10, v26;
	[tilespmem:v21+s30+$0x0] =	vst.idx.msk $0xffff, v22  }
0xdd: {  	v23 =	vadd.s32 v10, v23;
	v12 =	vmovc v14;
	v21 =	vbroadcast v30, $0x0;
	v22 =	vbroadcast v16, $0x0;
	[tilespmem:v17+s30+$0x0] =	vst.idx.msk $0xffff, v33  }
0xde: {  	v26 =	vmov s6;
	v17 =	vmov s26;
	v30 =	vadd.s32 v10, v20;
	[tilespmem:v28+s30+$0x0] =	vst.idx.msk $0xffff, v27  }
0xdf: {  	v16 =	vadd.s32 v0, v21;
	v14 =	vadd.s32 v3, v22;
	v21 =	vbroadcast v23, $0x0;
	[tilespmem:v13+s30+$0x0] =	vst.idx.msk $0xffff, v18  }
0xe0: {  	s6 =	sadd.s32 $0xFFFFFFFE, s23;
	v27 =	vshrl.u32 v17, $0x3;
	v17 =	vadd.s32 v5, v29;
	v18 =	vmov s7;
	v13 =	vmovc v19;
	[tilespmem:v34+s30+$0x0] =	vst.idx.msk $0xffff, v24  }
0xe1: {  	s7 =	sadd.s32 $0xFFFFFFFF, s23;
	v19 =	vshll.u32 v25, v2;
	v20 =	vshrl.u32 v18, $0x3;
	v18 =	vmov s6;
	[tilespmem:v31+s30+$0x0] =	vst.idx.msk $0xffff, v37  }
0xe2: {  	v23 =	vmov s7;
	v22 =	vshrl.u32 v18, $0x3;
	v21 =	vadd.s32 v4, v21;
	v18 =	vld [tilespmem:s22+$0x40]  }
.Ltmp2:
0xe3: {  	v28 =	vbroadcast v30, $0x0;
	v24 =	vshrl.u32 v26, $0x3;
	v25 =	vshll.u32 v22, v2;
	v22 =	vld [tilespmem:s22+$0xFFFFFF80];
	(pc) =	sbr.rel @p0 .LBB2_7-.Ltmp2, $4  }
0xe4: {  	v19 =	vadd.s32 v10, v19;
	v29 =	vshrl.u32 v23, $0x3;
	v26 =	vadd.s32 v10, v25;
	v25 =	vld [tilespmem:s22+$0xFFFFFF40]  }
0xe5: {  	v23 =	vshll.u32 v24, v2;
	v24 =	vshll.u32 v29, v2;
	v26 =	vbroadcast v26, $0x0;
	s22 =	sadd.s32 $0x200, s22;
	v29 =	vld [tilespmem:s3+$0xFFFFFF00]  }
0xe6: {  	v30 =	vshll.u32 v27, v2;
	v31 =	vbroadcast v19, $0x0;
	v27 =	vadd.s32 v10, v24;
	v24 =	vld [tilespmem:s3+$0x80]  }
0xe7: {  	v28 =	vadd.s32 v6, v28;
	v19 =	vadd.s32 v7, v26;
	v26 =	vbroadcast v27, $0x0;
	v27 =	vld [tilespmem:s3+$0x0]  }
0xe8: {  	_ =	sdelay $0x1  }
0xe9: {  	v32 =	vld [tilespmem:s3+$0xFFFFFFC0];
	_ =	sdelay $0x1  }
0xea: {  	v33 =	vld [tilespmem:s3+$0xC0];
	[tilespmem:v11+s30+$0x0] =	vst.idx.msk $0xffff, v29  }
0xeb: {  	v11 =	vadd.s32 v8, v15;
	[tilespmem:v12+s30+$0x0] =	vst.idx.msk $0xffff, v25  }
0xec: {  	v54 =	vadd.s32 v9, v31;
	[tilespmem:v21+s30+$0x0] =	vst.idx.msk $0xffff, v22  }
0xed: {  	[tilespmem:v17+s30+$0x0] =	vst.idx.msk $0xffff, v32  }
0xee: {  	[tilespmem:v28+s30+$0x0] =	vst.idx.msk $0xffff, v27  }
0xef: {  	[tilespmem:v13+s30+$0x0] =	vst.idx.msk $0xffff, v18  }
0xf0: {  	[tilespmem:v11+s30+$0x0] =	vst.idx.msk $0xffff, v24  }
0xf1: {  	[tilespmem:v54+s30+$0x0] =	vst.idx.msk $0xffff, v33  }
0xf2: {  	v11 =	vld [tilespmem:s22+$0x40]  }
0xf3: {  	v55 =	vadd.s32 v10, v23;
	v12 =	vld [tilespmem:s22+$0xFFFFFF80]  }
0xf4: {  	v57 =	vadd.s32 v10, v30;
	v58 =	vshll.u32 v20, v2;
	v13 =	vbroadcast v55, $0x0;
	v59 =	vld [tilespmem:s22+$0xFFFFFF00]  }
0xf5: {  	v60 =	vmov s23;
	v17 =	vbroadcast v57, $0x0;
	v18 =	vadd.s32 v10, v58;
	v56 =	vld [tilespmem:s22+$0xFFFFFF40]  }
0xf6: {  	v21 =	vshrl.u32 v60, $0x3;
	v18 =	vbroadcast v18, $0x0;
	v13 =	vadd.s32 v4, v13;
	v22 =	vld [tilespmem:s22+$0x80]  }
0xf7: {  	v21 =	vshll.u32 v21, v2;
	v17 =	vadd.s32 v5, v17;
	v24 =	vld [tilespmem:s22+$0xFFFFFFC0]  }
0xf8: {  	v10 =	vadd.s32 v10, v21;
	v61 =	vld [tilespmem:s22+$0x0];
	v18 =	vadd.s32 v6, v18  }
0xf9: {  	v10 =	vbroadcast v10, $0x0;
	v62 =	vld [tilespmem:s22+$0xC0];
	[tilespmem:v16+s30+$0x0] =	vst.idx.msk $0xffff, v59  }
0xfa: {  	v63 =	vadd.s32 v8, v26;
	[tilespmem:v14+s30+$0x0] =	vst.idx.msk $0xffff, v56  }
0xfb: {  	v10 =	vadd.s32 v9, v10;
	[tilespmem:v13+s30+$0x0] =	vst.idx.msk $0xffff, v12  }
0xfc: {  	s22 =	sshll.u32 s0, $0x11;
	[tilespmem:v17+s30+$0x0] =	vst.idx.msk $0xffff, v24  }
0xfd: {  	s24 =	smul.u32 $0x1020, s20;
	s23 =	sor.u32 s9, s22;
	[tilespmem:v18+s30+$0x0] =	vst.idx.msk $0xffff, v61  }
0xfe: {  	s6 =	sor.u32 s5, s23;
	[tilespmem:v19+s30+$0x0] =	vst.idx.msk $0xffff, v11  }
0xff: {  	s20 =	sshrl.u32 s24, $0x2;
	s6 =	sshrl.u32 s6, $0x3;
	[tilespmem:v63+s30+$0x0] =	vst.idx.msk $0xffff, v22  }
0x100: {  	s26 =	sadd.s32 $0x11000, s20;
	s3 =	sadd.s32 s1, s6;
	[tilespmem:v10+s30+$0x0] =	vst.idx.msk $0xffff, v62  }
0x101: {  	[hbm4b:s3+s2] =	stream.linear.scatter [tilespmem:s26], [sflag:$0x1], $0x80, $0x38;
	[tilespmem:$0x191A0] =	vst v63  }
0x102: {  	s28 =	sadd.s32 $0x11408, s20;
	s7 =	sadd.s32 $0x10, s3  }
0x103: {  	[hbm4b:s7+s2] =	stream.linear.scatter [tilespmem:s28], [sflag:$0x1], $0x80, $0x38;
	[tilespmem:$0x191A0] =	vst v63  }
0x104: {  	s24 =	sadd.s32 $0x20, s3;
	s7 =	sadd.s32 $0x11810, s20  }
0x105: {  	[hbm4b:s24+s2] =	stream.linear.scatter [tilespmem:s7], [sflag:$0x1], $0x80, $0x38;
	[tilespmem:$0x191A0] =	vst v63  }
0x106: {  	s26 =	sadd.s32 $0x11C18, s20;
	s28 =	sadd.s32 $0x30, s3  }
0x107: {  	[hbm4b:s28+s2] =	stream.linear.scatter [tilespmem:s26], [sflag:$0x1], $0x80, $0x38;
	[tilespmem:$0x191A0] =	vst v63  }
0x108: {  	s7 =	sadd.s32 $0x12020, s20;
	s24 =	sadd.s32 $0x40, s3  }
0x109: {  	[hbm4b:s24+s2] =	stream.linear.scatter [tilespmem:s7], [sflag:$0x1], $0x80, $0x38;
	[tilespmem:$0x191A0] =	vst v63  }
0x10a: {  	s26 =	sadd.s32 $0x12428, s20;
	s28 =	sadd.s32 $0x50, s3  }
0x10b: {  	[hbm4b:s28+s2] =	stream.linear.scatter [tilespmem:s26], [sflag:$0x1], $0x80, $0x38;
	[tilespmem:$0x191A0] =	vst v63  }
0x10c: {  	s24 =	sadd.s32 $0x12830, s20;
	s26 =	sadd.s32 $0x60, s3  }
0x10d: {  	[hbm4b:s26+s2] =	stream.linear.scatter [tilespmem:s24], [sflag:$0x1], $0x80, $0x38;
	[tilespmem:$0x191A0] =	vst v63  }
0x10e: {  	s7 =	sor.u32 s10, s23;
	s28 =	sadd.s32 $0x12C38, s20;
	s3 =	sadd.s32 $0x70, s3  }
0x10f: {  	[hbm4b:s3+s2] =	stream.linear.scatter [tilespmem:s28], [sflag:$0x1], $0x80, $0x38;
	[tilespmem:$0x191A0] =	vst v63  }
0x110: {  	s3 =	sshrl.u32 s7, $0x3  }
0x111: {  	s24 =	sadd.s32 $0x11080, s20;
	s3 =	sadd.s32 s1, s3  }
0x112: {  	[hbm4b:s3+s2] =	stream.linear.scatter [tilespmem:s24], [sflag:$0x1], $0x80, $0x38;
	[tilespmem:$0x191A0] =	vst v63  }
0x113: {  	s26 =	sadd.s32 $0x11488, s20;
	s28 =	sadd.s32 $0x10, s3  }
0x114: {  	[hbm4b:s28+s2] =	stream.linear.scatter [tilespmem:s26], [sflag:$0x1], $0x80, $0x38;
	[tilespmem:$0x191A0] =	vst v63  }
0x115: {  	s7 =	sadd.s32 $0x11890, s20;
	s24 =	sadd.s32 $0x20, s3  }
0x116: {  	[hbm4b:s24+s2] =	stream.linear.scatter [tilespmem:s7], [sflag:$0x1], $0x80, $0x38;
	[tilespmem:$0x191A0] =	vst v63  }
0x117: {  	s26 =	sadd.s32 $0x11C98, s20;
	s28 =	sadd.s32 $0x30, s3  }
0x118: {  	[hbm4b:s28+s2] =	stream.linear.scatter [tilespmem:s26], [sflag:$0x1], $0x80, $0x38;
	[tilespmem:$0x191A0] =	vst v63  }
0x119: {  	s7 =	sadd.s32 $0x120A0, s20;
	s24 =	sadd.s32 $0x40, s3  }
0x11a: {  	[hbm4b:s24+s2] =	stream.linear.scatter [tilespmem:s7], [sflag:$0x1], $0x80, $0x38;
	[tilespmem:$0x191A0] =	vst v63  }
0x11b: {  	s26 =	sadd.s32 $0x124A8, s20;
	s28 =	sadd.s32 $0x50, s3  }
0x11c: {  	[hbm4b:s28+s2] =	stream.linear.scatter [tilespmem:s26], [sflag:$0x1], $0x80, $0x38;
	[tilespmem:$0x191A0] =	vst v63  }
0x11d: {  	s24 =	sadd.s32 $0x128B0, s20;
	s26 =	sadd.s32 $0x60, s3  }
0x11e: {  	[hbm4b:s26+s2] =	stream.linear.scatter [tilespmem:s24], [sflag:$0x1], $0x80, $0x38;
	[tilespmem:$0x191A0] =	vst v63  }
0x11f: {  	s7 =	sor.u32 s11, s23;
	s28 =	sadd.s32 $0x12CB8, s20;
	s3 =	sadd.s32 $0x70, s3  }
0x120: {  	[hbm4b:s3+s2] =	stream.linear.scatter [tilespmem:s28], [sflag:$0x1], $0x80, $0x38;
	[tilespmem:$0x191A0] =	vst v63  }
0x121: {  	s3 =	sshrl.u32 s7, $0x3  }
0x122: {  	s24 =	sadd.s32 $0x11100, s20;
	s3 =	sadd.s32 s1, s3  }
0x123: {  	[hbm4b:s3+s2] =	stream.linear.scatter [tilespmem:s24], [sflag:$0x1], $0x80, $0x38;
	[tilespmem:$0x191A0] =	vst v63  }
0x124: {  	s26 =	sadd.s32 $0x11508, s20;
	s28 =	sadd.s32 $0x10, s3  }
0x125: {  	[hbm4b:s28+s2] =	stream.linear.scatter [tilespmem:s26], [sflag:$0x1], $0x80, $0x38;
	[tilespmem:$0x191A0] =	vst v63  }
0x126: {  	s7 =	sadd.s32 $0x11910, s20;
	s24 =	sadd.s32 $0x20, s3  }
0x127: {  	[hbm4b:s24+s2] =	stream.linear.scatter [tilespmem:s7], [sflag:$0x1], $0x80, $0x38;
	[tilespmem:$0x191A0] =	vst v63  }
0x128: {  	s26 =	sadd.s32 $0x11D18, s20;
	s28 =	sadd.s32 $0x30, s3  }
0x129: {  	[hbm4b:s28+s2] =	stream.linear.scatter [tilespmem:s26], [sflag:$0x1], $0x80, $0x38;
	[tilespmem:$0x191A0] =	vst v63  }
0x12a: {  	s7 =	sadd.s32 $0x12120, s20;
	s24 =	sadd.s32 $0x40, s3  }
0x12b: {  	[hbm4b:s24+s2] =	stream.linear.scatter [tilespmem:s7], [sflag:$0x1], $0x80, $0x38;
	[tilespmem:$0x191A0] =	vst v63  }
0x12c: {  	s26 =	sadd.s32 $0x12528, s20;
	s28 =	sadd.s32 $0x50, s3  }
0x12d: {  	[hbm4b:s28+s2] =	stream.linear.scatter [tilespmem:s26], [sflag:$0x1], $0x80, $0x38;
	[tilespmem:$0x191A0] =	vst v63  }
0x12e: {  	s24 =	sadd.s32 $0x12930, s20;
	s26 =	sadd.s32 $0x60, s3  }
0x12f: {  	[hbm4b:s26+s2] =	stream.linear.scatter [tilespmem:s24], [sflag:$0x1], $0x80, $0x38;
	[tilespmem:$0x191A0] =	vst v63  }
0x130: {  	s7 =	sor.u32 s12, s23;
	s28 =	sadd.s32 $0x12D38, s20;
	s3 =	sadd.s32 $0x70, s3  }
0x131: {  	[hbm4b:s3+s2] =	stream.linear.scatter [tilespmem:s28], [sflag:$0x1], $0x80, $0x38;
	[tilespmem:$0x191A0] =	vst v63  }
0x132: {  	s3 =	sshrl.u32 s7, $0x3  }
0x133: {  	s24 =	sadd.s32 $0x11180, s20;
	s3 =	sadd.s32 s1, s3  }
0x134: {  	[hbm4b:s3+s2] =	stream.linear.scatter [tilespmem:s24], [sflag:$0x1], $0x80, $0x38;
	[tilespmem:$0x191A0] =	vst v63  }
0x135: {  	s26 =	sadd.s32 $0x11588, s20;
	s28 =	sadd.s32 $0x10, s3  }
0x136: {  	[hbm4b:s28+s2] =	stream.linear.scatter [tilespmem:s26], [sflag:$0x1], $0x80, $0x38;
	[tilespmem:$0x191A0] =	vst v63  }
0x137: {  	s7 =	sadd.s32 $0x11990, s20;
	s24 =	sadd.s32 $0x20, s3  }
0x138: {  	[hbm4b:s24+s2] =	stream.linear.scatter [tilespmem:s7], [sflag:$0x1], $0x80, $0x38;
	[tilespmem:$0x191A0] =	vst v63  }
0x139: {  	s26 =	sadd.s32 $0x11D98, s20;
	s28 =	sadd.s32 $0x30, s3  }
0x13a: {  	[hbm4b:s28+s2] =	stream.linear.scatter [tilespmem:s26], [sflag:$0x1], $0x80, $0x38;
	[tilespmem:$0x191A0] =	vst v63  }
0x13b: {  	s7 =	sadd.s32 $0x121A0, s20;
	s24 =	sadd.s32 $0x40, s3  }
0x13c: {  	[hbm4b:s24+s2] =	stream.linear.scatter [tilespmem:s7], [sflag:$0x1], $0x80, $0x38;
	[tilespmem:$0x191A0] =	vst v63  }
0x13d: {  	s26 =	sadd.s32 $0x125A8, s20;
	s28 =	sadd.s32 $0x50, s3  }
0x13e: {  	[hbm4b:s28+s2] =	stream.linear.scatter [tilespmem:s26], [sflag:$0x1], $0x80, $0x38;
	[tilespmem:$0x191A0] =	vst v63  }
0x13f: {  	s24 =	sadd.s32 $0x129B0, s20;
	s26 =	sadd.s32 $0x60, s3  }
0x140: {  	[hbm4b:s26+s2] =	stream.linear.scatter [tilespmem:s24], [sflag:$0x1], $0x80, $0x38;
	[tilespmem:$0x191A0] =	vst v63  }
0x141: {  	s7 =	sor.u32 s13, s23;
	s28 =	sadd.s32 $0x12DB8, s20;
	s3 =	sadd.s32 $0x70, s3  }
0x142: {  	[hbm4b:s3+s2] =	stream.linear.scatter [tilespmem:s28], [sflag:$0x1], $0x80, $0x38;
	[tilespmem:$0x191A0] =	vst v63  }
0x143: {  	s3 =	sshrl.u32 s7, $0x3  }
0x144: {  	s24 =	sadd.s32 $0x11200, s20;
	s3 =	sadd.s32 s1, s3  }
0x145: {  	[hbm4b:s3+s2] =	stream.linear.scatter [tilespmem:s24], [sflag:$0x1], $0x80, $0x38;
	[tilespmem:$0x191A0] =	vst v63  }
0x146: {  	s26 =	sadd.s32 $0x11608, s20;
	s28 =	sadd.s32 $0x10, s3  }
0x147: {  	[hbm4b:s28+s2] =	stream.linear.scatter [tilespmem:s26], [sflag:$0x1], $0x80, $0x38;
	[tilespmem:$0x191A0] =	vst v63  }
0x148: {  	s7 =	sadd.s32 $0x11A10, s20;
	s24 =	sadd.s32 $0x20, s3  }
0x149: {  	[hbm4b:s24+s2] =	stream.linear.scatter [tilespmem:s7], [sflag:$0x1], $0x80, $0x38;
	[tilespmem:$0x191A0] =	vst v63  }
0x14a: {  	s26 =	sadd.s32 $0x11E18, s20;
	s28 =	sadd.s32 $0x30, s3  }
0x14b: {  	[hbm4b:s28+s2] =	stream.linear.scatter [tilespmem:s26], [sflag:$0x1], $0x80, $0x38;
	[tilespmem:$0x191A0] =	vst v63  }
0x14c: {  	s7 =	sadd.s32 $0x12220, s20;
	s24 =	sadd.s32 $0x40, s3  }
0x14d: {  	[hbm4b:s24+s2] =	stream.linear.scatter [tilespmem:s7], [sflag:$0x1], $0x80, $0x38;
	[tilespmem:$0x191A0] =	vst v63  }
0x14e: {  	s26 =	sadd.s32 $0x12628, s20;
	s28 =	sadd.s32 $0x50, s3  }
0x14f: {  	[hbm4b:s28+s2] =	stream.linear.scatter [tilespmem:s26], [sflag:$0x1], $0x80, $0x38;
	[tilespmem:$0x191A0] =	vst v63  }
0x150: {  	s24 =	sadd.s32 $0x12A30, s20;
	s26 =	sadd.s32 $0x60, s3  }
0x151: {  	[hbm4b:s26+s2] =	stream.linear.scatter [tilespmem:s24], [sflag:$0x1], $0x80, $0x38;
	[tilespmem:$0x191A0] =	vst v63  }
0x152: {  	s7 =	sor.u32 s14, s23;
	s28 =	sadd.s32 $0x12E38, s20;
	s3 =	sadd.s32 $0x70, s3  }
0x153: {  	[hbm4b:s3+s2] =	stream.linear.scatter [tilespmem:s28], [sflag:$0x1], $0x80, $0x38;
	[tilespmem:$0x191A0] =	vst v63  }
0x154: {  	s3 =	sshrl.u32 s7, $0x3  }
0x155: {  	s24 =	sadd.s32 $0x11280, s20;
	s3 =	sadd.s32 s1, s3  }
0x156: {  	[hbm4b:s3+s2] =	stream.linear.scatter [tilespmem:s24], [sflag:$0x1], $0x80, $0x38;
	[tilespmem:$0x191A0] =	vst v63  }
0x157: {  	s26 =	sadd.s32 $0x11688, s20;
	s28 =	sadd.s32 $0x10, s3  }
0x158: {  	[hbm4b:s28+s2] =	stream.linear.scatter [tilespmem:s26], [sflag:$0x1], $0x80, $0x38;
	[tilespmem:$0x191A0] =	vst v63  }
0x159: {  	s7 =	sadd.s32 $0x11A90, s20;
	s24 =	sadd.s32 $0x20, s3  }
0x15a: {  	[hbm4b:s24+s2] =	stream.linear.scatter [tilespmem:s7], [sflag:$0x1], $0x80, $0x38;
	[tilespmem:$0x191A0] =	vst v63  }
0x15b: {  	s26 =	sadd.s32 $0x11E98, s20;
	s28 =	sadd.s32 $0x30, s3  }
0x15c: {  	[hbm4b:s28+s2] =	stream.linear.scatter [tilespmem:s26], [sflag:$0x1], $0x80, $0x38;
	[tilespmem:$0x191A0] =	vst v63  }
0x15d: {  	s7 =	sadd.s32 $0x122A0, s20;
	s24 =	sadd.s32 $0x40, s3  }
0x15e: {  	[hbm4b:s24+s2] =	stream.linear.scatter [tilespmem:s7], [sflag:$0x1], $0x80, $0x38;
	[tilespmem:$0x191A0] =	vst v63  }
0x15f: {  	s26 =	sadd.s32 $0x126A8, s20;
	s28 =	sadd.s32 $0x50, s3  }
0x160: {  	[hbm4b:s28+s2] =	stream.linear.scatter [tilespmem:s26], [sflag:$0x1], $0x80, $0x38;
	[tilespmem:$0x191A0] =	vst v63  }
0x161: {  	s24 =	sadd.s32 $0x12AB0, s20;
	s26 =	sadd.s32 $0x60, s3  }
0x162: {  	[hbm4b:s26+s2] =	stream.linear.scatter [tilespmem:s24], [sflag:$0x1], $0x80, $0x38;
	[tilespmem:$0x191A0] =	vst v63  }
0x163: {  	s7 =	sor.u32 s15, s23;
	s28 =	sadd.s32 $0x12EB8, s20;
	s3 =	sadd.s32 $0x70, s3  }
0x164: {  	[hbm4b:s3+s2] =	stream.linear.scatter [tilespmem:s28], [sflag:$0x1], $0x80, $0x38;
	[tilespmem:$0x191A0] =	vst v63  }
0x165: {  	s3 =	sshrl.u32 s7, $0x3  }
0x166: {  	s24 =	sadd.s32 $0x11300, s20;
	s3 =	sadd.s32 s1, s3  }
0x167: {  	[hbm4b:s3+s2] =	stream.linear.scatter [tilespmem:s24], [sflag:$0x1], $0x80, $0x38;
	[tilespmem:$0x191A0] =	vst v63  }
0x168: {  	s26 =	sadd.s32 $0x11708, s20;
	s28 =	sadd.s32 $0x10, s3  }
0x169: {  	[hbm4b:s28+s2] =	stream.linear.scatter [tilespmem:s26], [sflag:$0x1], $0x80, $0x38;
	[tilespmem:$0x191A0] =	vst v63  }
0x16a: {  	s7 =	sadd.s32 $0x11B10, s20;
	s24 =	sadd.s32 $0x20, s3  }
0x16b: {  	[hbm4b:s24+s2] =	stream.linear.scatter [tilespmem:s7], [sflag:$0x1], $0x80, $0x38;
	[tilespmem:$0x191A0] =	vst v63  }
0x16c: {  	s26 =	sadd.s32 $0x11F18, s20;
	s28 =	sadd.s32 $0x30, s3  }
0x16d: {  	[hbm4b:s28+s2] =	stream.linear.scatter [tilespmem:s26], [sflag:$0x1], $0x80, $0x38;
	[tilespmem:$0x191A0] =	vst v63  }
0x16e: {  	s7 =	sadd.s32 $0x12320, s20;
	s24 =	sadd.s32 $0x40, s3  }
0x16f: {  	[hbm4b:s24+s2] =	stream.linear.scatter [tilespmem:s7], [sflag:$0x1], $0x80, $0x38;
	[tilespmem:$0x191A0] =	vst v63  }
0x170: {  	s26 =	sadd.s32 $0x12728, s20;
	s28 =	sadd.s32 $0x50, s3  }
0x171: {  	[hbm4b:s28+s2] =	stream.linear.scatter [tilespmem:s26], [sflag:$0x1], $0x80, $0x38;
	[tilespmem:$0x191A0] =	vst v63  }
0x172: {  	s24 =	sadd.s32 $0x12B30, s20;
	s26 =	sadd.s32 $0x60, s3  }
0x173: {  	[hbm4b:s26+s2] =	stream.linear.scatter [tilespmem:s24], [sflag:$0x1], $0x80, $0x38;
	[tilespmem:$0x191A0] =	vst v63  }
0x174: {  	s6 =	sor.u32 s16, s23;
	s28 =	sadd.s32 $0x12F38, s20;
	s3 =	sadd.s32 $0x70, s3  }
0x175: {  	[hbm4b:s3+s2] =	stream.linear.scatter [tilespmem:s28], [sflag:$0x1], $0x80, $0x38;
	[tilespmem:$0x191A0] =	vst v63  }
0x176: {  	s3 =	sshrl.u32 s6, $0x3  }
0x177: {  	s7 =	sadd.s32 $0x11380, s20;
	s3 =	sadd.s32 s1, s3  }
0x178: {  	[hbm4b:s3+s2] =	stream.linear.scatter [tilespmem:s7], [sflag:$0x1], $0x80, $0x38;
	[tilespmem:$0x191A0] =	vst v63  }
0x179: {  	s23 =	sadd.s32 $0x11788, s20;
	s24 =	sadd.s32 $0x10, s3  }
0x17a: {  	[hbm4b:s24+s2] =	stream.linear.scatter [tilespmem:s23], [sflag:$0x1], $0x80, $0x38;
	[tilespmem:$0x191A0] =	vst v63  }
0x17b: {  	s26 =	sadd.s32 $0x11B90, s20;
	s28 =	sadd.s32 $0x20, s3  }
0x17c: {  	[hbm4b:s28+s2] =	stream.linear.scatter [tilespmem:s26], [sflag:$0x1], $0x80, $0x38;
	[tilespmem:$0x191A0] =	vst v63  }
0x17d: {  	s23 =	sadd.s32 $0x11F98, s20;
	s24 =	sadd.s32 $0x30, s3  }
0x17e: {  	[hbm4b:s24+s2] =	stream.linear.scatter [tilespmem:s23], [sflag:$0x1], $0x80, $0x38;
	[tilespmem:$0x191A0] =	vst v63  }
0x17f: {  	s26 =	sadd.s32 $0x123A0, s20;
	s28 =	sadd.s32 $0x40, s3  }
0x180: {  	[hbm4b:s28+s2] =	stream.linear.scatter [tilespmem:s26], [sflag:$0x1], $0x80, $0x38;
	[tilespmem:$0x191A0] =	vst v63  }
0x181: {  	s7 =	sadd.s32 $0x127A8, s20;
	s23 =	sadd.s32 $0x50, s3  }
0x182: {  	[hbm4b:s23+s2] =	stream.linear.scatter [tilespmem:s7], [sflag:$0x1], $0x80, $0x38;
	[tilespmem:$0x191A0] =	vst v63  }
0x183: {  	s22 =	sor.u32 s17, s22;
	s24 =	sadd.s32 $0x12BB0, s20;
	s26 =	sadd.s32 $0x60, s3  }
0x184: {  	[hbm4b:s26+s2] =	stream.linear.scatter [tilespmem:s24], [sflag:$0x1], $0x80, $0x38;
	[tilespmem:$0x191A0] =	vst v63  }
0x185: {  	s6 =	sor.u32 s5, s22;
	s28 =	sadd.s32 $0x12FB8, s20;
	s3 =	sadd.s32 $0x70, s3  }
0x186: {  	[hbm4b:s3+s2] =	stream.linear.scatter [tilespmem:s28], [sflag:$0x1], $0x80, $0x38;
	[tilespmem:$0x191A0] =	vst v63  }
0x187: {  	s3 =	sshrl.u32 s6, $0x3  }
0x188: {  	s7 =	sadd.s32 $0x13040, s20;
	s3 =	sadd.s32 s1, s3  }
0x189: {  	[hbm4b:s3+s2] =	stream.linear.scatter [tilespmem:s7], [sflag:$0x1], $0x80, $0x38;
	[tilespmem:$0x191A0] =	vst v63  }
0x18a: {  	s23 =	sadd.s32 $0x13448, s20;
	s24 =	sadd.s32 $0x10, s3  }
0x18b: {  	[hbm4b:s24+s2] =	stream.linear.scatter [tilespmem:s23], [sflag:$0x1], $0x80, $0x38;
	[tilespmem:$0x191A0] =	vst v63  }
0x18c: {  	s26 =	sadd.s32 $0x13850, s20;
	s28 =	sadd.s32 $0x20, s3  }
0x18d: {  	[hbm4b:s28+s2] =	stream.linear.scatter [tilespmem:s26], [sflag:$0x1], $0x80, $0x38;
	[tilespmem:$0x191A0] =	vst v63  }
0x18e: {  	s23 =	sadd.s32 $0x13C58, s20;
	s24 =	sadd.s32 $0x30, s3  }
0x18f: {  	[hbm4b:s24+s2] =	stream.linear.scatter [tilespmem:s23], [sflag:$0x1], $0x80, $0x38;
	[tilespmem:$0x191A0] =	vst v63  }
0x190: {  	s26 =	sadd.s32 $0x14060, s20;
	s28 =	sadd.s32 $0x40, s3  }
0x191: {  	[hbm4b:s28+s2] =	stream.linear.scatter [tilespmem:s26], [sflag:$0x1], $0x80, $0x38;
	[tilespmem:$0x191A0] =	vst v63  }
0x192: {  	s7 =	sadd.s32 $0x14468, s20;
	s23 =	sadd.s32 $0x50, s3  }
0x193: {  	[hbm4b:s23+s2] =	stream.linear.scatter [tilespmem:s7], [sflag:$0x1], $0x80, $0x38;
	[tilespmem:$0x191A0] =	vst v63  }
0x194: {  	s24 =	sadd.s32 $0x14870, s20;
	s26 =	sadd.s32 $0x60, s3  }
0x195: {  	[hbm4b:s26+s2] =	stream.linear.scatter [tilespmem:s24], [sflag:$0x1], $0x80, $0x38;
	[tilespmem:$0x191A0] =	vst v63  }
0x196: {  	s6 =	sor.u32 s10, s22;
	s28 =	sadd.s32 $0x14C78, s20;
	s3 =	sadd.s32 $0x70, s3  }
0x197: {  	[hbm4b:s3+s2] =	stream.linear.scatter [tilespmem:s28], [sflag:$0x1], $0x80, $0x38;
	[tilespmem:$0x191A0] =	vst v63  }
0x198: {  	s3 =	sshrl.u32 s6, $0x3  }
0x199: {  	s7 =	sadd.s32 $0x130C0, s20;
	s3 =	sadd.s32 s1, s3  }
0x19a: {  	[hbm4b:s3+s2] =	stream.linear.scatter [tilespmem:s7], [sflag:$0x1], $0x80, $0x38;
	[tilespmem:$0x191A0] =	vst v63  }
0x19b: {  	s23 =	sadd.s32 $0x134C8, s20;
	s24 =	sadd.s32 $0x10, s3  }
0x19c: {  	[hbm4b:s24+s2] =	stream.linear.scatter [tilespmem:s23], [sflag:$0x1], $0x80, $0x38;
	[tilespmem:$0x191A0] =	vst v63  }
0x19d: {  	s26 =	sadd.s32 $0x138D0, s20;
	s28 =	sadd.s32 $0x20, s3  }
0x19e: {  	[hbm4b:s28+s2] =	stream.linear.scatter [tilespmem:s26], [sflag:$0x1], $0x80, $0x38;
	[tilespmem:$0x191A0] =	vst v63  }
0x19f: {  	s23 =	sadd.s32 $0x13CD8, s20;
	s24 =	sadd.s32 $0x30, s3  }
0x1a0: {  	[hbm4b:s24+s2] =	stream.linear.scatter [tilespmem:s23], [sflag:$0x1], $0x80, $0x38;
	[tilespmem:$0x191A0] =	vst v63  }
0x1a1: {  	s26 =	sadd.s32 $0x140E0, s20;
	s28 =	sadd.s32 $0x40, s3  }
0x1a2: {  	[hbm4b:s28+s2] =	stream.linear.scatter [tilespmem:s26], [sflag:$0x1], $0x80, $0x38;
	[tilespmem:$0x191A0] =	vst v63  }
0x1a3: {  	s7 =	sadd.s32 $0x144E8, s20;
	s23 =	sadd.s32 $0x50, s3  }
0x1a4: {  	[hbm4b:s23+s2] =	stream.linear.scatter [tilespmem:s7], [sflag:$0x1], $0x80, $0x38;
	[tilespmem:$0x191A0] =	vst v63  }
0x1a5: {  	s24 =	sadd.s32 $0x148F0, s20;
	s26 =	sadd.s32 $0x60, s3  }
0x1a6: {  	[hbm4b:s26+s2] =	stream.linear.scatter [tilespmem:s24], [sflag:$0x1], $0x80, $0x38;
	[tilespmem:$0x191A0] =	vst v63  }
0x1a7: {  	s6 =	sor.u32 s11, s22;
	s28 =	sadd.s32 $0x14CF8, s20;
	s3 =	sadd.s32 $0x70, s3  }
0x1a8: {  	[hbm4b:s3+s2] =	stream.linear.scatter [tilespmem:s28], [sflag:$0x1], $0x80, $0x38;
	[tilespmem:$0x191A0] =	vst v63  }
0x1a9: {  	s3 =	sshrl.u32 s6, $0x3  }
0x1aa: {  	s7 =	sadd.s32 $0x13140, s20;
	s3 =	sadd.s32 s1, s3  }
0x1ab: {  	[hbm4b:s3+s2] =	stream.linear.scatter [tilespmem:s7], [sflag:$0x1], $0x80, $0x38;
	[tilespmem:$0x191A0] =	vst v63  }
0x1ac: {  	s23 =	sadd.s32 $0x13548, s20;
	s24 =	sadd.s32 $0x10, s3  }
0x1ad: {  	[hbm4b:s24+s2] =	stream.linear.scatter [tilespmem:s23], [sflag:$0x1], $0x80, $0x38;
	[tilespmem:$0x191A0] =	vst v63  }
0x1ae: {  	s26 =	sadd.s32 $0x13950, s20;
	s28 =	sadd.s32 $0x20, s3  }
0x1af: {  	[hbm4b:s28+s2] =	stream.linear.scatter [tilespmem:s26], [sflag:$0x1], $0x80, $0x38;
	[tilespmem:$0x191A0] =	vst v63  }
0x1b0: {  	s23 =	sadd.s32 $0x13D58, s20;
	s24 =	sadd.s32 $0x30, s3  }
0x1b1: {  	[hbm4b:s24+s2] =	stream.linear.scatter [tilespmem:s23], [sflag:$0x1], $0x80, $0x38;
	[tilespmem:$0x191A0] =	vst v63  }
0x1b2: {  	s26 =	sadd.s32 $0x14160, s20;
	s28 =	sadd.s32 $0x40, s3  }
0x1b3: {  	[hbm4b:s28+s2] =	stream.linear.scatter [tilespmem:s26], [sflag:$0x1], $0x80, $0x38;
	[tilespmem:$0x191A0] =	vst v63  }
0x1b4: {  	s7 =	sadd.s32 $0x14568, s20;
	s23 =	sadd.s32 $0x50, s3  }
0x1b5: {  	[hbm4b:s23+s2] =	stream.linear.scatter [tilespmem:s7], [sflag:$0x1], $0x80, $0x38;
	[tilespmem:$0x191A0] =	vst v63  }
0x1b6: {  	s24 =	sadd.s32 $0x14970, s20;
	s26 =	sadd.s32 $0x60, s3  }
0x1b7: {  	[hbm4b:s26+s2] =	stream.linear.scatter [tilespmem:s24], [sflag:$0x1], $0x80, $0x38;
	[tilespmem:$0x191A0] =	vst v63  }
0x1b8: {  	s6 =	sor.u32 s12, s22;
	s28 =	sadd.s32 $0x14D78, s20;
	s3 =	sadd.s32 $0x70, s3  }
0x1b9: {  	[hbm4b:s3+s2] =	stream.linear.scatter [tilespmem:s28], [sflag:$0x1], $0x80, $0x38;
	[tilespmem:$0x191A0] =	vst v63  }
0x1ba: {  	s3 =	sshrl.u32 s6, $0x3  }
0x1bb: {  	s7 =	sadd.s32 $0x131C0, s20;
	s3 =	sadd.s32 s1, s3  }
0x1bc: {  	[hbm4b:s3+s2] =	stream.linear.scatter [tilespmem:s7], [sflag:$0x1], $0x80, $0x38;
	[tilespmem:$0x191A0] =	vst v63  }
0x1bd: {  	s23 =	sadd.s32 $0x135C8, s20;
	s24 =	sadd.s32 $0x10, s3  }
0x1be: {  	[hbm4b:s24+s2] =	stream.linear.scatter [tilespmem:s23], [sflag:$0x1], $0x80, $0x38;
	[tilespmem:$0x191A0] =	vst v63  }
0x1bf: {  	s26 =	sadd.s32 $0x139D0, s20;
	s28 =	sadd.s32 $0x20, s3  }
0x1c0: {  	[hbm4b:s28+s2] =	stream.linear.scatter [tilespmem:s26], [sflag:$0x1], $0x80, $0x38;
	[tilespmem:$0x191A0] =	vst v63  }
0x1c1: {  	s23 =	sadd.s32 $0x13DD8, s20;
	s24 =	sadd.s32 $0x30, s3  }
0x1c2: {  	[hbm4b:s24+s2] =	stream.linear.scatter [tilespmem:s23], [sflag:$0x1], $0x80, $0x38;
	[tilespmem:$0x191A0] =	vst v63  }
0x1c3: {  	s26 =	sadd.s32 $0x141E0, s20;
	s28 =	sadd.s32 $0x40, s3  }
0x1c4: {  	[hbm4b:s28+s2] =	stream.linear.scatter [tilespmem:s26], [sflag:$0x1], $0x80, $0x38;
	[tilespmem:$0x191A0] =	vst v63  }
0x1c5: {  	s7 =	sadd.s32 $0x145E8, s20;
	s23 =	sadd.s32 $0x50, s3  }
0x1c6: {  	[hbm4b:s23+s2] =	stream.linear.scatter [tilespmem:s7], [sflag:$0x1], $0x80, $0x38;
	[tilespmem:$0x191A0] =	vst v63  }
0x1c7: {  	s24 =	sadd.s32 $0x149F0, s20;
	s26 =	sadd.s32 $0x60, s3  }
0x1c8: {  	[hbm4b:s26+s2] =	stream.linear.scatter [tilespmem:s24], [sflag:$0x1], $0x80, $0x38;
	[tilespmem:$0x191A0] =	vst v63  }
0x1c9: {  	s6 =	sor.u32 s13, s22;
	s28 =	sadd.s32 $0x14DF8, s20;
	s3 =	sadd.s32 $0x70, s3  }
0x1ca: {  	[hbm4b:s3+s2] =	stream.linear.scatter [tilespmem:s28], [sflag:$0x1], $0x80, $0x38;
	[tilespmem:$0x191A0] =	vst v63  }
0x1cb: {  	s3 =	sshrl.u32 s6, $0x3  }
0x1cc: {  	s7 =	sadd.s32 $0x13240, s20;
	s3 =	sadd.s32 s1, s3  }
0x1cd: {  	[hbm4b:s3+s2] =	stream.linear.scatter [tilespmem:s7], [sflag:$0x1], $0x80, $0x38;
	[tilespmem:$0x191A0] =	vst v63  }
0x1ce: {  	s23 =	sadd.s32 $0x13648, s20;
	s24 =	sadd.s32 $0x10, s3  }
0x1cf: {  	[hbm4b:s24+s2] =	stream.linear.scatter [tilespmem:s23], [sflag:$0x1], $0x80, $0x38;
	[tilespmem:$0x191A0] =	vst v63  }
0x1d0: {  	s26 =	sadd.s32 $0x13A50, s20;
	s28 =	sadd.s32 $0x20, s3  }
0x1d1: {  	[hbm4b:s28+s2] =	stream.linear.scatter [tilespmem:s26], [sflag:$0x1], $0x80, $0x38;
	[tilespmem:$0x191A0] =	vst v63  }
0x1d2: {  	s23 =	sadd.s32 $0x13E58, s20;
	s24 =	sadd.s32 $0x30, s3  }
0x1d3: {  	[hbm4b:s24+s2] =	stream.linear.scatter [tilespmem:s23], [sflag:$0x1], $0x80, $0x38;
	[tilespmem:$0x191A0] =	vst v63  }
0x1d4: {  	s26 =	sadd.s32 $0x14260, s20;
	s28 =	sadd.s32 $0x40, s3  }
0x1d5: {  	[hbm4b:s28+s2] =	stream.linear.scatter [tilespmem:s26], [sflag:$0x1], $0x80, $0x38;
	[tilespmem:$0x191A0] =	vst v63  }
0x1d6: {  	s7 =	sadd.s32 $0x14668, s20;
	s23 =	sadd.s32 $0x50, s3  }
0x1d7: {  	[hbm4b:s23+s2] =	stream.linear.scatter [tilespmem:s7], [sflag:$0x1], $0x80, $0x38;
	[tilespmem:$0x191A0] =	vst v63  }
0x1d8: {  	s24 =	sadd.s32 $0x14A70, s20;
	s26 =	sadd.s32 $0x60, s3  }
0x1d9: {  	[hbm4b:s26+s2] =	stream.linear.scatter [tilespmem:s24], [sflag:$0x1], $0x80, $0x38;
	[tilespmem:$0x191A0] =	vst v63  }
0x1da: {  	s6 =	sor.u32 s14, s22;
	s28 =	sadd.s32 $0x14E78, s20;
	s3 =	sadd.s32 $0x70, s3  }
0x1db: {  	[hbm4b:s3+s2] =	stream.linear.scatter [tilespmem:s28], [sflag:$0x1], $0x80, $0x38;
	[tilespmem:$0x191A0] =	vst v63  }
0x1dc: {  	s3 =	sshrl.u32 s6, $0x3  }
0x1dd: {  	s7 =	sadd.s32 $0x132C0, s20;
	s3 =	sadd.s32 s1, s3  }
0x1de: {  	[hbm4b:s3+s2] =	stream.linear.scatter [tilespmem:s7], [sflag:$0x1], $0x80, $0x38;
	[tilespmem:$0x191A0] =	vst v63  }
0x1df: {  	s23 =	sadd.s32 $0x136C8, s20;
	s24 =	sadd.s32 $0x10, s3  }
0x1e0: {  	[hbm4b:s24+s2] =	stream.linear.scatter [tilespmem:s23], [sflag:$0x1], $0x80, $0x38;
	[tilespmem:$0x191A0] =	vst v63  }
0x1e1: {  	s26 =	sadd.s32 $0x13AD0, s20;
	s28 =	sadd.s32 $0x20, s3  }
0x1e2: {  	[hbm4b:s28+s2] =	stream.linear.scatter [tilespmem:s26], [sflag:$0x1], $0x80, $0x38;
	[tilespmem:$0x191A0] =	vst v63  }
0x1e3: {  	s23 =	sadd.s32 $0x13ED8, s20;
	s24 =	sadd.s32 $0x30, s3  }
0x1e4: {  	[hbm4b:s24+s2] =	stream.linear.scatter [tilespmem:s23], [sflag:$0x1], $0x80, $0x38;
	[tilespmem:$0x191A0] =	vst v63  }
0x1e5: {  	s26 =	sadd.s32 $0x142E0, s20;
	s28 =	sadd.s32 $0x40, s3  }
0x1e6: {  	[hbm4b:s28+s2] =	stream.linear.scatter [tilespmem:s26], [sflag:$0x1], $0x80, $0x38;
	[tilespmem:$0x191A0] =	vst v63  }
0x1e7: {  	s7 =	sadd.s32 $0x146E8, s20;
	s23 =	sadd.s32 $0x50, s3  }
0x1e8: {  	[hbm4b:s23+s2] =	stream.linear.scatter [tilespmem:s7], [sflag:$0x1], $0x80, $0x38;
	[tilespmem:$0x191A0] =	vst v63  }
0x1e9: {  	s24 =	sadd.s32 $0x14AF0, s20;
	s26 =	sadd.s32 $0x60, s3  }
0x1ea: {  	[hbm4b:s26+s2] =	stream.linear.scatter [tilespmem:s24], [sflag:$0x1], $0x80, $0x38;
	[tilespmem:$0x191A0] =	vst v63  }
0x1eb: {  	s6 =	sor.u32 s15, s22;
	s28 =	sadd.s32 $0x14EF8, s20;
	s3 =	sadd.s32 $0x70, s3  }
0x1ec: {  	[hbm4b:s3+s2] =	stream.linear.scatter [tilespmem:s28], [sflag:$0x1], $0x80, $0x38;
	[tilespmem:$0x191A0] =	vst v63  }
0x1ed: {  	s3 =	sshrl.u32 s6, $0x3  }
0x1ee: {  	s7 =	sadd.s32 $0x13340, s20;
	s3 =	sadd.s32 s1, s3  }
0x1ef: {  	[hbm4b:s3+s2] =	stream.linear.scatter [tilespmem:s7], [sflag:$0x1], $0x80, $0x38;
	[tilespmem:$0x191A0] =	vst v63  }
0x1f0: {  	s23 =	sadd.s32 $0x13748, s20;
	s24 =	sadd.s32 $0x10, s3  }
0x1f1: {  	[hbm4b:s24+s2] =	stream.linear.scatter [tilespmem:s23], [sflag:$0x1], $0x80, $0x38;
	[tilespmem:$0x191A0] =	vst v63  }
0x1f2: {  	s26 =	sadd.s32 $0x13B50, s20;
	s28 =	sadd.s32 $0x20, s3  }
0x1f3: {  	[hbm4b:s28+s2] =	stream.linear.scatter [tilespmem:s26], [sflag:$0x1], $0x80, $0x38;
	[tilespmem:$0x191A0] =	vst v63  }
0x1f4: {  	s23 =	sadd.s32 $0x13F58, s20;
	s24 =	sadd.s32 $0x30, s3  }
0x1f5: {  	[hbm4b:s24+s2] =	stream.linear.scatter [tilespmem:s23], [sflag:$0x1], $0x80, $0x38;
	[tilespmem:$0x191A0] =	vst v63  }
0x1f6: {  	s26 =	sadd.s32 $0x14360, s20;
	s28 =	sadd.s32 $0x40, s3  }
0x1f7: {  	[hbm4b:s28+s2] =	stream.linear.scatter [tilespmem:s26], [sflag:$0x1], $0x80, $0x38;
	[tilespmem:$0x191A0] =	vst v63  }
0x1f8: {  	s23 =	sadd.s32 $0x14768, s20;
	s24 =	sadd.s32 $0x50, s3  }
0x1f9: {  	[hbm4b:s24+s2] =	stream.linear.scatter [tilespmem:s23], [sflag:$0x1], $0x80, $0x38;
	[tilespmem:$0x191A0] =	vst v63  }
0x1fa: {  	s26 =	sadd.s32 $0x14B70, s20;
	s28 =	sadd.s32 $0x60, s3  }
0x1fb: {  	[hbm4b:s28+s2] =	stream.linear.scatter [tilespmem:s26], [sflag:$0x1], $0x80, $0x38;
	[tilespmem:$0x191A0] =	vst v63  }
0x1fc: {  	s7 =	sadd.s32 $0x14F78, s20;
	s3 =	sadd.s32 $0x70, s3;
	s23 =	sor.u32 s16, s22  }
0x1fd: {  	[hbm4b:s3+s2] =	stream.linear.scatter [tilespmem:s7], [sflag:$0x1], $0x80, $0x38;
	[tilespmem:$0x191A0] =	vst v63  }
0x1fe: {  	s3 =	sshrl.u32 s23, $0x3  }
0x1ff: {  	s24 =	sadd.s32 $0x133C0, s20;
	s3 =	sadd.s32 s1, s3  }
0x200: {  	[hbm4b:s3+s2] =	stream.linear.scatter [tilespmem:s24], [sflag:$0x1], $0x80, $0x38;
	[tilespmem:$0x191A0] =	vst v63  }
0x201: {  	s26 =	sadd.s32 $0x137C8, s20;
	s28 =	sadd.s32 $0x10, s3  }
0x202: {  	[hbm4b:s28+s2] =	stream.linear.scatter [tilespmem:s26], [sflag:$0x1], $0x80, $0x38;
	[tilespmem:$0x191A0] =	vst v63  }
0x203: {  	s7 =	sadd.s32 $0x13BD0, s20;
	s22 =	sadd.s32 $0x20, s3  }
0x204: {  	[hbm4b:s22+s2] =	stream.linear.scatter [tilespmem:s7], [sflag:$0x1], $0x80, $0x38;
	[tilespmem:$0x191A0] =	vst v63  }
0x205: {  	s23 =	sadd.s32 $0x13FD8, s20;
	s24 =	sadd.s32 $0x30, s3  }
0x206: {  	[hbm4b:s24+s2] =	stream.linear.scatter [tilespmem:s23], [sflag:$0x1], $0x80, $0x38;
	[tilespmem:$0x191A0] =	vst v63  }
0x207: {  	s0 =	sadd.s32 $0x1, s0;
	s26 =	sadd.s32 $0x143E0, s20;
	s28 =	sadd.s32 $0x40, s3  }
0x208: {  	[hbm4b:s28+s2] =	stream.linear.scatter [tilespmem:s26], [sflag:$0x1], $0x80, $0x38;
	[tilespmem:$0x191A0] =	vst v63  }
0x209: {  	p0 =	sne.s32 s0, $0x4;
	s22 =	sadd.s32 $0x147E8, s20;
	s23 =	sadd.s32 $0x50, s3  }
0x20a: {  	[hbm4b:s23+s2] =	stream.linear.scatter [tilespmem:s22], [sflag:$0x1], $0x80, $0x38;
	[tilespmem:$0x191A0] =	vst v63  }
.Ltmp3:
0x20b: {  	_ = 	snop;
	(pc) =	sbr.rel @p0 .LBB2_6-.Ltmp3, $4  }
0x20c: {  	s24 =	sadd.s32 $0x14BF0, s20;
	s26 =	sadd.s32 $0x60, s3  }
0x20d: {  	[hbm4b:s26+s2] =	stream.linear.scatter [tilespmem:s24], [sflag:$0x1], $0x80, $0x38;
	[tilespmem:$0x191A0] =	vst v63  }
0x20e: {  	s25 =	sadd.s32 $0x10, s25;
	s28 =	sadd.s32 $0x14FF8, s20;
	s3 =	sadd.s32 $0x70, s3  }
0x20f: {  	[hbm4b:s3+s2] =	stream.linear.scatter [tilespmem:s28], [sflag:$0x1], $0x80, $0x38;
	[tilespmem:$0x191A0] =	vst v63  }
0x210: {  	_ =	swait.ge [sflag:s29], $0x400  }
0x211: {  	[sflag:s29] =	ssyncset.done $0x0  }
0x212: {  	[sflag:s29] =	ssyncadd.s32 $0xFFFFFC00  }
0x213: {  	_ =	swait.ge [sflag:s29], $0x400  }
0x214: {  	[sflag:s29] =	ssyncset.done $0x0  }
0x215: {  	[sflag:s29] =	ssyncadd.s32 $0xFFFFFC00  }
0x216: {  	_ =	swait.ge [sflag:s29], $0x400  }
0x217: {  	[sflag:s29] =	ssyncset.done $0x0  }
0x218: {  	[sflag:s29] =	ssyncadd.s32 $0xFFFFFC00  }
0x219: {  	_ =	swait.ge [sflag:s29], $0x400  }
0x21a: {  	[sflag:s29] =	ssyncset.done $0x0  }
0x21b: {  	[sflag:s29] =	ssyncadd.s32 $0xFFFFFC00  }
0x21c: {  	_ =	swait.ge [sflag:s29], $0x400  }
0x21d: {  	[sflag:s29] =	ssyncset.done $0x0  }
0x21e: {  	[sflag:s29] =	ssyncadd.s32 $0xFFFFFC00  }
0x21f: {  	_ =	swait.ge [sflag:s29], $0x400  }
0x220: {  	[sflag:s29] =	ssyncset.done $0x0  }
0x221: {  	[sflag:s29] =	ssyncadd.s32 $0xFFFFFC00  }
0x222: {  	_ =	swait.ge [sflag:s29], $0x400  }
0x223: {  	[sflag:s29] =	ssyncset.done $0x0  }
0x224: {  	[sflag:s29] =	ssyncadd.s32 $0xFFFFFC00  }
0x225: {  	_ =	swait.ge [sflag:s29], $0x400  }
0x226: {  	[sflag:s29] =	ssyncset.done $0x0  }
0x227: {  	[sflag:s29] =	ssyncadd.s32 $0xFFFFFC00  }
0x228: {  	_ =	swait.ge [sflag:s29], $0x400  }
0x229: {  	[sflag:s29] =	ssyncset.done $0x0  }
0x22a: {  	[sflag:s29] =	ssyncadd.s32 $0xFFFFFC00  }
0x22b: {  	_ =	swait.ge [sflag:s29], $0x400  }
0x22c: {  	[sflag:s29] =	ssyncset.done $0x0  }
0x22d: {  	[sflag:s29] =	ssyncadd.s32 $0xFFFFFC00  }
0x22e: {  	_ =	swait.ge [sflag:s29], $0x400  }
0x22f: {  	[sflag:s29] =	ssyncset.done $0x0  }
0x230: {  	[sflag:s29] =	ssyncadd.s32 $0xFFFFFC00  }
0x231: {  	_ =	swait.ge [sflag:s29], $0x400  }
0x232: {  	[sflag:s29] =	ssyncset.done $0x0  }
0x233: {  	[sflag:s29] =	ssyncadd.s32 $0xFFFFFC00  }
0x234: {  	_ =	swait.ge [sflag:s29], $0x400  }
0x235: {  	[sflag:s29] =	ssyncset.done $0x0  }
0x236: {  	[sflag:s29] =	ssyncadd.s32 $0xFFFFFC00  }
0x237: {  	_ =	swait.ge [sflag:s29], $0x400  }
0x238: {  	[sflag:s29] =	ssyncset.done $0x0  }
0x239: {  	[sflag:s29] =	ssyncadd.s32 $0xFFFFFC00  }
0x23a: {  	_ =	swait.ge [sflag:s29], $0x400  }
0x23b: {  	[sflag:s29] =	ssyncset.done $0x0  }
0x23c: {  	[sflag:s29] =	ssyncadd.s32 $0xFFFFFC00  }
0x23d: {  	_ =	swait.ge [sflag:s29], $0x400  }
0x23e: {  	[sflag:s29] =	ssyncset.done $0x0  }
0x23f: {  	[sflag:s29] =	ssyncadd.s32 $0xFFFFFC00  }
0x240: {  	_ =	swait.ge [sflag:s29], $0x400  }
0x241: {  	[sflag:s29] =	ssyncset.done $0x0  }
0x242: {  	[sflag:s29] =	ssyncadd.s32 $0xFFFFFC00  }
0x243: {  	_ =	swait.ge [sflag:s29], $0x400  }
0x244: {  	[sflag:s29] =	ssyncset.done $0x0  }
0x245: {  	[sflag:s29] =	ssyncadd.s32 $0xFFFFFC00  }
0x246: {  	_ =	swait.ge [sflag:s29], $0x400  }
0x247: {  	[sflag:s29] =	ssyncset.done $0x0  }
0x248: {  	[sflag:s29] =	ssyncadd.s32 $0xFFFFFC00  }
0x249: {  	_ =	swait.ge [sflag:s29], $0x400  }
0x24a: {  	[sflag:s29] =	ssyncset.done $0x0  }
0x24b: {  	[sflag:s29] =	ssyncadd.s32 $0xFFFFFC00  }
0x24c: {  	_ =	swait.ge [sflag:s29], $0x400  }
0x24d: {  	[sflag:s29] =	ssyncset.done $0x0  }
0x24e: {  	[sflag:s29] =	ssyncadd.s32 $0xFFFFFC00  }
0x24f: {  	_ =	swait.ge [sflag:s29], $0x400  }
0x250: {  	[sflag:s29] =	ssyncset.done $0x0  }
0x251: {  	[sflag:s29] =	ssyncadd.s32 $0xFFFFFC00  }
0x252: {  	_ =	swait.ge [sflag:s29], $0x400  }
0x253: {  	[sflag:s29] =	ssyncset.done $0x0  }
0x254: {  	[sflag:s29] =	ssyncadd.s32 $0xFFFFFC00  }
0x255: {  	_ =	swait.ge [sflag:s29], $0x400  }
0x256: {  	[sflag:s29] =	ssyncset.done $0x0  }
0x257: {  	[sflag:s29] =	ssyncadd.s32 $0xFFFFFC00  }
0x258: {  	_ =	swait.ge [sflag:s29], $0x400  }
0x259: {  	[sflag:s29] =	ssyncset.done $0x0  }
0x25a: {  	[sflag:s29] =	ssyncadd.s32 $0xFFFFFC00  }
0x25b: {  	_ =	swait.ge [sflag:s29], $0x400  }
0x25c: {  	[sflag:s29] =	ssyncset.done $0x0  }
0x25d: {  	[sflag:s29] =	ssyncadd.s32 $0xFFFFFC00  }
0x25e: {  	_ =	swait.ge [sflag:s29], $0x400  }
0x25f: {  	[sflag:s29] =	ssyncset.done $0x0  }
0x260: {  	[sflag:s29] =	ssyncadd.s32 $0xFFFFFC00  }
0x261: {  	_ =	swait.ge [sflag:s29], $0x400  }
0x262: {  	[sflag:s29] =	ssyncset.done $0x0  }
0x263: {  	[sflag:s29] =	ssyncadd.s32 $0xFFFFFC00  }
0x264: {  	_ =	swait.ge [sflag:s29], $0x400  }
0x265: {  	[sflag:s29] =	ssyncset.done $0x0  }
0x266: {  	[sflag:s29] =	ssyncadd.s32 $0xFFFFFC00  }
0x267: {  	_ =	swait.ge [sflag:s29], $0x400  }
0x268: {  	[sflag:s29] =	ssyncset.done $0x0  }
0x269: {  	s31 =	sadd.s32 $0x1, s31;
	[sflag:s29] =	ssyncadd.s32 $0xFFFFFC00  }
0x26a: {  	p0 =	sne.s32 s31, s18;
	_ =	swait.ge [sflag:s29], $0x400  }
.Ltmp4:
0x26b: {  	[sflag:s29] =	ssyncset.done $0x0;
	(pc) =	sbr.rel @p0 .LBB2_1-.Ltmp4, $4  }
0x26c: {  	[sflag:s29] =	ssyncadd.s32 $0xFFFFFC00  }
0x26d: {  	_ =	swait.ge [sflag:s29], $0x400  }
0x26e: {  	[sflag:s29] =	ssyncset.done $0x0  }
0x26f: {  	[sflag:s29] =	ssyncadd.s32 $0xFFFFFC00  }
0x270: {  	_ =	sfence.sel $0x180000  }
0x271: {  	[bflag:$0x0] =	sbarrier.arrive $0xFFFF  }
0x272: {  	_ =	strace $0x90000047  }
0x273: {  	s0 =	stileid.u32;
	[bflag:$0x2] =	sbarrier.arrive $0xFFFF  }
0x274: {  	p0 =	sne.s32 s0, $0x0;
	s0 =	rddreg [dreg:$0x4]  }
0x275: {  	s0 =	sadd.s32 @!p0 $0x100000, s0  }
0x276: {  	[sflag:s0] =	ssyncadd.tile.s32 @!p0 $0x1;
	_ =	shalt  }
.Lfunc_end2:
_tile_overlayer_lowered:
.L_overlay_start_2:
0x277: {  	(tag) =	ssettag $0x2  }
0x278: {  	s0 =	rddreg [dreg:$0x0];
	s2 =	stileid.u32  }
0x279: {  	s1 =	rddreg [dreg:$0x1];
	p0 =	sne.s32 s2, $0x0  }
0x27a: {  	s3 =	rddreg [dreg:$0x2];
	[bflag:$0x3] =	sbarrier.arrive $0xFFFF;
	s2 =	simm.s32 @!p0 $0x1C02  }
0x27b: {  	[timem:s3], [sflag:s2] =	dma.local @!p0 [hbm:s0], s1  }
0x27c: {  	s0 =	simm.s32 @!p0 $0x2  }
0x27d: {  	_ =	swait.ge @!p0 [sflag:s0], s1  }
0x27e: {  	s1 =	ssub.s32 @!p0 $0x0, s1;
	[sflag:s0] =	ssyncset.done @!p0 $0x0  }
0x27f: {  	[sflag:s0] =	ssyncadd.s32 @!p0 s1  }
0x280: {  	[bflag:$0x3] =	sbarrier.arrive $0xFFFF  }
0x281: {  	_ =	shalt  }

</sc_bundles>
